<compile_context>
chip_gen: v7x
topology: tpu7x:2x2x1
jax: 0.10.2.dev20260603
libtpu: 0.0.44.dev20260713+nightly
codegen_flags: <defaults>
</compile_context>

<pallas_src>
import functools

import jax
import jax.numpy as jnp
from jax import lax
from jax.experimental import pallas as pl
from jax.experimental.pallas import tpu as pltpu
from jax.experimental.pallas import tpu_sc as plsc

N = 10000
E = 320000
F = 128
N_RBF = 100
GAMMA = 10.0
STEP = 0.1
LN2 = 0.6931471805599453

NC = 2
NS = 16
NW = NC * NS
EW = E // NW
K = 80
C = EW // K

NPH = 5120
TRASH = 8
PPT = NPH // NS

BE = 2560
NB = E // BE
NMU = 104


@functools.lru_cache(maxsize=None)
def _mesh():
    return plsc.VectorSubcoreMesh(
        core_axis_name="c", subcore_axis_name="s",
        num_cores=NC, num_subcores=NS,
    )


def _ssp(t):
    return jnp.logaddexp(t, 0.0) - LN2


def _mm1_body(x_ref, w_ref, b_ref, o_ref):
    o_ref[...] = (
        jnp.dot(x_ref[...], w_ref[...], preferred_element_type=jnp.float32)
        + b_ref[...]
    )


@functools.lru_cache(maxsize=None)
def _sc_d2_kernel():
    return functools.partial(
        pl.kernel,
        out_type=jax.ShapeDtypeStruct((E,), jnp.float32),
        mesh=_mesh(),
        compiler_params=pltpu.CompilerParams(needs_layout_passes=False),
        scratch_types=[
            pltpu.VMEM((N,), jnp.float32),
            pltpu.VMEM((N,), jnp.float32),
            pltpu.VMEM((N,), jnp.float32),
            pltpu.VMEM((EW,), jnp.int32),
            pltpu.VMEM((EW,), jnp.int32),
            pltpu.VMEM((EW,), jnp.float32),
        ],
    )(_sc_d2)


def _sc_d2(px_hbm, py_hbm, pz_hbm, src_hbm, dst_hbm, d2_hbm,
           px_v, py_v, pz_v, src_v, dst_v, d2_v):
    cid = lax.axis_index("c")
    sid = lax.axis_index("s")
    wid = sid * NC + cid
    base = wid * EW
    pltpu.sync_copy(px_hbm, px_v)
    pltpu.sync_copy(py_hbm, py_v)
    pltpu.sync_copy(pz_hbm, pz_v)
    pltpu.sync_copy(src_hbm.at[pl.ds(base, EW)], src_v)
    pltpu.sync_copy(dst_hbm.at[pl.ds(base, EW)], dst_v)

    def body(i, carry):
        off = i * 16
        s16 = src_v[pl.ds(off, 16)]
        t16 = dst_v[pl.ds(off, 16)]
        ax = plsc.load_gather(px_v, [s16]) - plsc.load_gather(px_v, [t16])
        ay = plsc.load_gather(py_v, [s16]) - plsc.load_gather(py_v, [t16])
        az = plsc.load_gather(pz_v, [s16]) - plsc.load_gather(pz_v, [t16])
        d2_v[pl.ds(off, 16)] = ax * ax + ay * ay + az * az + 1e-12
        return carry

    lax.fori_loop(0, EW // 16, body, 0)
    pltpu.sync_copy(d2_v, d2_hbm.at[pl.ds(base, EW)])


def _filter_body(d2_ref, wf1t_ref, bf1_ref, wf2_ref, bf2_ref, o_ref):
    d = jnp.sqrt(d2_ref[0])
    mu = lax.broadcasted_iota(jnp.int32, (NMU, 1), 0).astype(jnp.float32) * STEP
    diff = d - mu
    rbft = jnp.exp(diff * diff * (-GAMMA))
    h = _ssp(
        jnp.dot(wf1t_ref[...], rbft, preferred_element_type=jnp.float32)
        + bf1_ref[...]
    )
    w = lax.dot_general(
        h, wf2_ref[...], (((0,), (0,)), ((), ())),
        preferred_element_type=jnp.float32,
    )
    o_ref[...] = w + bf2_ref[...]


@functools.lru_cache(maxsize=None)
def _sc_gms_kernel():
    return functools.partial(
        pl.kernel,
        out_type=[
            jax.ShapeDtypeStruct((NC, N, F), jnp.float32),
            jax.ShapeDtypeStruct((NW, EW, F), jnp.float32),
        ],
        mesh=_mesh(),
        compiler_params=pltpu.CompilerParams(needs_layout_passes=False),
        scratch_types=[
            pltpu.VMEM((EW,), jnp.int32),
            pltpu.VMEM((EW,), jnp.int32),
            pltpu.VMEM((2, K), jnp.int32),
            pltpu.VMEM((K, F), jnp.float32),
            pltpu.VMEM((K, F), jnp.float32),
            pltpu.VMEM((K, F), jnp.float32),
            pltpu.VMEM((K, F), jnp.float32),
            pltpu.VMEM_SHARED((NPH + TRASH, F), jnp.float32),
            pltpu.SemaphoreType.DMA,
            pltpu.SemaphoreType.DMA,
            pltpu.SemaphoreType.DMA,
            pltpu.SemaphoreType.DMA,
            pltpu.SemaphoreType.DMA,
            pltpu.SemaphoreType.DMA,
        ],
    )(_sc_gms)


def _sc_gms(m_hbm, w_hbm, edges_hbm, vp_hbm, spill_hbm,
            src_v, dst_v, ixs_v, rows_0, rows_1, w_0, w_1, vacc,
            gsem_0, gsem_1, wsem_0, wsem_1, psem_0, psem_1):
    cid = lax.axis_index("c")
    sid = lax.axis_index("s")
    wid = sid * NC + cid
    pltpu.sync_copy(edges_hbm.at[0, wid], src_v)
    pltpu.sync_copy(edges_hbm.at[1, wid], dst_v)
    gbase = wid * EW

    rows_b = (rows_0, rows_1)
    w_b = (w_0, w_1)
    gsem_b = (gsem_0, gsem_1)
    wsem_b = (wsem_0, wsem_1)
    psem_b = (psem_0, psem_1)

    def _zero_acc():
        def zrow(r, carry):
            for cc in range(F // 16):
                rows_0[r, pl.ds(cc * 16, 16)] = jnp.zeros((16,), jnp.float32)
            return carry

        lax.fori_loop(0, K, zrow, 0)

        def zcopy(t, carry):
            pltpu.sync_copy(rows_0.at[pl.ds(0, 40)],
                            vacc.at[pl.ds(sid * PPT + t * 40, 40)])
            return carry

        lax.fori_loop(0, PPT // 40, zcopy, 0)

        @pl.when(sid == NS - 1)
        def _zero_trash():
            pltpu.sync_copy(rows_0.at[pl.ds(0, TRASH)],
                            vacc.at[pl.ds(NPH, TRASH)])

    def _ixcalc(j, b, base):
        for g in range(K // 16):
            sl = pl.ds(g * 16, 16)
            rel = dst_v[pl.ds(j * K + g * 16, 16)] - base
            inr = jnp.logical_and(rel >= 0, rel < NPH)
            low = jnp.bitwise_and(rel, TRASH - 1)
            ixs_v[b, sl] = jnp.where(inr, rel, NPH + low)

    def _dump(base, nph_real):
        full_tiles = nph_real // PPT
        rem = nph_real - full_tiles * PPT

        @pl.when(sid < full_tiles)
        def _dump_full():
            pltpu.sync_copy(vacc.at[pl.ds(sid * PPT, PPT)],
                            vp_hbm.at[cid, pl.ds(base + sid * PPT, PPT)])

        if rem:
            @pl.when(sid == full_tiles)
            def _dump_rem():
                pltpu.sync_copy(
                    vacc.at[pl.ds(full_tiles * PPT, rem)],
                    vp_hbm.at[cid, pl.ds(base + full_tiles * PPT, rem)])

    def _spill_desc(j, b):
        return pltpu.make_async_copy(
            rows_b[b], spill_hbm.at[wid, pl.ds(j * K, K)], psem_b[b])

    def _gather_desc(j, b):
        return pltpu.make_async_copy(
            m_hbm.at[src_v.at[pl.ds(j * K, K)]], rows_b[b], gsem_b[b])

    def _w_desc(j, b):
        return pltpu.make_async_copy(
            w_hbm.at[pl.ds(gbase + j * K, K)], w_b[b], wsem_b[b])

    def _start1(j, b):
        _gather_desc(j, b).start()
        _w_desc(j, b).start()

    def _process1(j, b):
        _ixcalc(j, b, 0)
        _gather_desc(j, b).wait()
        _w_desc(j, b).wait()

        def mul(r, c2):
            for cc in range(F // 16):
                sl = pl.ds(cc * 16, 16)
                rows_b[b][r, sl] = rows_b[b][r, sl] * w_b[b][r, sl]
            return c2

        lax.fori_loop(0, K, mul, 0)
        _spill_desc(j, b).start()
        pltpu.sync_copy(rows_b[b], vacc.at[ixs_v.at[b]], add=True)

    _zero_acc()
    plsc.subcore_barrier()

    _start1(0, 0)
    _start1(1, 1)

    def pair1(jj, carry):
        j0 = jj * 2
        _process1(j0, 0)
        _spill_desc(j0, 0).wait()
        _start1(j0 + 2, 0)
        _process1(j0 + 1, 1)

        @pl.when(jj < C // 2 - 1)
        def _next():
            _spill_desc(j0 + 1, 1).wait()
            _start1(j0 + 3, 1)

        return carry

    lax.fori_loop(0, C // 2, pair1, 0)
    _process1(C - 1, 0)
    _spill_desc(C - 2, 1).wait()
    _spill_desc(C - 1, 0).wait()
    plsc.subcore_barrier()
    _dump(0, NPH)
    plsc.subcore_barrier()

    def _rd_desc(j, b):
        return pltpu.make_async_copy(
            spill_hbm.at[wid, pl.ds(j * K, K)], rows_b[b], gsem_b[b])

    def _process2(j, b):
        _ixcalc(j, b, NPH)
        _rd_desc(j, b).wait()
        pltpu.sync_copy(rows_b[b], vacc.at[ixs_v.at[b]], add=True)

    _zero_acc()
    plsc.subcore_barrier()
    _rd_desc(0, 0).start()
    _rd_desc(1, 1).start()

    def pair2(jj, carry):
        j0 = jj * 2
        _process2(j0, 0)
        _rd_desc(j0 + 2, 0).start()
        _process2(j0 + 1, 1)

        @pl.when(jj < C // 2 - 1)
        def _next():
            _rd_desc(j0 + 3, 1).start()

        return carry

    lax.fori_loop(0, C // 2, pair2, 0)
    _process2(C - 1, 0)
    plsc.subcore_barrier()
    _dump(NPH, N - NPH)
    plsc.subcore_barrier()


def _out_body(x_ref, vp_ref, w2_ref, b2_ref, w3_ref, b3_ref, o_ref):
    v = vp_ref[0] + vp_ref[1]
    t = _ssp(
        jnp.dot(v, w2_ref[...], preferred_element_type=jnp.float32)
        + b2_ref[...]
    )
    o_ref[...] = (
        x_ref[...]
        + jnp.dot(t, w3_ref[...], preferred_element_type=jnp.float32)
        + b3_ref[...]
    )


def kernel(x, edge_index, z, position, W1, b1, Wf1, bf1, Wf2, bf2, W2, b2, W3, b3):
    del z
    src = edge_index[0]
    dst = edge_index[1]
    px = position[:, 0]
    py = position[:, 1]
    pz = position[:, 2]

    m = pl.pallas_call(
        _mm1_body,
        out_shape=jax.ShapeDtypeStruct((N, F), jnp.float32),
    )(x, W1, b1.reshape(1, F))

    d2 = _sc_d2_kernel()(px, py, pz, src, dst)

    wf1t = jnp.zeros((F, NMU), jnp.float32).at[:, :N_RBF].set(Wf1.T)
    w = pl.pallas_call(
        _filter_body,
        grid=(NB,),
        in_specs=[
            pl.BlockSpec((1, 1, BE), lambda i: (i, 0, 0)),
            pl.BlockSpec((F, NMU), lambda i: (0, 0)),
            pl.BlockSpec((F, 1), lambda i: (0, 0)),
            pl.BlockSpec((F, F), lambda i: (0, 0)),
            pl.BlockSpec((1, F), lambda i: (0, 0)),
        ],
        out_specs=pl.BlockSpec((BE, F), lambda i: (i, 0)),
        out_shape=jax.ShapeDtypeStruct((E, F), jnp.float32),
    )(d2.reshape(NB, 1, BE), wf1t, bf1.reshape(F, 1), Wf2, bf2.reshape(1, F))

    edges = edge_index.reshape(2, NW, EW)
    vp, _spill = _sc_gms_kernel()(m, w, edges)

    out = pl.pallas_call(
        _out_body,
        out_shape=jax.ShapeDtypeStruct((N, F), jnp.float32),
    )(x, vp, W2, b2.reshape(1, F), W3, b3.reshape(1, F))
    return out

# --- scband reference (transcript-rebuilt; emitter-appended) ---
"""Pipeline reference for scband-interaction-1829656068124 (READ-ONLY COPY).

The authoritative reference and input builder live on the scoring server;
editing this copy changes nothing except your own understanding.
"""

import jax, jax.numpy as jnp
import numpy as np

N = 10000
E = 320000
F = 128
U_MAX = 10.0
GAMMA = 10.0
STEP = 0.1
N_RBF = int(U_MAX / STEP)  # 100
LN2 = float(np.log(2.0))


def ssp(x):
    # shifted softplus: softplus(x) - ln(2)
    return jnp.logaddexp(x, 0.0) - LN2


def setup_inputs(seed: int = 0) -> dict:
    key = jax.random.key(seed)
    ks = jax.random.split(key, 16)
    s = 1.0 / np.sqrt(F)
    sr = 1.0 / np.sqrt(N_RBF)
    inp = {}
    inp['x'] = jax.random.normal(ks[0], (N, F), dtype=jnp.float32)
    inp['edge_index'] = jax.random.randint(ks[1], (2, E), 0, N, dtype=jnp.int32)
    inp['z'] = jax.random.randint(ks[2], (N,), 0, 100, dtype=jnp.int32)
    inp['position'] = jax.random.normal(ks[3], (N, 3), dtype=jnp.float32)
    # lin_1
    inp['W1'] = jax.random.uniform(ks[4], (F, F), jnp.float32, -s, s)
    inp['b1'] = jax.random.uniform(ks[5], (F,), jnp.float32, -s, s)
    # cfconv filter network (RBF -> F -> F)
    inp['Wf1'] = jax.random.uniform(ks[6], (N_RBF, F), jnp.float32, -sr, sr)
    inp['bf1'] = jax.random.uniform(ks[7], (F,), jnp.float32, -sr, sr)
    inp['Wf2'] = jax.random.uniform(ks[8], (F, F), jnp.float32, -s, s)
    inp['bf2'] = jax.random.uniform(ks[9], (F,), jnp.float32, -s, s)
    # output mlp
    inp['W2'] = jax.random.uniform(ks[10], (F, F), jnp.float32, -s, s)
    inp['b2'] = jax.random.uniform(ks[11], (F,), jnp.float32, -s, s)
    inp['W3'] = jax.random.uniform(ks[12], (F, F), jnp.float32, -s, s)
    inp['b3'] = jax.random.uniform(ks[13], (F,), jnp.float32, -s, s)
    return inp


def reference(x, edge_index, z, position, W1, b1, Wf1, bf1, Wf2, bf2, W2, b2, W3, b3):
    # m = lin_1(x)
    m = x @ W1 + b1
    # CFConv: continuous-filter convolution over edges
    src = edge_index[0]
    dst = edge_index[1]
    diff = position[src] - position[dst]
    d = jnp.sqrt(jnp.sum(diff * diff, axis=1) + 1e-12)  # [E]
    mu = jnp.arange(N_RBF, dtype=jnp.float32) * STEP    # centers 0..u_max
    rbf = jnp.exp(-GAMMA * (d[:, None] - mu[None, :]) ** 2)  # [E, N_RBF]
    w = ssp(rbf @ Wf1 + bf1) @ Wf2 + bf2                # [E, F]
    msg = m[src] * w                                    # gather + elementwise filter
    v = jax.ops.segment_sum(msg, dst, num_segments=N)   # scatter-add aggregation
    # mlp(v)
    v = ssp(v @ W2 + b2) @ W3 + b3
    # residual
    return x + v

if __name__ == "__main__":
    import jax
    _d = setup_inputs()
    print(jax.jit(kernel)(*tuple(_d.values())))

</pallas_src>

<mosaic_0001>
#map = affine_map<(d0, d1) -> (0)>
module attributes {stable_mosaic.version = 14 : i64} {
  func.func @_sc_d2(%arg0: i32, %arg1: i32, %arg2: memref<10000xf32, #tpu.memory_space<hbm>>, %arg3: memref<10000xf32, #tpu.memory_space<hbm>>, %arg4: memref<10000xf32, #tpu.memory_space<hbm>>, %arg5: memref<320000xi32, #tpu.memory_space<hbm>>, %arg6: memref<320000xi32, #tpu.memory_space<hbm>>, %arg7: memref<320000xf32, #tpu.memory_space<hbm>>, %arg8: memref<10000xf32, #tpu.memory_space<vmem>>, %arg9: memref<10000xf32, #tpu.memory_space<vmem>>, %arg10: memref<10000xf32, #tpu.memory_space<vmem>>, %arg11: memref<10000xi32, #tpu.memory_space<vmem>>, %arg12: memref<10000xi32, #tpu.memory_space<vmem>>, %arg13: memref<10000xf32, #tpu.memory_space<vmem>>) attributes {dimension_semantics = [#tpu.dimension_semantics<core_parallel>, #tpu.dimension_semantics<subcore_parallel>], iteration_bounds = array<i64: 2, 16>, scalar_prefetch = 0 : i64, scratch_operands = 6 : i64, tpu.core_type = #tpu.core_type<sc_vector_subcore>, window_params = [{transform_indices = #map}, {transform_indices = #map}, {transform_indices = #map}, {transform_indices = #map}, {transform_indices = #map}, {transform_indices = #map}]} {
    %mul3A = arith.constant 2 : i32
    %mul3A_0 = arith.muli %arg1, %mul3A : i32
    %add3A = arith.addi %mul3A_0, %arg0 : i32
    %mul3A_1 = arith.constant 10000 : i32
    %mul3A_2 = arith.muli %add3A, %mul3A_1 : i32
    "tpu.region"() ({
      %run_scoped3A = tpu.sem_alloc : memref<!tpu.dma_semaphore, #tpu.memory_space<semaphore_mem>>
      tpu.enqueue_dma source(%arg2 : memref<10000xf32, #tpu.memory_space<hbm>>) target(%arg8 : memref<10000xf32, #tpu.memory_space<vmem>>) target_semaphore(%run_scoped3A : memref<!tpu.dma_semaphore, #tpu.memory_space<semaphore_mem>>)
      tpu.wait_dma2 semaphore(%run_scoped3A : memref<!tpu.dma_semaphore, #tpu.memory_space<semaphore_mem>>) src(%arg2 : memref<10000xf32, #tpu.memory_space<hbm>>) dst(%arg8 : memref<10000xf32, #tpu.memory_space<vmem>>)
      tpu.yield
    }) : () -> ()
    "tpu.region"() ({
      %run_scoped3A = tpu.sem_alloc : memref<!tpu.dma_semaphore, #tpu.memory_space<semaphore_mem>>
      tpu.enqueue_dma source(%arg3 : memref<10000xf32, #tpu.memory_space<hbm>>) target(%arg9 : memref<10000xf32, #tpu.memory_space<vmem>>) target_semaphore(%run_scoped3A : memref<!tpu.dma_semaphore, #tpu.memory_space<semaphore_mem>>)
      tpu.wait_dma2 semaphore(%run_scoped3A : memref<!tpu.dma_semaphore, #tpu.memory_space<semaphore_mem>>) src(%arg3 : memref<10000xf32, #tpu.memory_space<hbm>>) dst(%arg9 : memref<10000xf32, #tpu.memory_space<vmem>>)
      tpu.yield
    }) : () -> ()
    "tpu.region"() ({
      %run_scoped3A = tpu.sem_alloc : memref<!tpu.dma_semaphore, #tpu.memory_space<semaphore_mem>>
      tpu.enqueue_dma source(%arg4 : memref<10000xf32, #tpu.memory_space<hbm>>) target(%arg10 : memref<10000xf32, #tpu.memory_space<vmem>>) target_semaphore(%run_scoped3A : memref<!tpu.dma_semaphore, #tpu.memory_space<semaphore_mem>>)
      tpu.wait_dma2 semaphore(%run_scoped3A : memref<!tpu.dma_semaphore, #tpu.memory_space<semaphore_mem>>) src(%arg4 : memref<10000xf32, #tpu.memory_space<hbm>>) dst(%arg10 : memref<10000xf32, #tpu.memory_space<vmem>>)
      tpu.yield
    }) : () -> ()
    "tpu.region"() ({
      %run_scoped3A = tpu.sem_alloc : memref<!tpu.dma_semaphore, #tpu.memory_space<semaphore_mem>>
      %dma_start3A = tpu.memref_slice %arg5[%mul3A_2] : memref<320000xi32, #tpu.memory_space<hbm>> -> memref<10000xi32, #tpu.memory_space<hbm>>
      %dma_start3A_8 = tpu.memref_slice %arg5[%mul3A_2] : memref<320000xi32, #tpu.memory_space<hbm>> -> memref<10000xi32, #tpu.memory_space<hbm>>
      tpu.enqueue_dma source(%dma_start3A_8 : memref<10000xi32, #tpu.memory_space<hbm>>) target(%arg11 : memref<10000xi32, #tpu.memory_space<vmem>>) target_semaphore(%run_scoped3A : memref<!tpu.dma_semaphore, #tpu.memory_space<semaphore_mem>>)
      %dma_wait3A = tpu.memref_slice %arg5[%mul3A_2] : memref<320000xi32, #tpu.memory_space<hbm>> -> memref<10000xi32, #tpu.memory_space<hbm>>
      %dma_wait3A_9 = tpu.memref_slice %arg5[%mul3A_2] : memref<320000xi32, #tpu.memory_space<hbm>> -> memref<10000xi32, #tpu.memory_space<hbm>>
      tpu.wait_dma2 semaphore(%run_scoped3A : memref<!tpu.dma_semaphore, #tpu.memory_space<semaphore_mem>>) src(%dma_wait3A_9 : memref<10000xi32, #tpu.memory_space<hbm>>) dst(%arg11 : memref<10000xi32, #tpu.memory_space<vmem>>)
      tpu.yield
    }) : () -> ()
    "tpu.region"() ({
      %run_scoped3A = tpu.sem_alloc : memref<!tpu.dma_semaphore, #tpu.memory_space<semaphore_mem>>
      %dma_start3A = tpu.memref_slice %arg6[%mul3A_2] : memref<320000xi32, #tpu.memory_space<hbm>> -> memref<10000xi32, #tpu.memory_space<hbm>>
      %dma_start3A_8 = tpu.memref_slice %arg6[%mul3A_2] : memref<320000xi32, #tpu.memory_space<hbm>> -> memref<10000xi32, #tpu.memory_space<hbm>>
      tpu.enqueue_dma source(%dma_start3A_8 : memref<10000xi32, #tpu.memory_space<hbm>>) target(%arg12 : memref<10000xi32, #tpu.memory_space<vmem>>) target_semaphore(%run_scoped3A : memref<!tpu.dma_semaphore, #tpu.memory_space<semaphore_mem>>)
      %dma_wait3A = tpu.memref_slice %arg6[%mul3A_2] : memref<320000xi32, #tpu.memory_space<hbm>> -> memref<10000xi32, #tpu.memory_space<hbm>>
      %dma_wait3A_9 = tpu.memref_slice %arg6[%mul3A_2] : memref<320000xi32, #tpu.memory_space<hbm>> -> memref<10000xi32, #tpu.memory_space<hbm>>
      tpu.wait_dma2 semaphore(%run_scoped3A : memref<!tpu.dma_semaphore, #tpu.memory_space<semaphore_mem>>) src(%dma_wait3A_9 : memref<10000xi32, #tpu.memory_space<hbm>>) dst(%arg12 : memref<10000xi32, #tpu.memory_space<vmem>>)
      tpu.yield
    }) : () -> ()
    %scan3A = arith.constant 0 : i32
    %scan3A_3 = arith.constant 0 : i32
    %scan3A_4 = arith.constant 625 : i32
    %scan3A_5 = arith.addi %scan3A_3, %scan3A_4 : i32
    %scan3A_6 = arith.constant 1 : i32
    scf.for %scan3A_8 = %scan3A_3 to %scan3A_5 step %scan3A_6  : i32 {
      %mul3A_9 = arith.constant 16 : i32
      %mul3A_10 = arith.muli %scan3A_8, %mul3A_9 : i32
      %get3A = arith.index_cast %mul3A_10 : i32 to index
      %get3A_11 = tpu.vector_load %arg11[%get3A] {strides = array<i32>} : memref<10000xi32, #tpu.memory_space<vmem>>, vector<16xi32>,
      %get3A_12 = arith.index_cast %mul3A_10 : i32 to index
      %get3A_13 = tpu.vector_load %arg12[%get3A_12] {strides = array<i32>} : memref<10000xi32, #tpu.memory_space<vmem>>, vector<16xi32>,
      %gather3A = tpu.vector_load_idx %arg8[%get3A_11] : memref<10000xf32, #tpu.memory_space<vmem>>[vector<16xi32>], vector<16xf32>,
      %gather3A_14 = tpu.vector_load_idx %arg8[%get3A_13] : memref<10000xf32, #tpu.memory_space<vmem>>[vector<16xi32>], vector<16xf32>,
      %sub3A = arith.subf %gather3A, %gather3A_14 : vector<16xf32>
      %gather3A_15 = tpu.vector_load_idx %arg9[%get3A_11] : memref<10000xf32, #tpu.memory_space<vmem>>[vector<16xi32>], vector<16xf32>,
      %gather3A_16 = tpu.vector_load_idx %arg9[%get3A_13] : memref<10000xf32, #tpu.memory_space<vmem>>[vector<16xi32>], vector<16xf32>,
      %sub3A_17 = arith.subf %gather3A_15, %gather3A_16 : vector<16xf32>
      %gather3A_18 = tpu.vector_load_idx %arg10[%get3A_11] : memref<10000xf32, #tpu.memory_space<vmem>>[vector<16xi32>], vector<16xf32>,
      %gather3A_19 = tpu.vector_load_idx %arg10[%get3A_13] : memref<10000xf32, #tpu.memory_space<vmem>>[vector<16xi32>], vector<16xf32>,
      %sub3A_20 = arith.subf %gather3A_18, %gather3A_19 : vector<16xf32>
      %mul3A_21 = arith.mulf %sub3A, %sub3A : vector<16xf32>
      %mul3A_22 = arith.mulf %sub3A_17, %sub3A_17 : vector<16xf32>
      %add3A_23 = arith.addf %mul3A_21, %mul3A_22 : vector<16xf32>
      %mul3A_24 = arith.mulf %sub3A_20, %sub3A_20 : vector<16xf32>
      %add3A_25 = arith.addf %add3A_23, %mul3A_24 : vector<16xf32>
      %add3A_26 = arith.constant 9.99999996E-13 : f32
      %add3A_27 = vector.broadcast %add3A_26 : f32 to vector<16xf32>
      %add3A_28 = arith.addf %add3A_25, %add3A_27 : vector<16xf32>
      %swap3A = arith.index_cast %mul3A_10 : i32 to index
      %swap3A_29 = tpu.vector_load %arg13[%swap3A] {strides = array<i32>} : memref<10000xf32, #tpu.memory_space<vmem>>, vector<16xf32>,
      tpu.vector_store %arg13[%swap3A], %add3A_28 {strides = array<i32>} : memref<10000xf32, #tpu.memory_space<vmem>>, vector<16xf32>,
    }
    %scan3A_7 = arith.constant 625 : i32
    "tpu.region"() ({
      %run_scoped3A = tpu.sem_alloc : memref<!tpu.dma_semaphore, #tpu.memory_space<semaphore_mem>>
      %dma_start3A = tpu.memref_slice %arg7[%mul3A_2] : memref<320000xf32, #tpu.memory_space<hbm>> -> memref<10000xf32, #tpu.memory_space<hbm>>
      %dma_start3A_8 = tpu.memref_slice %arg7[%mul3A_2] : memref<320000xf32, #tpu.memory_space<hbm>> -> memref<10000xf32, #tpu.memory_space<hbm>>
      tpu.enqueue_dma source(%arg13 : memref<10000xf32, #tpu.memory_space<vmem>>) target(%dma_start3A_8 : memref<10000xf32, #tpu.memory_space<hbm>>) target_semaphore(%run_scoped3A : memref<!tpu.dma_semaphore, #tpu.memory_space<semaphore_mem>>)
      %dma_wait3A = tpu.memref_slice %arg7[%mul3A_2] : memref<320000xf32, #tpu.memory_space<hbm>> -> memref<10000xf32, #tpu.memory_space<hbm>>
      %dma_wait3A_9 = tpu.memref_slice %arg7[%mul3A_2] : memref<320000xf32, #tpu.memory_space<hbm>> -> memref<10000xf32, #tpu.memory_space<hbm>>
      tpu.wait_dma2 semaphore(%run_scoped3A : memref<!tpu.dma_semaphore, #tpu.memory_space<semaphore_mem>>) src(%arg13 : memref<10000xf32, #tpu.memory_space<vmem>>) dst(%dma_wait3A_9 : memref<10000xf32, #tpu.memory_space<hbm>>)
      tpu.yield
    }) : () -> ()
    return
  }
}

#map = affine_map<(d0, d1) -> (0, 0)>
#map1 = affine_map<(d0, d1) -> (0, 0, 0)>
module attributes {stable_mosaic.version = 14 : i64} {
  func.func @_sc_gms(%arg0: i32, %arg1: i32, %arg2: memref<10000x128xf32, #tpu.memory_space<hbm>>, %arg3: memref<320000x128xf32, #tpu.memory_space<hbm>>, %arg4: memref<2x32x10000xi32, #tpu.memory_space<hbm>>, %arg5: memref<2x10000x128xf32, #tpu.memory_space<hbm>>, %arg6: memref<32x10000x128xf32, #tpu.memory_space<hbm>>, %arg7: memref<10000xi32, #tpu.memory_space<vmem>>, %arg8: memref<10000xi32, #tpu.memory_space<vmem>>, %arg9: memref<2x80xi32, #tpu.memory_space<vmem>>, %arg10: memref<80x128xf32, #tpu.memory_space<vmem>>, %arg11: memref<80x128xf32, #tpu.memory_space<vmem>>, %arg12: memref<80x128xf32, #tpu.memory_space<vmem>>, %arg13: memref<80x128xf32, #tpu.memory_space<vmem>>, %arg14: memref<5128x128xf32, #tpu.memory_space<vmem_shared>>, %arg15: memref<!tpu.dma_semaphore, #tpu.memory_space<semaphore_mem>>, %arg16: memref<!tpu.dma_semaphore, #tpu.memory_space<semaphore_mem>>, %arg17: memref<!tpu.dma_semaphore, #tpu.memory_space<semaphore_mem>>, %arg18: memref<!tpu.dma_semaphore, #tpu.memory_space<semaphore_mem>>, %arg19: memref<!tpu.dma_semaphore, #tpu.memory_space<semaphore_mem>>, %arg20: memref<!tpu.dma_semaphore, #tpu.memory_space<semaphore_mem>>) attributes {dimension_semantics = [#tpu.dimension_semantics<core_parallel>, #tpu.dimension_semantics<subcore_parallel>], iteration_bounds = array<i64: 2, 16>, scalar_prefetch = 0 : i64, scratch_operands = 14 : i64, tpu.core_type = #tpu.core_type<sc_vector_subcore>, window_params = [{transform_indices = #map}, {transform_indices = #map}, {transform_indices = #map1}, {transform_indices = #map1}, {transform_indices = #map1}]} {
    %mul3A = arith.constant 2 : i32
    %mul3A_0 = arith.muli %arg1, %mul3A : i32
    %add3A = arith.addi %mul3A_0, %arg0 : i32
    %run_scoped3A = arith.constant 0 : i32
    "tpu.region"() ({
      %run_scoped3A_376 = tpu.sem_alloc : memref<!tpu.dma_semaphore, #tpu.memory_space<semaphore_mem>>
      %dma_start3A_377 = arith.constant 0 : i32
      %dma_start3A_378 = tpu.memref_slice %arg4[%run_scoped3A, %add3A, %dma_start3A_377] : memref<2x32x10000xi32, #tpu.memory_space<hbm>> -> memref<1x1x10000xi32, #tpu.memory_space<hbm>>
      %dma_start3A_379 = tpu.memref_squeeze %dma_start3A_378 : memref<1x1x10000xi32, #tpu.memory_space<hbm>> -> memref<10000xi32, #tpu.memory_space<hbm>>
      %dma_start3A_380 = arith.constant 0 : i32
      %dma_start3A_381 = tpu.memref_slice %arg4[%run_scoped3A, %add3A, %dma_start3A_380] : memref<2x32x10000xi32, #tpu.memory_space<hbm>> -> memref<1x1x10000xi32, #tpu.memory_space<hbm>>
      %dma_start3A_382 = tpu.memref_squeeze %dma_start3A_381 : memref<1x1x10000xi32, #tpu.memory_space<hbm>> -> memref<10000xi32, #tpu.memory_space<hbm>>
      tpu.enqueue_dma source(%dma_start3A_382 : memref<10000xi32, #tpu.memory_space<hbm>>) target(%arg7 : memref<10000xi32, #tpu.memory_space<vmem>>) target_semaphore(%run_scoped3A_376 : memref<!tpu.dma_semaphore, #tpu.memory_space<semaphore_mem>>)
      %dma_wait3A_383 = arith.constant 0 : i32
      %dma_wait3A_384 = tpu.memref_slice %arg4[%run_scoped3A, %add3A, %dma_wait3A_383] : memref<2x32x10000xi32, #tpu.memory_space<hbm>> -> memref<1x1x10000xi32, #tpu.memory_space<hbm>>
      %dma_wait3A_385 = tpu.memref_squeeze %dma_wait3A_384 : memref<1x1x10000xi32, #tpu.memory_space<hbm>> -> memref<10000xi32, #tpu.memory_space<hbm>>
      %dma_wait3A_386 = arith.constant 0 : i32
      %dma_wait3A_387 = tpu.memref_slice %arg4[%run_scoped3A, %add3A, %dma_wait3A_386] : memref<2x32x10000xi32, #tpu.memory_space<hbm>> -> memref<1x1x10000xi32, #tpu.memory_space<hbm>>
      %dma_wait3A_388 = tpu.memref_squeeze %dma_wait3A_387 : memref<1x1x10000xi32, #tpu.memory_space<hbm>> -> memref<10000xi32, #tpu.memory_space<hbm>>
      tpu.wait_dma2 semaphore(%run_scoped3A_376 : memref<!tpu.dma_semaphore, #tpu.memory_space<semaphore_mem>>) src(%dma_wait3A_388 : memref<10000xi32, #tpu.memory_space<hbm>>) dst(%arg7 : memref<10000xi32, #tpu.memory_space<vmem>>)
      tpu.yield
    }) : () -> ()
    %run_scoped3A_1 = arith.constant 1 : i32
    "tpu.region"() ({
      %run_scoped3A_376 = tpu.sem_alloc : memref<!tpu.dma_semaphore, #tpu.memory_space<semaphore_mem>>
      %dma_start3A_377 = arith.constant 0 : i32
      %dma_start3A_378 = tpu.memref_slice %arg4[%run_scoped3A_1, %add3A, %dma_start3A_377] : memref<2x32x10000xi32, #tpu.memory_space<hbm>> -> memref<1x1x10000xi32, #tpu.memory_space<hbm>>
      %dma_start3A_379 = tpu.memref_squeeze %dma_start3A_378 : memref<1x1x10000xi32, #tpu.memory_space<hbm>> -> memref<10000xi32, #tpu.memory_space<hbm>>
      %dma_start3A_380 = arith.constant 0 : i32
      %dma_start3A_381 = tpu.memref_slice %arg4[%run_scoped3A_1, %add3A, %dma_start3A_380] : memref<2x32x10000xi32, #tpu.memory_space<hbm>> -> memref<1x1x10000xi32, #tpu.memory_space<hbm>>
      %dma_start3A_382 = tpu.memref_squeeze %dma_start3A_381 : memref<1x1x10000xi32, #tpu.memory_space<hbm>> -> memref<10000xi32, #tpu.memory_space<hbm>>
      tpu.enqueue_dma source(%dma_start3A_382 : memref<10000xi32, #tpu.memory_space<hbm>>) target(%arg8 : memref<10000xi32, #tpu.memory_space<vmem>>) target_semaphore(%run_scoped3A_376 : memref<!tpu.dma_semaphore, #tpu.memory_space<semaphore_mem>>)
      %dma_wait3A_383 = arith.constant 0 : i32
      %dma_wait3A_384 = tpu.memref_slice %arg4[%run_scoped3A_1, %add3A, %dma_wait3A_383] : memref<2x32x10000xi32, #tpu.memory_space<hbm>> -> memref<1x1x10000xi32, #tpu.memory_space<hbm>>
      %dma_wait3A_385 = tpu.memref_squeeze %dma_wait3A_384 : memref<1x1x10000xi32, #tpu.memory_space<hbm>> -> memref<10000xi32, #tpu.memory_space<hbm>>
      %dma_wait3A_386 = arith.constant 0 : i32
      %dma_wait3A_387 = tpu.memref_slice %arg4[%run_scoped3A_1, %add3A, %dma_wait3A_386] : memref<2x32x10000xi32, #tpu.memory_space<hbm>> -> memref<1x1x10000xi32, #tpu.memory_space<hbm>>
      %dma_wait3A_388 = tpu.memref_squeeze %dma_wait3A_387 : memref<1x1x10000xi32, #tpu.memory_space<hbm>> -> memref<10000xi32, #tpu.memory_space<hbm>>
      tpu.wait_dma2 semaphore(%run_scoped3A_376 : memref<!tpu.dma_semaphore, #tpu.memory_space<semaphore_mem>>) src(%dma_wait3A_388 : memref<10000xi32, #tpu.memory_space<hbm>>) dst(%arg8 : memref<10000xi32, #tpu.memory_space<vmem>>)
      tpu.yield
    }) : () -> ()
    %mul3A_2 = arith.constant 10000 : i32
    %mul3A_3 = arith.muli %add3A, %mul3A_2 : i32
    %scan3A = arith.constant 0 : i32
    %scan3A_4 = arith.constant 0 : i32
    %scan3A_5 = arith.constant 80 : i32
    %scan3A_6 = arith.addi %scan3A_4, %scan3A_5 : i32
    %scan3A_7 = arith.constant 1 : i32
    scf.for %scan3A_376 = %scan3A_4 to %scan3A_6 step %scan3A_7  : i32 {
      %broadcast_in_dim3A = arith.constant 0.000000e+00 : f32
      %broadcast_in_dim3A_377 = vector.broadcast %broadcast_in_dim3A : f32 to vector<16xf32>
      %swap3A_378 = arith.index_cast %scan3A_376 : i32 to index
      %swap3A_379 = arith.constant 0 : index
      %swap3A_380 = tpu.vector_load %arg10[%swap3A_378, %swap3A_379] {strides = array<i32>} : memref<80x128xf32, #tpu.memory_space<vmem>>, vector<16xf32>,
      tpu.vector_store %arg10[%swap3A_378, %swap3A_379], %broadcast_in_dim3A_377 {strides = array<i32>} : memref<80x128xf32, #tpu.memory_space<vmem>>, vector<16xf32>,
      %broadcast_in_dim3A_381 = arith.constant 0.000000e+00 : f32
      %broadcast_in_dim3A_382 = vector.broadcast %broadcast_in_dim3A_381 : f32 to vector<16xf32>
      %swap3A_383 = arith.index_cast %scan3A_376 : i32 to index
      %swap3A_384 = arith.constant 16 : index
      %swap3A_385 = tpu.vector_load %arg10[%swap3A_383, %swap3A_384] {strides = array<i32>} : memref<80x128xf32, #tpu.memory_space<vmem>>, vector<16xf32>,
      tpu.vector_store %arg10[%swap3A_383, %swap3A_384], %broadcast_in_dim3A_382 {strides = array<i32>} : memref<80x128xf32, #tpu.memory_space<vmem>>, vector<16xf32>,
      %broadcast_in_dim3A_386 = arith.constant 0.000000e+00 : f32
      %broadcast_in_dim3A_387 = vector.broadcast %broadcast_in_dim3A_386 : f32 to vector<16xf32>
      %swap3A_388 = arith.index_cast %scan3A_376 : i32 to index
      %swap3A_389 = arith.constant 32 : index
      %swap3A_390 = tpu.vector_load %arg10[%swap3A_388, %swap3A_389] {strides = array<i32>} : memref<80x128xf32, #tpu.memory_space<vmem>>, vector<16xf32>,
      tpu.vector_store %arg10[%swap3A_388, %swap3A_389], %broadcast_in_dim3A_387 {strides = array<i32>} : memref<80x128xf32, #tpu.memory_space<vmem>>, vector<16xf32>,
      %broadcast_in_dim3A_391 = arith.constant 0.000000e+00 : f32
      %broadcast_in_dim3A_392 = vector.broadcast %broadcast_in_dim3A_391 : f32 to vector<16xf32>
      %swap3A_393 = arith.index_cast %scan3A_376 : i32 to index
      %swap3A_394 = arith.constant 48 : index
      %swap3A_395 = tpu.vector_load %arg10[%swap3A_393, %swap3A_394] {strides = array<i32>} : memref<80x128xf32, #tpu.memory_space<vmem>>, vector<16xf32>,
      tpu.vector_store %arg10[%swap3A_393, %swap3A_394], %broadcast_in_dim3A_392 {strides = array<i32>} : memref<80x128xf32, #tpu.memory_space<vmem>>, vector<16xf32>,
      %broadcast_in_dim3A_396 = arith.constant 0.000000e+00 : f32
      %broadcast_in_dim3A_397 = vector.broadcast %broadcast_in_dim3A_396 : f32 to vector<16xf32>
      %swap3A_398 = arith.index_cast %scan3A_376 : i32 to index
      %swap3A_399 = arith.constant 64 : index
      %swap3A_400 = tpu.vector_load %arg10[%swap3A_398, %swap3A_399] {strides = array<i32>} : memref<80x128xf32, #tpu.memory_space<vmem>>, vector<16xf32>,
      tpu.vector_store %arg10[%swap3A_398, %swap3A_399], %broadcast_in_dim3A_397 {strides = array<i32>} : memref<80x128xf32, #tpu.memory_space<vmem>>, vector<16xf32>,
      %broadcast_in_dim3A_401 = arith.constant 0.000000e+00 : f32
      %broadcast_in_dim3A_402 = vector.broadcast %broadcast_in_dim3A_401 : f32 to vector<16xf32>
      %swap3A_403 = arith.index_cast %scan3A_376 : i32 to index
      %swap3A_404 = arith.constant 80 : index
      %swap3A_405 = tpu.vector_load %arg10[%swap3A_403, %swap3A_404] {strides = array<i32>} : memref<80x128xf32, #tpu.memory_space<vmem>>, vector<16xf32>,
      tpu.vector_store %arg10[%swap3A_403, %swap3A_404], %broadcast_in_dim3A_402 {strides = array<i32>} : memref<80x128xf32, #tpu.memory_space<vmem>>, vector<16xf32>,
      %broadcast_in_dim3A_406 = arith.constant 0.000000e+00 : f32
      %broadcast_in_dim3A_407 = vector.broadcast %broadcast_in_dim3A_406 : f32 to vector<16xf32>
      %swap3A_408 = arith.index_cast %scan3A_376 : i32 to index
      %swap3A_409 = arith.constant 96 : index
      %swap3A_410 = tpu.vector_load %arg10[%swap3A_408, %swap3A_409] {strides = array<i32>} : memref<80x128xf32, #tpu.memory_space<vmem>>, vector<16xf32>,
      tpu.vector_store %arg10[%swap3A_408, %swap3A_409], %broadcast_in_dim3A_407 {strides = array<i32>} : memref<80x128xf32, #tpu.memory_space<vmem>>, vector<16xf32>,
      %broadcast_in_dim3A_411 = arith.constant 0.000000e+00 : f32
      %broadcast_in_dim3A_412 = vector.broadcast %broadcast_in_dim3A_411 : f32 to vector<16xf32>
      %swap3A_413 = arith.index_cast %scan3A_376 : i32 to index
      %swap3A_414 = arith.constant 112 : index
      %swap3A_415 = tpu.vector_load %arg10[%swap3A_413, %swap3A_414] {strides = array<i32>} : memref<80x128xf32, #tpu.memory_space<vmem>>, vector<16xf32>,
      tpu.vector_store %arg10[%swap3A_413, %swap3A_414], %broadcast_in_dim3A_412 {strides = array<i32>} : memref<80x128xf32, #tpu.memory_space<vmem>>, vector<16xf32>,
    }
    %scan3A_8 = arith.constant 80 : i32
    %scan3A_9 = arith.constant 0 : i32
    %scan3A_10 = arith.constant 0 : i32
    %scan3A_11 = arith.constant 8 : i32
    %scan3A_12 = arith.addi %scan3A_10, %scan3A_11 : i32
    %scan3A_13 = arith.constant 1 : i32
    scf.for %scan3A_376 = %scan3A_10 to %scan3A_12 step %scan3A_13  : i32 {
      %mul3A_377 = arith.constant 320 : i32
      %mul3A_378 = arith.muli %arg1, %mul3A_377 : i32
      %mul3A_379 = arith.constant 40 : i32
      %mul3A_380 = arith.muli %scan3A_376, %mul3A_379 : i32
      %add3A_381 = arith.addi %mul3A_378, %mul3A_380 : i32
      "tpu.region"() ({
        %run_scoped3A_382 = tpu.sem_alloc : memref<!tpu.dma_semaphore, #tpu.memory_space<semaphore_mem>>
        %dma_start3A_383 = arith.constant 0 : i32
        %dma_start3A_384 = arith.constant 0 : i32
        %dma_start3A_385 = tpu.memref_slice %arg10[%dma_start3A_383, %dma_start3A_384] : memref<80x128xf32, #tpu.memory_space<vmem>> -> memref<40x128xf32, #tpu.memory_space<vmem>>
        %dma_start3A_386 = arith.constant 0 : i32
        %dma_start3A_387 = tpu.memref_slice %arg14[%add3A_381, %dma_start3A_386] : memref<5128x128xf32, #tpu.memory_space<vmem_shared>> -> memref<40x128xf32, #tpu.memory_space<vmem_shared>>
        %dma_start3A_388 = arith.constant 0 : i32
        %dma_start3A_389 = tpu.memref_slice %arg14[%add3A_381, %dma_start3A_388] : memref<5128x128xf32, #tpu.memory_space<vmem_shared>> -> memref<40x128xf32, #tpu.memory_space<vmem_shared>>
        %dma_start3A_390 = arith.constant 0 : i32
        %dma_start3A_391 = arith.constant 0 : i32
        %dma_start3A_392 = tpu.memref_slice %arg10[%dma_start3A_390, %dma_start3A_391] : memref<80x128xf32, #tpu.memory_space<vmem>> -> memref<40x128xf32, #tpu.memory_space<vmem>>
        tpu.enqueue_dma source(%dma_start3A_392 : memref<40x128xf32, #tpu.memory_space<vmem>>) target(%dma_start3A_389 : memref<40x128xf32, #tpu.memory_space<vmem_shared>>) target_semaphore(%run_scoped3A_382 : memref<!tpu.dma_semaphore, #tpu.memory_space<semaphore_mem>>)
        %dma_wait3A_393 = arith.constant 0 : i32
        %dma_wait3A_394 = arith.constant 0 : i32
        %dma_wait3A_395 = tpu.memref_slice %arg10[%dma_wait3A_393, %dma_wait3A_394] : memref<80x128xf32, #tpu.memory_space<vmem>> -> memref<40x128xf32, #tpu.memory_space<vmem>>
        %dma_wait3A_396 = arith.constant 0 : i32
        %dma_wait3A_397 = tpu.memref_slice %arg14[%add3A_381, %dma_wait3A_396] : memref<5128x128xf32, #tpu.memory_space<vmem_shared>> -> memref<40x128xf32, #tpu.memory_space<vmem_shared>>
        %dma_wait3A_398 = arith.constant 0 : i32
        %dma_wait3A_399 = tpu.memref_slice %arg14[%add3A_381, %dma_wait3A_398] : memref<5128x128xf32, #tpu.memory_space<vmem_shared>> -> memref<40x128xf32, #tpu.memory_space<vmem_shared>>
        %dma_wait3A_400 = arith.constant 0 : i32
        %dma_wait3A_401 = arith.constant 0 : i32
        %dma_wait3A_402 = tpu.memref_slice %arg10[%dma_wait3A_400, %dma_wait3A_401] : memref<80x128xf32, #tpu.memory_space<vmem>> -> memref<40x128xf32, #tpu.memory_space<vmem>>
        tpu.wait_dma2 semaphore(%run_scoped3A_382 : memref<!tpu.dma_semaphore, #tpu.memory_space<semaphore_mem>>) src(%dma_wait3A_402 : memref<40x128xf32, #tpu.memory_space<vmem>>) dst(%dma_wait3A_399 : memref<40x128xf32, #tpu.memory_space<vmem_shared>>)
        tpu.yield
      }) : () -> ()
    }
    %scan3A_14 = arith.constant 8 : i32
    %eq3A = arith.constant 15 : i32
    %eq3A_15 = arith.cmpi eq, %arg1, %eq3A : i32
    %convert_element_type3A = arith.extui %eq3A_15 : i1 to i32
    %cond3A = arith.constant 0 : i32
    %cond3A_16 = arith.cmpi ne, %convert_element_type3A, %cond3A : i32
    scf.if %cond3A_16 {
      "tpu.region"() ({
        %run_scoped3A_376 = tpu.sem_alloc : memref<!tpu.dma_semaphore, #tpu.memory_space<semaphore_mem>>
        %dma_start3A_377 = arith.constant 0 : i32
        %dma_start3A_378 = arith.constant 0 : i32
        %dma_start3A_379 = tpu.memref_slice %arg10[%dma_start3A_377, %dma_start3A_378] : memref<80x128xf32, #tpu.memory_space<vmem>> -> memref<8x128xf32, #tpu.memory_space<vmem>>
        %dma_start3A_380 = arith.constant 5120 : i32
        %dma_start3A_381 = arith.constant 0 : i32
        %dma_start3A_382 = tpu.memref_slice %arg14[%dma_start3A_380, %dma_start3A_381] : memref<5128x128xf32, #tpu.memory_space<vmem_shared>> -> memref<8x128xf32, #tpu.memory_space<vmem_shared>>
        %dma_start3A_383 = arith.constant 5120 : i32
        %dma_start3A_384 = arith.constant 0 : i32
        %dma_start3A_385 = tpu.memref_slice %arg14[%dma_start3A_383, %dma_start3A_384] : memref<5128x128xf32, #tpu.memory_space<vmem_shared>> -> memref<8x128xf32, #tpu.memory_space<vmem_shared>>
        %dma_start3A_386 = arith.constant 0 : i32
        %dma_start3A_387 = arith.constant 0 : i32
        %dma_start3A_388 = tpu.memref_slice %arg10[%dma_start3A_386, %dma_start3A_387] : memref<80x128xf32, #tpu.memory_space<vmem>> -> memref<8x128xf32, #tpu.memory_space<vmem>>
        tpu.enqueue_dma source(%dma_start3A_388 : memref<8x128xf32, #tpu.memory_space<vmem>>) target(%dma_start3A_385 : memref<8x128xf32, #tpu.memory_space<vmem_shared>>) target_semaphore(%run_scoped3A_376 : memref<!tpu.dma_semaphore, #tpu.memory_space<semaphore_mem>>)
        %dma_wait3A_389 = arith.constant 0 : i32
        %dma_wait3A_390 = arith.constant 0 : i32
        %dma_wait3A_391 = tpu.memref_slice %arg10[%dma_wait3A_389, %dma_wait3A_390] : memref<80x128xf32, #tpu.memory_space<vmem>> -> memref<8x128xf32, #tpu.memory_space<vmem>>
        %dma_wait3A_392 = arith.constant 5120 : i32
        %dma_wait3A_393 = arith.constant 0 : i32
        %dma_wait3A_394 = tpu.memref_slice %arg14[%dma_wait3A_392, %dma_wait3A_393] : memref<5128x128xf32, #tpu.memory_space<vmem_shared>> -> memref<8x128xf32, #tpu.memory_space<vmem_shared>>
        %dma_wait3A_395 = arith.constant 5120 : i32
        %dma_wait3A_396 = arith.constant 0 : i32
        %dma_wait3A_397 = tpu.memref_slice %arg14[%dma_wait3A_395, %dma_wait3A_396] : memref<5128x128xf32, #tpu.memory_space<vmem_shared>> -> memref<8x128xf32, #tpu.memory_space<vmem_shared>>
        %dma_wait3A_398 = arith.constant 0 : i32
        %dma_wait3A_399 = arith.constant 0 : i32
        %dma_wait3A_400 = tpu.memref_slice %arg10[%dma_wait3A_398, %dma_wait3A_399] : memref<80x128xf32, #tpu.memory_space<vmem>> -> memref<8x128xf32, #tpu.memory_space<vmem>>
        tpu.wait_dma2 semaphore(%run_scoped3A_376 : memref<!tpu.dma_semaphore, #tpu.memory_space<semaphore_mem>>) src(%dma_wait3A_400 : memref<8x128xf32, #tpu.memory_space<vmem>>) dst(%dma_wait3A_397 : memref<8x128xf32, #tpu.memory_space<vmem_shared>>)
        tpu.yield
      }) : () -> ()
    } else {
    }
    %barrier3A = arith.constant 0 : index
    tpu.barrier barrier_id(%barrier3A)
    %dma_start3A = arith.constant 0 : i32
    %dma_start3A_17 = tpu.memref_slice %arg7[%dma_start3A] : memref<10000xi32, #tpu.memory_space<vmem>> -> memref<80xi32, #tpu.memory_space<vmem>>
    %dma_start3A_18 = arith.constant 0 : i32
    %dma_start3A_19 = arith.constant 0 : i32
    %dma_start3A_20 = tpu.memref_slice %arg2[%dma_start3A_18, %dma_start3A_19] : memref<10000x128xf32, #tpu.memory_space<hbm>> -> memref<10000x128xf32, #tpu.memory_space<hbm>>
    tpu.enqueue_indirect_dma source(%dma_start3A_20 : memref<10000x128xf32, #tpu.memory_space<hbm>>) target(%arg10 : memref<80x128xf32, #tpu.memory_space<vmem>>) offsets(%dma_start3A_17 : memref<80xi32, #tpu.memory_space<vmem>>) semaphore(%arg15 : memref<!tpu.dma_semaphore, #tpu.memory_space<semaphore_mem>>)
    %add3A_21 = arith.constant 0 : i32
    %add3A_22 = arith.addi %mul3A_3, %add3A_21 : i32
    %dma_start3A_23 = arith.constant 0 : i32
    %dma_start3A_24 = tpu.memref_slice %arg3[%add3A_22, %dma_start3A_23] : memref<320000x128xf32, #tpu.memory_space<hbm>> -> memref<80x128xf32, #tpu.memory_space<hbm>>
    %dma_start3A_25 = arith.constant 0 : i32
    %dma_start3A_26 = tpu.memref_slice %arg3[%add3A_22, %dma_start3A_25] : memref<320000x128xf32, #tpu.memory_space<hbm>> -> memref<80x128xf32, #tpu.memory_space<hbm>>
    tpu.enqueue_dma source(%dma_start3A_26 : memref<80x128xf32, #tpu.memory_space<hbm>>) target(%arg12 : memref<80x128xf32, #tpu.memory_space<vmem>>) target_semaphore(%arg17 : memref<!tpu.dma_semaphore, #tpu.memory_space<semaphore_mem>>)
    %dma_start3A_27 = arith.constant 80 : i32
    %dma_start3A_28 = tpu.memref_slice %arg7[%dma_start3A_27] : memref<10000xi32, #tpu.memory_space<vmem>> -> memref<80xi32, #tpu.memory_space<vmem>>
    %dma_start3A_29 = arith.constant 0 : i32
    %dma_start3A_30 = arith.constant 0 : i32
    %dma_start3A_31 = tpu.memref_slice %arg2[%dma_start3A_29, %dma_start3A_30] : memref<10000x128xf32, #tpu.memory_space<hbm>> -> memref<10000x128xf32, #tpu.memory_space<hbm>>
    tpu.enqueue_indirect_dma source(%dma_start3A_31 : memref<10000x128xf32, #tpu.memory_space<hbm>>) target(%arg11 : memref<80x128xf32, #tpu.memory_space<vmem>>) offsets(%dma_start3A_28 : memref<80xi32, #tpu.memory_space<vmem>>) semaphore(%arg16 : memref<!tpu.dma_semaphore, #tpu.memory_space<semaphore_mem>>)
    %add3A_32 = arith.constant 80 : i32
    %add3A_33 = arith.addi %mul3A_3, %add3A_32 : i32
    %dma_start3A_34 = arith.constant 0 : i32
    %dma_start3A_35 = tpu.memref_slice %arg3[%add3A_33, %dma_start3A_34] : memref<320000x128xf32, #tpu.memory_space<hbm>> -> memref<80x128xf32, #tpu.memory_space<hbm>>
    %dma_start3A_36 = arith.constant 0 : i32
    %dma_start3A_37 = tpu.memref_slice %arg3[%add3A_33, %dma_start3A_36] : memref<320000x128xf32, #tpu.memory_space<hbm>> -> memref<80x128xf32, #tpu.memory_space<hbm>>
    tpu.enqueue_dma source(%dma_start3A_37 : memref<80x128xf32, #tpu.memory_space<hbm>>) target(%arg13 : memref<80x128xf32, #tpu.memory_space<vmem>>) target_semaphore(%arg18 : memref<!tpu.dma_semaphore, #tpu.memory_space<semaphore_mem>>)
    %scan3A_38 = arith.constant 0 : i32
    %scan3A_39 = arith.constant 0 : i32
    %scan3A_40 = arith.constant 62 : i32
    %scan3A_41 = arith.addi %scan3A_39, %scan3A_40 : i32
    %scan3A_42 = arith.constant 1 : i32
    scf.for %scan3A_376 = %scan3A_39 to %scan3A_41 step %scan3A_42  : i32 {
      %mul3A_377 = arith.constant 2 : i32
      %mul3A_378 = arith.muli %scan3A_376, %mul3A_377 : i32
      %mul3A_379 = arith.constant 80 : i32
      %mul3A_380 = arith.muli %mul3A_378, %mul3A_379 : i32
      %add3A_381 = arith.constant 0 : i32
      %add3A_382 = arith.addi %mul3A_380, %add3A_381 : i32
      %get3A_383 = arith.index_cast %add3A_382 : i32 to index
      %get3A_384 = tpu.vector_load %arg8[%get3A_383] {strides = array<i32>} : memref<10000xi32, #tpu.memory_space<vmem>>, vector<16xi32>,
      %sub3A_385 = arith.constant 0 : i32
      %sub3A_386 = vector.broadcast %sub3A_385 : i32 to vector<16xi32>
      %sub3A_387 = arith.subi %get3A_384, %sub3A_386 : vector<16xi32>
      %ge3A_388 = arith.constant 0 : i32
      %ge3A_389 = vector.broadcast %ge3A_388 : i32 to vector<16xi32>
      %ge3A_390 = arith.cmpi sge, %sub3A_387, %ge3A_389 : vector<16xi32>
      %lt3A_391 = arith.constant 5120 : i32
      %lt3A_392 = vector.broadcast %lt3A_391 : i32 to vector<16xi32>
      %lt3A_393 = arith.cmpi slt, %sub3A_387, %lt3A_392 : vector<16xi32>
      %and3A_394 = arith.andi %ge3A_390, %lt3A_393 : vector<16xi1>
      %and3A_395 = arith.constant 7 : i32
      %and3A_396 = vector.broadcast %and3A_395 : i32 to vector<16xi32>
      %and3A_397 = arith.andi %sub3A_387, %and3A_396 : vector<16xi32>
      %add3A_398 = arith.constant 5120 : i32
      %add3A_399 = vector.broadcast %add3A_398 : i32 to vector<16xi32>
      %add3A_400 = arith.addi %add3A_399, %and3A_397 : vector<16xi32>
      %select_n3A_401 = arith.select %and3A_394, %sub3A_387, %add3A_400 : vector<16xi1>, vector<16xi32>
      %swap3A_402 = arith.constant 0 : i32
      %swap3A_403 = arith.index_cast %swap3A_402 : i32 to index
      %swap3A_404 = arith.constant 0 : index
      %swap3A_405 = tpu.vector_load %arg9[%swap3A_403, %swap3A_404] {strides = array<i32>} : memref<2x80xi32, #tpu.memory_space<vmem>>, vector<16xi32>,
      tpu.vector_store %arg9[%swap3A_403, %swap3A_404], %select_n3A_401 {strides = array<i32>} : memref<2x80xi32, #tpu.memory_space<vmem>>, vector<16xi32>,
      %mul3A_406 = arith.constant 80 : i32
      %mul3A_407 = arith.muli %mul3A_378, %mul3A_406 : i32
      %add3A_408 = arith.constant 16 : i32
      %add3A_409 = arith.addi %mul3A_407, %add3A_408 : i32
      %get3A_410 = arith.index_cast %add3A_409 : i32 to index
      %get3A_411 = tpu.vector_load %arg8[%get3A_410] {strides = array<i32>} : memref<10000xi32, #tpu.memory_space<vmem>>, vector<16xi32>,
      %sub3A_412 = arith.constant 0 : i32
      %sub3A_413 = vector.broadcast %sub3A_412 : i32 to vector<16xi32>
      %sub3A_414 = arith.subi %get3A_411, %sub3A_413 : vector<16xi32>
      %ge3A_415 = arith.constant 0 : i32
      %ge3A_416 = vector.broadcast %ge3A_415 : i32 to vector<16xi32>
      %ge3A_417 = arith.cmpi sge, %sub3A_414, %ge3A_416 : vector<16xi32>
      %lt3A_418 = arith.constant 5120 : i32
      %lt3A_419 = vector.broadcast %lt3A_418 : i32 to vector<16xi32>
      %lt3A_420 = arith.cmpi slt, %sub3A_414, %lt3A_419 : vector<16xi32>
      %and3A_421 = arith.andi %ge3A_417, %lt3A_420 : vector<16xi1>
      %and3A_422 = arith.constant 7 : i32
      %and3A_423 = vector.broadcast %and3A_422 : i32 to vector<16xi32>
      %and3A_424 = arith.andi %sub3A_414, %and3A_423 : vector<16xi32>
      %add3A_425 = arith.constant 5120 : i32
      %add3A_426 = vector.broadcast %add3A_425 : i32 to vector<16xi32>
      %add3A_427 = arith.addi %add3A_426, %and3A_424 : vector<16xi32>
      %select_n3A_428 = arith.select %and3A_421, %sub3A_414, %add3A_427 : vector<16xi1>, vector<16xi32>
      %swap3A_429 = arith.constant 0 : i32
      %swap3A_430 = arith.index_cast %swap3A_429 : i32 to index
      %swap3A_431 = arith.constant 16 : index
      %swap3A_432 = tpu.vector_load %arg9[%swap3A_430, %swap3A_431] {strides = array<i32>} : memref<2x80xi32, #tpu.memory_space<vmem>>, vector<16xi32>,
      tpu.vector_store %arg9[%swap3A_430, %swap3A_431], %select_n3A_428 {strides = array<i32>} : memref<2x80xi32, #tpu.memory_space<vmem>>, vector<16xi32>,
      %mul3A_433 = arith.constant 80 : i32
      %mul3A_434 = arith.muli %mul3A_378, %mul3A_433 : i32
      %add3A_435 = arith.constant 32 : i32
      %add3A_436 = arith.addi %mul3A_434, %add3A_435 : i32
      %get3A_437 = arith.index_cast %add3A_436 : i32 to index
      %get3A_438 = tpu.vector_load %arg8[%get3A_437] {strides = array<i32>} : memref<10000xi32, #tpu.memory_space<vmem>>, vector<16xi32>,
      %sub3A_439 = arith.constant 0 : i32
      %sub3A_440 = vector.broadcast %sub3A_439 : i32 to vector<16xi32>
      %sub3A_441 = arith.subi %get3A_438, %sub3A_440 : vector<16xi32>
      %ge3A_442 = arith.constant 0 : i32
      %ge3A_443 = vector.broadcast %ge3A_442 : i32 to vector<16xi32>
      %ge3A_444 = arith.cmpi sge, %sub3A_441, %ge3A_443 : vector<16xi32>
      %lt3A_445 = arith.constant 5120 : i32
      %lt3A_446 = vector.broadcast %lt3A_445 : i32 to vector<16xi32>
      %lt3A_447 = arith.cmpi slt, %sub3A_441, %lt3A_446 : vector<16xi32>
      %and3A_448 = arith.andi %ge3A_444, %lt3A_447 : vector<16xi1>
      %and3A_449 = arith.constant 7 : i32
      %and3A_450 = vector.broadcast %and3A_449 : i32 to vector<16xi32>
      %and3A_451 = arith.andi %sub3A_441, %and3A_450 : vector<16xi32>
      %add3A_452 = arith.constant 5120 : i32
      %add3A_453 = vector.broadcast %add3A_452 : i32 to vector<16xi32>
      %add3A_454 = arith.addi %add3A_453, %and3A_451 : vector<16xi32>
      %select_n3A_455 = arith.select %and3A_448, %sub3A_441, %add3A_454 : vector<16xi1>, vector<16xi32>
      %swap3A_456 = arith.constant 0 : i32
      %swap3A_457 = arith.index_cast %swap3A_456 : i32 to index
      %swap3A_458 = arith.constant 32 : index
      %swap3A_459 = tpu.vector_load %arg9[%swap3A_457, %swap3A_458] {strides = array<i32>} : memref<2x80xi32, #tpu.memory_space<vmem>>, vector<16xi32>,
      tpu.vector_store %arg9[%swap3A_457, %swap3A_458], %select_n3A_455 {strides = array<i32>} : memref<2x80xi32, #tpu.memory_space<vmem>>, vector<16xi32>,
      %mul3A_460 = arith.constant 80 : i32
      %mul3A_461 = arith.muli %mul3A_378, %mul3A_460 : i32
      %add3A_462 = arith.constant 48 : i32
      %add3A_463 = arith.addi %mul3A_461, %add3A_462 : i32
      %get3A_464 = arith.index_cast %add3A_463 : i32 to index
      %get3A_465 = tpu.vector_load %arg8[%get3A_464] {strides = array<i32>} : memref<10000xi32, #tpu.memory_space<vmem>>, vector<16xi32>,
      %sub3A_466 = arith.constant 0 : i32
      %sub3A_467 = vector.broadcast %sub3A_466 : i32 to vector<16xi32>
      %sub3A_468 = arith.subi %get3A_465, %sub3A_467 : vector<16xi32>
      %ge3A_469 = arith.constant 0 : i32
      %ge3A_470 = vector.broadcast %ge3A_469 : i32 to vector<16xi32>
      %ge3A_471 = arith.cmpi sge, %sub3A_468, %ge3A_470 : vector<16xi32>
      %lt3A_472 = arith.constant 5120 : i32
      %lt3A_473 = vector.broadcast %lt3A_472 : i32 to vector<16xi32>
      %lt3A_474 = arith.cmpi slt, %sub3A_468, %lt3A_473 : vector<16xi32>
      %and3A_475 = arith.andi %ge3A_471, %lt3A_474 : vector<16xi1>
      %and3A_476 = arith.constant 7 : i32
      %and3A_477 = vector.broadcast %and3A_476 : i32 to vector<16xi32>
      %and3A_478 = arith.andi %sub3A_468, %and3A_477 : vector<16xi32>
      %add3A_479 = arith.constant 5120 : i32
      %add3A_480 = vector.broadcast %add3A_479 : i32 to vector<16xi32>
      %add3A_481 = arith.addi %add3A_480, %and3A_478 : vector<16xi32>
      %select_n3A_482 = arith.select %and3A_475, %sub3A_468, %add3A_481 : vector<16xi1>, vector<16xi32>
      %swap3A_483 = arith.constant 0 : i32
      %swap3A_484 = arith.index_cast %swap3A_483 : i32 to index
      %swap3A_485 = arith.constant 48 : index
      %swap3A_486 = tpu.vector_load %arg9[%swap3A_484, %swap3A_485] {strides = array<i32>} : memref<2x80xi32, #tpu.memory_space<vmem>>, vector<16xi32>,
      tpu.vector_store %arg9[%swap3A_484, %swap3A_485], %select_n3A_482 {strides = array<i32>} : memref<2x80xi32, #tpu.memory_space<vmem>>, vector<16xi32>,
      %mul3A_487 = arith.constant 80 : i32
      %mul3A_488 = arith.muli %mul3A_378, %mul3A_487 : i32
      %add3A_489 = arith.constant 64 : i32
      %add3A_490 = arith.addi %mul3A_488, %add3A_489 : i32
      %get3A_491 = arith.index_cast %add3A_490 : i32 to index
      %get3A_492 = tpu.vector_load %arg8[%get3A_491] {strides = array<i32>} : memref<10000xi32, #tpu.memory_space<vmem>>, vector<16xi32>,
      %sub3A_493 = arith.constant 0 : i32
      %sub3A_494 = vector.broadcast %sub3A_493 : i32 to vector<16xi32>
      %sub3A_495 = arith.subi %get3A_492, %sub3A_494 : vector<16xi32>
      %ge3A_496 = arith.constant 0 : i32
      %ge3A_497 = vector.broadcast %ge3A_496 : i32 to vector<16xi32>
      %ge3A_498 = arith.cmpi sge, %sub3A_495, %ge3A_497 : vector<16xi32>
      %lt3A_499 = arith.constant 5120 : i32
      %lt3A_500 = vector.broadcast %lt3A_499 : i32 to vector<16xi32>
      %lt3A_501 = arith.cmpi slt, %sub3A_495, %lt3A_500 : vector<16xi32>
      %and3A_502 = arith.andi %ge3A_498, %lt3A_501 : vector<16xi1>
      %and3A_503 = arith.constant 7 : i32
      %and3A_504 = vector.broadcast %and3A_503 : i32 to vector<16xi32>
      %and3A_505 = arith.andi %sub3A_495, %and3A_504 : vector<16xi32>
      %add3A_506 = arith.constant 5120 : i32
      %add3A_507 = vector.broadcast %add3A_506 : i32 to vector<16xi32>
      %add3A_508 = arith.addi %add3A_507, %and3A_505 : vector<16xi32>
      %select_n3A_509 = arith.select %and3A_502, %sub3A_495, %add3A_508 : vector<16xi1>, vector<16xi32>
      %swap3A_510 = arith.constant 0 : i32
      %swap3A_511 = arith.index_cast %swap3A_510 : i32 to index
      %swap3A_512 = arith.constant 64 : index
      %swap3A_513 = tpu.vector_load %arg9[%swap3A_511, %swap3A_512] {strides = array<i32>} : memref<2x80xi32, #tpu.memory_space<vmem>>, vector<16xi32>,
      tpu.vector_store %arg9[%swap3A_511, %swap3A_512], %select_n3A_509 {strides = array<i32>} : memref<2x80xi32, #tpu.memory_space<vmem>>, vector<16xi32>,
      %mul3A_514 = arith.constant 80 : i32
      %mul3A_515 = arith.muli %mul3A_378, %mul3A_514 : i32
      %dma_wait3A_516 = tpu.memref_slice %arg7[%mul3A_515] : memref<10000xi32, #tpu.memory_space<vmem>> -> memref<80xi32, #tpu.memory_space<vmem>>
      %dma_wait3A_517 = arith.constant 0 : i32
      %dma_wait3A_518 = arith.constant 0 : i32
      %dma_wait3A_519 = tpu.memref_slice %arg2[%dma_wait3A_517, %dma_wait3A_518] : memref<10000x128xf32, #tpu.memory_space<hbm>> -> memref<10000x128xf32, #tpu.memory_space<hbm>>
      tpu.wait_indirect_dma semaphore(%arg15 : memref<!tpu.dma_semaphore, #tpu.memory_space<semaphore_mem>>) src(%dma_wait3A_519 : memref<10000x128xf32, #tpu.memory_space<hbm>>) dst(%arg10 : memref<80x128xf32, #tpu.memory_space<vmem>>)
      %mul3A_520 = arith.constant 80 : i32
      %mul3A_521 = arith.muli %mul3A_378, %mul3A_520 : i32
      %add3A_522 = arith.addi %mul3A_3, %mul3A_521 : i32
      %dma_wait3A_523 = arith.constant 0 : i32
      %dma_wait3A_524 = tpu.memref_slice %arg3[%add3A_522, %dma_wait3A_523] : memref<320000x128xf32, #tpu.memory_space<hbm>> -> memref<80x128xf32, #tpu.memory_space<hbm>>
      %dma_wait3A_525 = arith.constant 0 : i32
      %dma_wait3A_526 = tpu.memref_slice %arg3[%add3A_522, %dma_wait3A_525] : memref<320000x128xf32, #tpu.memory_space<hbm>> -> memref<80x128xf32, #tpu.memory_space<hbm>>
      tpu.wait_dma2 semaphore(%arg17 : memref<!tpu.dma_semaphore, #tpu.memory_space<semaphore_mem>>) src(%dma_wait3A_526 : memref<80x128xf32, #tpu.memory_space<hbm>>) dst(%arg12 : memref<80x128xf32, #tpu.memory_space<vmem>>)
      %scan3A_527 = arith.constant 0 : i32
      %scan3A_528 = arith.constant 0 : i32
      %scan3A_529 = arith.constant 80 : i32
      %scan3A_530 = arith.addi %scan3A_528, %scan3A_529 : i32
      %scan3A_531 = arith.constant 1 : i32
      scf.for %scan3A_735 = %scan3A_528 to %scan3A_530 step %scan3A_531  : i32 {
        %get3A_736 = arith.index_cast %scan3A_735 : i32 to index
        %get3A_737 = arith.constant 0 : index
        %get3A_738 = tpu.vector_load %arg10[%get3A_736, %get3A_737] {strides = array<i32>} : memref<80x128xf32, #tpu.memory_space<vmem>>, vector<16xf32>,
        %get3A_739 = arith.index_cast %scan3A_735 : i32 to index
        %get3A_740 = arith.constant 0 : index
        %get3A_741 = tpu.vector_load %arg12[%get3A_739, %get3A_740] {strides = array<i32>} : memref<80x128xf32, #tpu.memory_space<vmem>>, vector<16xf32>,
        %mul3A_742 = arith.mulf %get3A_738, %get3A_741 : vector<16xf32>
        %swap3A_743 = arith.index_cast %scan3A_735 : i32 to index
        %swap3A_744 = arith.constant 0 : index
        %swap3A_745 = tpu.vector_load %arg10[%swap3A_743, %swap3A_744] {strides = array<i32>} : memref<80x128xf32, #tpu.memory_space<vmem>>, vector<16xf32>,
        tpu.vector_store %arg10[%swap3A_743, %swap3A_744], %mul3A_742 {strides = array<i32>} : memref<80x128xf32, #tpu.memory_space<vmem>>, vector<16xf32>,
        %get3A_746 = arith.index_cast %scan3A_735 : i32 to index
        %get3A_747 = arith.constant 16 : index
        %get3A_748 = tpu.vector_load %arg10[%get3A_746, %get3A_747] {strides = array<i32>} : memref<80x128xf32, #tpu.memory_space<vmem>>, vector<16xf32>,
        %get3A_749 = arith.index_cast %scan3A_735 : i32 to index
        %get3A_750 = arith.constant 16 : index
        %get3A_751 = tpu.vector_load %arg12[%get3A_749, %get3A_750] {strides = array<i32>} : memref<80x128xf32, #tpu.memory_space<vmem>>, vector<16xf32>,
        %mul3A_752 = arith.mulf %get3A_748, %get3A_751 : vector<16xf32>
        %swap3A_753 = arith.index_cast %scan3A_735 : i32 to index
        %swap3A_754 = arith.constant 16 : index
        %swap3A_755 = tpu.vector_load %arg10[%swap3A_753, %swap3A_754] {strides = array<i32>} : memref<80x128xf32, #tpu.memory_space<vmem>>, vector<16xf32>,
        tpu.vector_store %arg10[%swap3A_753, %swap3A_754], %mul3A_752 {strides = array<i32>} : memref<80x128xf32, #tpu.memory_space<vmem>>, vector<16xf32>,
        %get3A_756 = arith.index_cast %scan3A_735 : i32 to index
        %get3A_757 = arith.constant 32 : index
        %get3A_758 = tpu.vector_load %arg10[%get3A_756, %get3A_757] {strides = array<i32>} : memref<80x128xf32, #tpu.memory_space<vmem>>, vector<16xf32>,
        %get3A_759 = arith.index_cast %scan3A_735 : i32 to index
        %get3A_760 = arith.constant 32 : index
        %get3A_761 = tpu.vector_load %arg12[%get3A_759, %get3A_760] {strides = array<i32>} : memref<80x128xf32, #tpu.memory_space<vmem>>, vector<16xf32>,
        %mul3A_762 = arith.mulf %get3A_758, %get3A_761 : vector<16xf32>
        %swap3A_763 = arith.index_cast %scan3A_735 : i32 to index
        %swap3A_764 = arith.constant 32 : index
        %swap3A_765 = tpu.vector_load %arg10[%swap3A_763, %swap3A_764] {strides = array<i32>} : memref<80x128xf32, #tpu.memory_space<vmem>>, vector<16xf32>,
        tpu.vector_store %arg10[%swap3A_763, %swap3A_764], %mul3A_762 {strides = array<i32>} : memref<80x128xf32, #tpu.memory_space<vmem>>, vector<16xf32>,
        %get3A_766 = arith.index_cast %scan3A_735 : i32 to index
        %get3A_767 = arith.constant 48 : index
        %get3A_768 = tpu.vector_load %arg10[%get3A_766, %get3A_767] {strides = array<i32>} : memref<80x128xf32, #tpu.memory_space<vmem>>, vector<16xf32>,
        %get3A_769 = arith.index_cast %scan3A_735 : i32 to index
        %get3A_770 = arith.constant 48 : index
        %get3A_771 = tpu.vector_load %arg12[%get3A_769, %get3A_770] {strides = array<i32>} : memref<80x128xf32, #tpu.memory_space<vmem>>, vector<16xf32>,
        %mul3A_772 = arith.mulf %get3A_768, %get3A_771 : vector<16xf32>
        %swap3A_773 = arith.index_cast %scan3A_735 : i32 to index
        %swap3A_774 = arith.constant 48 : index
        %swap3A_775 = tpu.vector_load %arg10[%swap3A_773, %swap3A_774] {strides = array<i32>} : memref<80x128xf32, #tpu.memory_space<vmem>>, vector<16xf32>,
        tpu.vector_store %arg10[%swap3A_773, %swap3A_774], %mul3A_772 {strides = array<i32>} : memref<80x128xf32, #tpu.memory_space<vmem>>, vector<16xf32>,
        %get3A_776 = arith.index_cast %scan3A_735 : i32 to index
        %get3A_777 = arith.constant 64 : index
        %get3A_778 = tpu.vector_load %arg10[%get3A_776, %get3A_777] {strides = array<i32>} : memref<80x128xf32, #tpu.memory_space<vmem>>, vector<16xf32>,
        %get3A_779 = arith.index_cast %scan3A_735 : i32 to index
        %get3A_780 = arith.constant 64 : index
        %get3A_781 = tpu.vector_load %arg12[%get3A_779, %get3A_780] {strides = array<i32>} : memref<80x128xf32, #tpu.memory_space<vmem>>, vector<16xf32>,
        %mul3A_782 = arith.mulf %get3A_778, %get3A_781 : vector<16xf32>
        %swap3A_783 = arith.index_cast %scan3A_735 : i32 to index
        %swap3A_784 = arith.constant 64 : index
        %swap3A_785 = tpu.vector_load %arg10[%swap3A_783, %swap3A_784] {strides = array<i32>} : memref<80x128xf32, #tpu.memory_space<vmem>>, vector<16xf32>,
        tpu.vector_store %arg10[%swap3A_783, %swap3A_784], %mul3A_782 {strides = array<i32>} : memref<80x128xf32, #tpu.memory_space<vmem>>, vector<16xf32>,
        %get3A_786 = arith.index_cast %scan3A_735 : i32 to index
        %get3A_787 = arith.constant 80 : index
        %get3A_788 = tpu.vector_load %arg10[%get3A_786, %get3A_787] {strides = array<i32>} : memref<80x128xf32, #tpu.memory_space<vmem>>, vector<16xf32>,
        %get3A_789 = arith.index_cast %scan3A_735 : i32 to index
        %get3A_790 = arith.constant 80 : index
        %get3A_791 = tpu.vector_load %arg12[%get3A_789, %get3A_790] {strides = array<i32>} : memref<80x128xf32, #tpu.memory_space<vmem>>, vector<16xf32>,
        %mul3A_792 = arith.mulf %get3A_788, %get3A_791 : vector<16xf32>
        %swap3A_793 = arith.index_cast %scan3A_735 : i32 to index
        %swap3A_794 = arith.constant 80 : index
        %swap3A_795 = tpu.vector_load %arg10[%swap3A_793, %swap3A_794] {strides = array<i32>} : memref<80x128xf32, #tpu.memory_space<vmem>>, vector<16xf32>,
        tpu.vector_store %arg10[%swap3A_793, %swap3A_794], %mul3A_792 {strides = array<i32>} : memref<80x128xf32, #tpu.memory_space<vmem>>, vector<16xf32>,
        %get3A_796 = arith.index_cast %scan3A_735 : i32 to index
        %get3A_797 = arith.constant 96 : index
        %get3A_798 = tpu.vector_load %arg10[%get3A_796, %get3A_797] {strides = array<i32>} : memref<80x128xf32, #tpu.memory_space<vmem>>, vector<16xf32>,
        %get3A_799 = arith.index_cast %scan3A_735 : i32 to index
        %get3A_800 = arith.constant 96 : index
        %get3A_801 = tpu.vector_load %arg12[%get3A_799, %get3A_800] {strides = array<i32>} : memref<80x128xf32, #tpu.memory_space<vmem>>, vector<16xf32>,
        %mul3A_802 = arith.mulf %get3A_798, %get3A_801 : vector<16xf32>
        %swap3A_803 = arith.index_cast %scan3A_735 : i32 to index
        %swap3A_804 = arith.constant 96 : index
        %swap3A_805 = tpu.vector_load %arg10[%swap3A_803, %swap3A_804] {strides = array<i32>} : memref<80x128xf32, #tpu.memory_space<vmem>>, vector<16xf32>,
        tpu.vector_store %arg10[%swap3A_803, %swap3A_804], %mul3A_802 {strides = array<i32>} : memref<80x128xf32, #tpu.memory_space<vmem>>, vector<16xf32>,
        %get3A_806 = arith.index_cast %scan3A_735 : i32 to index
        %get3A_807 = arith.constant 112 : index
        %get3A_808 = tpu.vector_load %arg10[%get3A_806, %get3A_807] {strides = array<i32>} : memref<80x128xf32, #tpu.memory_space<vmem>>, vector<16xf32>,
        %get3A_809 = arith.index_cast %scan3A_735 : i32 to index
        %get3A_810 = arith.constant 112 : index
        %get3A_811 = tpu.vector_load %arg12[%get3A_809, %get3A_810] {strides = array<i32>} : memref<80x128xf32, #tpu.memory_space<vmem>>, vector<16xf32>,
        %mul3A_812 = arith.mulf %get3A_808, %get3A_811 : vector<16xf32>
        %swap3A_813 = arith.index_cast %scan3A_735 : i32 to index
        %swap3A_814 = arith.constant 112 : index
        %swap3A_815 = tpu.vector_load %arg10[%swap3A_813, %swap3A_814] {strides = array<i32>} : memref<80x128xf32, #tpu.memory_space<vmem>>, vector<16xf32>,
        tpu.vector_store %arg10[%swap3A_813, %swap3A_814], %mul3A_812 {strides = array<i32>} : memref<80x128xf32, #tpu.memory_space<vmem>>, vector<16xf32>,
      }
      %scan3A_532 = arith.constant 80 : i32
      %mul3A_533 = arith.constant 80 : i32
      %mul3A_534 = arith.muli %mul3A_378, %mul3A_533 : i32
      %dma_start3A_535 = arith.constant 0 : i32
      %dma_start3A_536 = tpu.memref_slice %arg6[%add3A, %mul3A_534, %dma_start3A_535] : memref<32x10000x128xf32, #tpu.memory_space<hbm>> -> memref<1x80x128xf32, #tpu.memory_space<hbm>>
      %dma_start3A_537 = tpu.memref_squeeze %dma_start3A_536 : memref<1x80x128xf32, #tpu.memory_space<hbm>> -> memref<80x128xf32, #tpu.memory_space<hbm>>
      %dma_start3A_538 = arith.constant 0 : i32
      %dma_start3A_539 = tpu.memref_slice %arg6[%add3A, %mul3A_534, %dma_start3A_538] : memref<32x10000x128xf32, #tpu.memory_space<hbm>> -> memref<1x80x128xf32, #tpu.memory_space<hbm>>
      %dma_start3A_540 = tpu.memref_squeeze %dma_start3A_539 : memref<1x80x128xf32, #tpu.memory_space<hbm>> -> memref<80x128xf32, #tpu.memory_space<hbm>>
      tpu.enqueue_dma source(%arg10 : memref<80x128xf32, #tpu.memory_space<vmem>>) target(%dma_start3A_540 : memref<80x128xf32, #tpu.memory_space<hbm>>) target_semaphore(%arg19 : memref<!tpu.dma_semaphore, #tpu.memory_space<semaphore_mem>>)
      %run_scoped3A_541 = arith.constant 0 : i32
      "tpu.region"() ({
        %run_scoped3A_735 = tpu.sem_alloc : memref<!tpu.dma_semaphore, #tpu.memory_space<semaphore_mem>>
        %dma_start3A_736 = arith.constant 0 : i32
        %dma_start3A_737 = tpu.memref_slice %arg9[%run_scoped3A_541, %dma_start3A_736] : memref<2x80xi32, #tpu.memory_space<vmem>> -> memref<1x80xi32, #tpu.memory_space<vmem>>
        %dma_start3A_738 = tpu.memref_squeeze %dma_start3A_737 : memref<1x80xi32, #tpu.memory_space<vmem>> -> memref<80xi32, #tpu.memory_space<vmem>>
        %dma_start3A_739 = arith.constant 0 : i32
        %dma_start3A_740 = arith.constant 0 : i32
        %dma_start3A_741 = tpu.memref_slice %arg14[%dma_start3A_739, %dma_start3A_740] : memref<5128x128xf32, #tpu.memory_space<vmem_shared>> -> memref<5128x128xf32, #tpu.memory_space<vmem_shared>>
        tpu.enqueue_indirect_dma source(%arg10 : memref<80x128xf32, #tpu.memory_space<vmem>>) target(%dma_start3A_741 : memref<5128x128xf32, #tpu.memory_space<vmem_shared>>) offsets(%dma_start3A_738 : memref<80xi32, #tpu.memory_space<vmem>>) semaphore(%run_scoped3A_735 : memref<!tpu.dma_semaphore, #tpu.memory_space<semaphore_mem>>) {add = true}
        %dma_wait3A_742 = arith.constant 0 : i32
        %dma_wait3A_743 = tpu.memref_slice %arg9[%run_scoped3A_541, %dma_wait3A_742] : memref<2x80xi32, #tpu.memory_space<vmem>> -> memref<1x80xi32, #tpu.memory_space<vmem>>
        %dma_wait3A_744 = tpu.memref_squeeze %dma_wait3A_743 : memref<1x80xi32, #tpu.memory_space<vmem>> -> memref<80xi32, #tpu.memory_space<vmem>>
        %dma_wait3A_745 = arith.constant 0 : i32
        %dma_wait3A_746 = arith.constant 0 : i32
        %dma_wait3A_747 = tpu.memref_slice %arg14[%dma_wait3A_745, %dma_wait3A_746] : memref<5128x128xf32, #tpu.memory_space<vmem_shared>> -> memref<5128x128xf32, #tpu.memory_space<vmem_shared>>
        tpu.wait_indirect_dma semaphore(%run_scoped3A_735 : memref<!tpu.dma_semaphore, #tpu.memory_space<semaphore_mem>>) src(%arg10 : memref<80x128xf32, #tpu.memory_space<vmem>>) dst(%dma_wait3A_747 : memref<5128x128xf32, #tpu.memory_space<vmem_shared>>)
        tpu.yield
      }) : () -> ()
      %mul3A_542 = arith.constant 80 : i32
      %mul3A_543 = arith.muli %mul3A_378, %mul3A_542 : i32
      %dma_wait3A_544 = arith.constant 0 : i32
      %dma_wait3A_545 = tpu.memref_slice %arg6[%add3A, %mul3A_543, %dma_wait3A_544] : memref<32x10000x128xf32, #tpu.memory_space<hbm>> -> memref<1x80x128xf32, #tpu.memory_space<hbm>>
      %dma_wait3A_546 = tpu.memref_squeeze %dma_wait3A_545 : memref<1x80x128xf32, #tpu.memory_space<hbm>> -> memref<80x128xf32, #tpu.memory_space<hbm>>
      %dma_wait3A_547 = arith.constant 0 : i32
      %dma_wait3A_548 = tpu.memref_slice %arg6[%add3A, %mul3A_543, %dma_wait3A_547] : memref<32x10000x128xf32, #tpu.memory_space<hbm>> -> memref<1x80x128xf32, #tpu.memory_space<hbm>>
      %dma_wait3A_549 = tpu.memref_squeeze %dma_wait3A_548 : memref<1x80x128xf32, #tpu.memory_space<hbm>> -> memref<80x128xf32, #tpu.memory_space<hbm>>
      tpu.wait_dma2 semaphore(%arg19 : memref<!tpu.dma_semaphore, #tpu.memory_space<semaphore_mem>>) src(%arg10 : memref<80x128xf32, #tpu.memory_space<vmem>>) dst(%dma_wait3A_549 : memref<80x128xf32, #tpu.memory_space<hbm>>)
      %add3A_550 = arith.constant 2 : i32
      %add3A_551 = arith.addi %mul3A_378, %add3A_550 : i32
      %mul3A_552 = arith.constant 80 : i32
      %mul3A_553 = arith.muli %add3A_551, %mul3A_552 : i32
      %dma_start3A_554 = tpu.memref_slice %arg7[%mul3A_553] : memref<10000xi32, #tpu.memory_space<vmem>> -> memref<80xi32, #tpu.memory_space<vmem>>
      %dma_start3A_555 = arith.constant 0 : i32
      %dma_start3A_556 = arith.constant 0 : i32
      %dma_start3A_557 = tpu.memref_slice %arg2[%dma_start3A_555, %dma_start3A_556] : memref<10000x128xf32, #tpu.memory_space<hbm>> -> memref<10000x128xf32, #tpu.memory_space<hbm>>
      tpu.enqueue_indirect_dma source(%dma_start3A_557 : memref<10000x128xf32, #tpu.memory_space<hbm>>) target(%arg10 : memref<80x128xf32, #tpu.memory_space<vmem>>) offsets(%dma_start3A_554 : memref<80xi32, #tpu.memory_space<vmem>>) semaphore(%arg15 : memref<!tpu.dma_semaphore, #tpu.memory_space<semaphore_mem>>)
      %mul3A_558 = arith.constant 80 : i32
      %mul3A_559 = arith.muli %add3A_551, %mul3A_558 : i32
      %add3A_560 = arith.addi %mul3A_3, %mul3A_559 : i32
      %dma_start3A_561 = arith.constant 0 : i32
      %dma_start3A_562 = tpu.memref_slice %arg3[%add3A_560, %dma_start3A_561] : memref<320000x128xf32, #tpu.memory_space<hbm>> -> memref<80x128xf32, #tpu.memory_space<hbm>>
      %dma_start3A_563 = arith.constant 0 : i32
      %dma_start3A_564 = tpu.memref_slice %arg3[%add3A_560, %dma_start3A_563] : memref<320000x128xf32, #tpu.memory_space<hbm>> -> memref<80x128xf32, #tpu.memory_space<hbm>>
      tpu.enqueue_dma source(%dma_start3A_564 : memref<80x128xf32, #tpu.memory_space<hbm>>) target(%arg12 : memref<80x128xf32, #tpu.memory_space<vmem>>) target_semaphore(%arg17 : memref<!tpu.dma_semaphore, #tpu.memory_space<semaphore_mem>>)
      %add3A_565 = arith.constant 1 : i32
      %add3A_566 = arith.addi %mul3A_378, %add3A_565 : i32
      %mul3A_567 = arith.constant 80 : i32
      %mul3A_568 = arith.muli %add3A_566, %mul3A_567 : i32
      %add3A_569 = arith.constant 0 : i32
      %add3A_570 = arith.addi %mul3A_568, %add3A_569 : i32
      %get3A_571 = arith.index_cast %add3A_570 : i32 to index
      %get3A_572 = tpu.vector_load %arg8[%get3A_571] {strides = array<i32>} : memref<10000xi32, #tpu.memory_space<vmem>>, vector<16xi32>,
      %sub3A_573 = arith.constant 0 : i32
      %sub3A_574 = vector.broadcast %sub3A_573 : i32 to vector<16xi32>
      %sub3A_575 = arith.subi %get3A_572, %sub3A_574 : vector<16xi32>
      %ge3A_576 = arith.constant 0 : i32
      %ge3A_577 = vector.broadcast %ge3A_576 : i32 to vector<16xi32>
      %ge3A_578 = arith.cmpi sge, %sub3A_575, %ge3A_577 : vector<16xi32>
      %lt3A_579 = arith.constant 5120 : i32
      %lt3A_580 = vector.broadcast %lt3A_579 : i32 to vector<16xi32>
      %lt3A_581 = arith.cmpi slt, %sub3A_575, %lt3A_580 : vector<16xi32>
      %and3A_582 = arith.andi %ge3A_578, %lt3A_581 : vector<16xi1>
      %and3A_583 = arith.constant 7 : i32
      %and3A_584 = vector.broadcast %and3A_583 : i32 to vector<16xi32>
      %and3A_585 = arith.andi %sub3A_575, %and3A_584 : vector<16xi32>
      %add3A_586 = arith.constant 5120 : i32
      %add3A_587 = vector.broadcast %add3A_586 : i32 to vector<16xi32>
      %add3A_588 = arith.addi %add3A_587, %and3A_585 : vector<16xi32>
      %select_n3A_589 = arith.select %and3A_582, %sub3A_575, %add3A_588 : vector<16xi1>, vector<16xi32>
      %swap3A_590 = arith.constant 1 : i32
      %swap3A_591 = arith.index_cast %swap3A_590 : i32 to index
      %swap3A_592 = arith.constant 0 : index
      %swap3A_593 = tpu.vector_load %arg9[%swap3A_591, %swap3A_592] {strides = array<i32>} : memref<2x80xi32, #tpu.memory_space<vmem>>, vector<16xi32>,
      tpu.vector_store %arg9[%swap3A_591, %swap3A_592], %select_n3A_589 {strides = array<i32>} : memref<2x80xi32, #tpu.memory_space<vmem>>, vector<16xi32>,
      %mul3A_594 = arith.constant 80 : i32
      %mul3A_595 = arith.muli %add3A_566, %mul3A_594 : i32
      %add3A_596 = arith.constant 16 : i32
      %add3A_597 = arith.addi %mul3A_595, %add3A_596 : i32
      %get3A_598 = arith.index_cast %add3A_597 : i32 to index
      %get3A_599 = tpu.vector_load %arg8[%get3A_598] {strides = array<i32>} : memref<10000xi32, #tpu.memory_space<vmem>>, vector<16xi32>,
      %sub3A_600 = arith.constant 0 : i32
      %sub3A_601 = vector.broadcast %sub3A_600 : i32 to vector<16xi32>
      %sub3A_602 = arith.subi %get3A_599, %sub3A_601 : vector<16xi32>
      %ge3A_603 = arith.constant 0 : i32
      %ge3A_604 = vector.broadcast %ge3A_603 : i32 to vector<16xi32>
      %ge3A_605 = arith.cmpi sge, %sub3A_602, %ge3A_604 : vector<16xi32>
      %lt3A_606 = arith.constant 5120 : i32
      %lt3A_607 = vector.broadcast %lt3A_606 : i32 to vector<16xi32>
      %lt3A_608 = arith.cmpi slt, %sub3A_602, %lt3A_607 : vector<16xi32>
      %and3A_609 = arith.andi %ge3A_605, %lt3A_608 : vector<16xi1>
      %and3A_610 = arith.constant 7 : i32
      %and3A_611 = vector.broadcast %and3A_610 : i32 to vector<16xi32>
      %and3A_612 = arith.andi %sub3A_602, %and3A_611 : vector<16xi32>
      %add3A_613 = arith.constant 5120 : i32
      %add3A_614 = vector.broadcast %add3A_613 : i32 to vector<16xi32>
      %add3A_615 = arith.addi %add3A_614, %and3A_612 : vector<16xi32>
      %select_n3A_616 = arith.select %and3A_609, %sub3A_602, %add3A_615 : vector<16xi1>, vector<16xi32>
      %swap3A_617 = arith.constant 1 : i32
      %swap3A_618 = arith.index_cast %swap3A_617 : i32 to index
      %swap3A_619 = arith.constant 16 : index
      %swap3A_620 = tpu.vector_load %arg9[%swap3A_618, %swap3A_619] {strides = array<i32>} : memref<2x80xi32, #tpu.memory_space<vmem>>, vector<16xi32>,
      tpu.vector_store %arg9[%swap3A_618, %swap3A_619], %select_n3A_616 {strides = array<i32>} : memref<2x80xi32, #tpu.memory_space<vmem>>, vector<16xi32>,
      %mul3A_621 = arith.constant 80 : i32
      %mul3A_622 = arith.muli %add3A_566, %mul3A_621 : i32
      %add3A_623 = arith.constant 32 : i32
      %add3A_624 = arith.addi %mul3A_622, %add3A_623 : i32
      %get3A_625 = arith.index_cast %add3A_624 : i32 to index
      %get3A_626 = tpu.vector_load %arg8[%get3A_625] {strides = array<i32>} : memref<10000xi32, #tpu.memory_space<vmem>>, vector<16xi32>,
      %sub3A_627 = arith.constant 0 : i32
      %sub3A_628 = vector.broadcast %sub3A_627 : i32 to vector<16xi32>
      %sub3A_629 = arith.subi %get3A_626, %sub3A_628 : vector<16xi32>
      %ge3A_630 = arith.constant 0 : i32
      %ge3A_631 = vector.broadcast %ge3A_630 : i32 to vector<16xi32>
      %ge3A_632 = arith.cmpi sge, %sub3A_629, %ge3A_631 : vector<16xi32>
      %lt3A_633 = arith.constant 5120 : i32
      %lt3A_634 = vector.broadcast %lt3A_633 : i32 to vector<16xi32>
      %lt3A_635 = arith.cmpi slt, %sub3A_629, %lt3A_634 : vector<16xi32>
      %and3A_636 = arith.andi %ge3A_632, %lt3A_635 : vector<16xi1>
      %and3A_637 = arith.constant 7 : i32
      %and3A_638 = vector.broadcast %and3A_637 : i32 to vector<16xi32>
      %and3A_639 = arith.andi %sub3A_629, %and3A_638 : vector<16xi32>
      %add3A_640 = arith.constant 5120 : i32
      %add3A_641 = vector.broadcast %add3A_640 : i32 to vector<16xi32>
      %add3A_642 = arith.addi %add3A_641, %and3A_639 : vector<16xi32>
      %select_n3A_643 = arith.select %and3A_636, %sub3A_629, %add3A_642 : vector<16xi1>, vector<16xi32>
      %swap3A_644 = arith.constant 1 : i32
      %swap3A_645 = arith.index_cast %swap3A_644 : i32 to index
      %swap3A_646 = arith.constant 32 : index
      %swap3A_647 = tpu.vector_load %arg9[%swap3A_645, %swap3A_646] {strides = array<i32>} : memref<2x80xi32, #tpu.memory_space<vmem>>, vector<16xi32>,
      tpu.vector_store %arg9[%swap3A_645, %swap3A_646], %select_n3A_643 {strides = array<i32>} : memref<2x80xi32, #tpu.memory_space<vmem>>, vector<16xi32>,
      %mul3A_648 = arith.constant 80 : i32
      %mul3A_649 = arith.muli %add3A_566, %mul3A_648 : i32
      %add3A_650 = arith.constant 48 : i32
      %add3A_651 = arith.addi %mul3A_649, %add3A_650 : i32
      %get3A_652 = arith.index_cast %add3A_651 : i32 to index
      %get3A_653 = tpu.vector_load %arg8[%get3A_652] {strides = array<i32>} : memref<10000xi32, #tpu.memory_space<vmem>>, vector<16xi32>,
      %sub3A_654 = arith.constant 0 : i32
      %sub3A_655 = vector.broadcast %sub3A_654 : i32 to vector<16xi32>
      %sub3A_656 = arith.subi %get3A_653, %sub3A_655 : vector<16xi32>
      %ge3A_657 = arith.constant 0 : i32
      %ge3A_658 = vector.broadcast %ge3A_657 : i32 to vector<16xi32>
      %ge3A_659 = arith.cmpi sge, %sub3A_656, %ge3A_658 : vector<16xi32>
      %lt3A_660 = arith.constant 5120 : i32
      %lt3A_661 = vector.broadcast %lt3A_660 : i32 to vector<16xi32>
      %lt3A_662 = arith.cmpi slt, %sub3A_656, %lt3A_661 : vector<16xi32>
      %and3A_663 = arith.andi %ge3A_659, %lt3A_662 : vector<16xi1>
      %and3A_664 = arith.constant 7 : i32
      %and3A_665 = vector.broadcast %and3A_664 : i32 to vector<16xi32>
      %and3A_666 = arith.andi %sub3A_656, %and3A_665 : vector<16xi32>
      %add3A_667 = arith.constant 5120 : i32
      %add3A_668 = vector.broadcast %add3A_667 : i32 to vector<16xi32>
      %add3A_669 = arith.addi %add3A_668, %and3A_666 : vector<16xi32>
      %select_n3A_670 = arith.select %and3A_663, %sub3A_656, %add3A_669 : vector<16xi1>, vector<16xi32>
      %swap3A_671 = arith.constant 1 : i32
      %swap3A_672 = arith.index_cast %swap3A_671 : i32 to index
      %swap3A_673 = arith.constant 48 : index
      %swap3A_674 = tpu.vector_load %arg9[%swap3A_672, %swap3A_673] {strides = array<i32>} : memref<2x80xi32, #tpu.memory_space<vmem>>, vector<16xi32>,
      tpu.vector_store %arg9[%swap3A_672, %swap3A_673], %select_n3A_670 {strides = array<i32>} : memref<2x80xi32, #tpu.memory_space<vmem>>, vector<16xi32>,
      %mul3A_675 = arith.constant 80 : i32
      %mul3A_676 = arith.muli %add3A_566, %mul3A_675 : i32
      %add3A_677 = arith.constant 64 : i32
      %add3A_678 = arith.addi %mul3A_676, %add3A_677 : i32
      %get3A_679 = arith.index_cast %add3A_678 : i32 to index
      %get3A_680 = tpu.vector_load %arg8[%get3A_679] {strides = array<i32>} : memref<10000xi32, #tpu.memory_space<vmem>>, vector<16xi32>,
      %sub3A_681 = arith.constant 0 : i32
      %sub3A_682 = vector.broadcast %sub3A_681 : i32 to vector<16xi32>
      %sub3A_683 = arith.subi %get3A_680, %sub3A_682 : vector<16xi32>
      %ge3A_684 = arith.constant 0 : i32
      %ge3A_685 = vector.broadcast %ge3A_684 : i32 to vector<16xi32>
      %ge3A_686 = arith.cmpi sge, %sub3A_683, %ge3A_685 : vector<16xi32>
      %lt3A_687 = arith.constant 5120 : i32
      %lt3A_688 = vector.broadcast %lt3A_687 : i32 to vector<16xi32>
      %lt3A_689 = arith.cmpi slt, %sub3A_683, %lt3A_688 : vector<16xi32>
      %and3A_690 = arith.andi %ge3A_686, %lt3A_689 : vector<16xi1>
      %and3A_691 = arith.constant 7 : i32
      %and3A_692 = vector.broadcast %and3A_691 : i32 to vector<16xi32>
      %and3A_693 = arith.andi %sub3A_683, %and3A_692 : vector<16xi32>
      %add3A_694 = arith.constant 5120 : i32
      %add3A_695 = vector.broadcast %add3A_694 : i32 to vector<16xi32>
      %add3A_696 = arith.addi %add3A_695, %and3A_693 : vector<16xi32>
      %select_n3A_697 = arith.select %and3A_690, %sub3A_683, %add3A_696 : vector<16xi1>, vector<16xi32>
      %swap3A_698 = arith.constant 1 : i32
      %swap3A_699 = arith.index_cast %swap3A_698 : i32 to index
      %swap3A_700 = arith.constant 64 : index
      %swap3A_701 = tpu.vector_load %arg9[%swap3A_699, %swap3A_700] {strides = array<i32>} : memref<2x80xi32, #tpu.memory_space<vmem>>, vector<16xi32>,
      tpu.vector_store %arg9[%swap3A_699, %swap3A_700], %select_n3A_697 {strides = array<i32>} : memref<2x80xi32, #tpu.memory_space<vmem>>, vector<16xi32>,
      %mul3A_702 = arith.constant 80 : i32
      %mul3A_703 = arith.muli %add3A_566, %mul3A_702 : i32
      %dma_wait3A_704 = tpu.memref_slice %arg7[%mul3A_703] : memref<10000xi32, #tpu.memory_space<vmem>> -> memref<80xi32, #tpu.memory_space<vmem>>
      %dma_wait3A_705 = arith.constant 0 : i32
      %dma_wait3A_706 = arith.constant 0 : i32
      %dma_wait3A_707 = tpu.memref_slice %arg2[%dma_wait3A_705, %dma_wait3A_706] : memref<10000x128xf32, #tpu.memory_space<hbm>> -> memref<10000x128xf32, #tpu.memory_space<hbm>>
      tpu.wait_indirect_dma semaphore(%arg16 : memref<!tpu.dma_semaphore, #tpu.memory_space<semaphore_mem>>) src(%dma_wait3A_707 : memref<10000x128xf32, #tpu.memory_space<hbm>>) dst(%arg11 : memref<80x128xf32, #tpu.memory_space<vmem>>)
      %mul3A_708 = arith.constant 80 : i32
      %mul3A_709 = arith.muli %add3A_566, %mul3A_708 : i32
      %add3A_710 = arith.addi %mul3A_3, %mul3A_709 : i32
      %dma_wait3A_711 = arith.constant 0 : i32
      %dma_wait3A_712 = tpu.memref_slice %arg3[%add3A_710, %dma_wait3A_711] : memref<320000x128xf32, #tpu.memory_space<hbm>> -> memref<80x128xf32, #tpu.memory_space<hbm>>
      %dma_wait3A_713 = arith.constant 0 : i32
      %dma_wait3A_714 = tpu.memref_slice %arg3[%add3A_710, %dma_wait3A_713] : memref<320000x128xf32, #tpu.memory_space<hbm>> -> memref<80x128xf32, #tpu.memory_space<hbm>>
      tpu.wait_dma2 semaphore(%arg18 : memref<!tpu.dma_semaphore, #tpu.memory_space<semaphore_mem>>) src(%dma_wait3A_714 : memref<80x128xf32, #tpu.memory_space<hbm>>) dst(%arg13 : memref<80x128xf32, #tpu.memory_space<vmem>>)
      %scan3A_715 = arith.constant 0 : i32
      %scan3A_716 = arith.constant 0 : i32
      %scan3A_717 = arith.constant 80 : i32
      %scan3A_718 = arith.addi %scan3A_716, %scan3A_717 : i32
      %scan3A_719 = arith.constant 1 : i32
      scf.for %scan3A_735 = %scan3A_716 to %scan3A_718 step %scan3A_719  : i32 {
        %get3A_736 = arith.index_cast %scan3A_735 : i32 to index
        %get3A_737 = arith.constant 0 : index
        %get3A_738 = tpu.vector_load %arg11[%get3A_736, %get3A_737] {strides = array<i32>} : memref<80x128xf32, #tpu.memory_space<vmem>>, vector<16xf32>,
        %get3A_739 = arith.index_cast %scan3A_735 : i32 to index
        %get3A_740 = arith.constant 0 : index
        %get3A_741 = tpu.vector_load %arg13[%get3A_739, %get3A_740] {strides = array<i32>} : memref<80x128xf32, #tpu.memory_space<vmem>>, vector<16xf32>,
        %mul3A_742 = arith.mulf %get3A_738, %get3A_741 : vector<16xf32>
        %swap3A_743 = arith.index_cast %scan3A_735 : i32 to index
        %swap3A_744 = arith.constant 0 : index
        %swap3A_745 = tpu.vector_load %arg11[%swap3A_743, %swap3A_744] {strides = array<i32>} : memref<80x128xf32, #tpu.memory_space<vmem>>, vector<16xf32>,
        tpu.vector_store %arg11[%swap3A_743, %swap3A_744], %mul3A_742 {strides = array<i32>} : memref<80x128xf32, #tpu.memory_space<vmem>>, vector<16xf32>,
        %get3A_746 = arith.index_cast %scan3A_735 : i32 to index
        %get3A_747 = arith.constant 16 : index
        %get3A_748 = tpu.vector_load %arg11[%get3A_746, %get3A_747] {strides = array<i32>} : memref<80x128xf32, #tpu.memory_space<vmem>>, vector<16xf32>,
        %get3A_749 = arith.index_cast %scan3A_735 : i32 to index
        %get3A_750 = arith.constant 16 : index
        %get3A_751 = tpu.vector_load %arg13[%get3A_749, %get3A_750] {strides = array<i32>} : memref<80x128xf32, #tpu.memory_space<vmem>>, vector<16xf32>,
        %mul3A_752 = arith.mulf %get3A_748, %get3A_751 : vector<16xf32>
        %swap3A_753 = arith.index_cast %scan3A_735 : i32 to index
        %swap3A_754 = arith.constant 16 : index
        %swap3A_755 = tpu.vector_load %arg11[%swap3A_753, %swap3A_754] {strides = array<i32>} : memref<80x128xf32, #tpu.memory_space<vmem>>, vector<16xf32>,
        tpu.vector_store %arg11[%swap3A_753, %swap3A_754], %mul3A_752 {strides = array<i32>} : memref<80x128xf32, #tpu.memory_space<vmem>>, vector<16xf32>,
        %get3A_756 = arith.index_cast %scan3A_735 : i32 to index
        %get3A_757 = arith.constant 32 : index
        %get3A_758 = tpu.vector_load %arg11[%get3A_756, %get3A_757] {strides = array<i32>} : memref<80x128xf32, #tpu.memory_space<vmem>>, vector<16xf32>,
        %get3A_759 = arith.index_cast %scan3A_735 : i32 to index
        %get3A_760 = arith.constant 32 : index
        %get3A_761 = tpu.vector_load %arg13[%get3A_759, %get3A_760] {strides = array<i32>} : memref<80x128xf32, #tpu.memory_space<vmem>>, vector<16xf32>,
        %mul3A_762 = arith.mulf %get3A_758, %get3A_761 : vector<16xf32>
        %swap3A_763 = arith.index_cast %scan3A_735 : i32 to index
        %swap3A_764 = arith.constant 32 : index
        %swap3A_765 = tpu.vector_load %arg11[%swap3A_763, %swap3A_764] {strides = array<i32>} : memref<80x128xf32, #tpu.memory_space<vmem>>, vector<16xf32>,
        tpu.vector_store %arg11[%swap3A_763, %swap3A_764], %mul3A_762 {strides = array<i32>} : memref<80x128xf32, #tpu.memory_space<vmem>>, vector<16xf32>,
        %get3A_766 = arith.index_cast %scan3A_735 : i32 to index
        %get3A_767 = arith.constant 48 : index
        %get3A_768 = tpu.vector_load %arg11[%get3A_766, %get3A_767] {strides = array<i32>} : memref<80x128xf32, #tpu.memory_space<vmem>>, vector<16xf32>,
        %get3A_769 = arith.index_cast %scan3A_735 : i32 to index
        %get3A_770 = arith.constant 48 : index
        %get3A_771 = tpu.vector_load %arg13[%get3A_769, %get3A_770] {strides = array<i32>} : memref<80x128xf32, #tpu.memory_space<vmem>>, vector<16xf32>,
        %mul3A_772 = arith.mulf %get3A_768, %get3A_771 : vector<16xf32>
        %swap3A_773 = arith.index_cast %scan3A_735 : i32 to index
        %swap3A_774 = arith.constant 48 : index
        %swap3A_775 = tpu.vector_load %arg11[%swap3A_773, %swap3A_774] {strides = array<i32>} : memref<80x128xf32, #tpu.memory_space<vmem>>, vector<16xf32>,
        tpu.vector_store %arg11[%swap3A_773, %swap3A_774], %mul3A_772 {strides = array<i32>} : memref<80x128xf32, #tpu.memory_space<vmem>>, vector<16xf32>,
        %get3A_776 = arith.index_cast %scan3A_735 : i32 to index
        %get3A_777 = arith.constant 64 : index
        %get3A_778 = tpu.vector_load %arg11[%get3A_776, %get3A_777] {strides = array<i32>} : memref<80x128xf32, #tpu.memory_space<vmem>>, vector<16xf32>,
        %get3A_779 = arith.index_cast %scan3A_735 : i32 to index
        %get3A_780 = arith.constant 64 : index
        %get3A_781 = tpu.vector_load %arg13[%get3A_779, %get3A_780] {strides = array<i32>} : memref<80x128xf32, #tpu.memory_space<vmem>>, vector<16xf32>,
        %mul3A_782 = arith.mulf %get3A_778, %get3A_781 : vector<16xf32>
        %swap3A_783 = arith.index_cast %scan3A_735 : i32 to index
        %swap3A_784 = arith.constant 64 : index
        %swap3A_785 = tpu.vector_load %arg11[%swap3A_783, %swap3A_784] {strides = array<i32>} : memref<80x128xf32, #tpu.memory_space<vmem>>, vector<16xf32>,
        tpu.vector_store %arg11[%swap3A_783, %swap3A_784], %mul3A_782 {strides = array<i32>} : memref<80x128xf32, #tpu.memory_space<vmem>>, vector<16xf32>,
        %get3A_786 = arith.index_cast %scan3A_735 : i32 to index
        %get3A_787 = arith.constant 80 : index
        %get3A_788 = tpu.vector_load %arg11[%get3A_786, %get3A_787] {strides = array<i32>} : memref<80x128xf32, #tpu.memory_space<vmem>>, vector<16xf32>,
        %get3A_789 = arith.index_cast %scan3A_735 : i32 to index
        %get3A_790 = arith.constant 80 : index
        %get3A_791 = tpu.vector_load %arg13[%get3A_789, %get3A_790] {strides = array<i32>} : memref<80x128xf32, #tpu.memory_space<vmem>>, vector<16xf32>,
        %mul3A_792 = arith.mulf %get3A_788, %get3A_791 : vector<16xf32>
        %swap3A_793 = arith.index_cast %scan3A_735 : i32 to index
        %swap3A_794 = arith.constant 80 : index
        %swap3A_795 = tpu.vector_load %arg11[%swap3A_793, %swap3A_794] {strides = array<i32>} : memref<80x128xf32, #tpu.memory_space<vmem>>, vector<16xf32>,
        tpu.vector_store %arg11[%swap3A_793, %swap3A_794], %mul3A_792 {strides = array<i32>} : memref<80x128xf32, #tpu.memory_space<vmem>>, vector<16xf32>,
        %get3A_796 = arith.index_cast %scan3A_735 : i32 to index
        %get3A_797 = arith.constant 96 : index
        %get3A_798 = tpu.vector_load %arg11[%get3A_796, %get3A_797] {strides = array<i32>} : memref<80x128xf32, #tpu.memory_space<vmem>>, vector<16xf32>,
        %get3A_799 = arith.index_cast %scan3A_735 : i32 to index
        %get3A_800 = arith.constant 96 : index
        %get3A_801 = tpu.vector_load %arg13[%get3A_799, %get3A_800] {strides = array<i32>} : memref<80x128xf32, #tpu.memory_space<vmem>>, vector<16xf32>,
        %mul3A_802 = arith.mulf %get3A_798, %get3A_801 : vector<16xf32>
        %swap3A_803 = arith.index_cast %scan3A_735 : i32 to index
        %swap3A_804 = arith.constant 96 : index
        %swap3A_805 = tpu.vector_load %arg11[%swap3A_803, %swap3A_804] {strides = array<i32>} : memref<80x128xf32, #tpu.memory_space<vmem>>, vector<16xf32>,
        tpu.vector_store %arg11[%swap3A_803, %swap3A_804], %mul3A_802 {strides = array<i32>} : memref<80x128xf32, #tpu.memory_space<vmem>>, vector<16xf32>,
        %get3A_806 = arith.index_cast %scan3A_735 : i32 to index
        %get3A_807 = arith.constant 112 : index
        %get3A_808 = tpu.vector_load %arg11[%get3A_806, %get3A_807] {strides = array<i32>} : memref<80x128xf32, #tpu.memory_space<vmem>>, vector<16xf32>,
        %get3A_809 = arith.index_cast %scan3A_735 : i32 to index
        %get3A_810 = arith.constant 112 : index
        %get3A_811 = tpu.vector_load %arg13[%get3A_809, %get3A_810] {strides = array<i32>} : memref<80x128xf32, #tpu.memory_space<vmem>>, vector<16xf32>,
        %mul3A_812 = arith.mulf %get3A_808, %get3A_811 : vector<16xf32>
        %swap3A_813 = arith.index_cast %scan3A_735 : i32 to index
        %swap3A_814 = arith.constant 112 : index
        %swap3A_815 = tpu.vector_load %arg11[%swap3A_813, %swap3A_814] {strides = array<i32>} : memref<80x128xf32, #tpu.memory_space<vmem>>, vector<16xf32>,
        tpu.vector_store %arg11[%swap3A_813, %swap3A_814], %mul3A_812 {strides = array<i32>} : memref<80x128xf32, #tpu.memory_space<vmem>>, vector<16xf32>,
      }
      %scan3A_720 = arith.constant 80 : i32
      %mul3A_721 = arith.constant 80 : i32
      %mul3A_722 = arith.muli %add3A_566, %mul3A_721 : i32
      %dma_start3A_723 = arith.constant 0 : i32
      %dma_start3A_724 = tpu.memref_slice %arg6[%add3A, %mul3A_722, %dma_start3A_723] : memref<32x10000x128xf32, #tpu.memory_space<hbm>> -> memref<1x80x128xf32, #tpu.memory_space<hbm>>
      %dma_start3A_725 = tpu.memref_squeeze %dma_start3A_724 : memref<1x80x128xf32, #tpu.memory_space<hbm>> -> memref<80x128xf32, #tpu.memory_space<hbm>>
      %dma_start3A_726 = arith.constant 0 : i32
      %dma_start3A_727 = tpu.memref_slice %arg6[%add3A, %mul3A_722, %dma_start3A_726] : memref<32x10000x128xf32, #tpu.memory_space<hbm>> -> memref<1x80x128xf32, #tpu.memory_space<hbm>>
      %dma_start3A_728 = tpu.memref_squeeze %dma_start3A_727 : memref<1x80x128xf32, #tpu.memory_space<hbm>> -> memref<80x128xf32, #tpu.memory_space<hbm>>
      tpu.enqueue_dma source(%arg11 : memref<80x128xf32, #tpu.memory_space<vmem>>) target(%dma_start3A_728 : memref<80x128xf32, #tpu.memory_space<hbm>>) target_semaphore(%arg20 : memref<!tpu.dma_semaphore, #tpu.memory_space<semaphore_mem>>)
      %run_scoped3A_729 = arith.constant 1 : i32
      "tpu.region"() ({
        %run_scoped3A_735 = tpu.sem_alloc : memref<!tpu.dma_semaphore, #tpu.memory_space<semaphore_mem>>
        %dma_start3A_736 = arith.constant 0 : i32
        %dma_start3A_737 = tpu.memref_slice %arg9[%run_scoped3A_729, %dma_start3A_736] : memref<2x80xi32, #tpu.memory_space<vmem>> -> memref<1x80xi32, #tpu.memory_space<vmem>>
        %dma_start3A_738 = tpu.memref_squeeze %dma_start3A_737 : memref<1x80xi32, #tpu.memory_space<vmem>> -> memref<80xi32, #tpu.memory_space<vmem>>
        %dma_start3A_739 = arith.constant 0 : i32
        %dma_start3A_740 = arith.constant 0 : i32
        %dma_start3A_741 = tpu.memref_slice %arg14[%dma_start3A_739, %dma_start3A_740] : memref<5128x128xf32, #tpu.memory_space<vmem_shared>> -> memref<5128x128xf32, #tpu.memory_space<vmem_shared>>
        tpu.enqueue_indirect_dma source(%arg11 : memref<80x128xf32, #tpu.memory_space<vmem>>) target(%dma_start3A_741 : memref<5128x128xf32, #tpu.memory_space<vmem_shared>>) offsets(%dma_start3A_738 : memref<80xi32, #tpu.memory_space<vmem>>) semaphore(%run_scoped3A_735 : memref<!tpu.dma_semaphore, #tpu.memory_space<semaphore_mem>>) {add = true}
        %dma_wait3A_742 = arith.constant 0 : i32
        %dma_wait3A_743 = tpu.memref_slice %arg9[%run_scoped3A_729, %dma_wait3A_742] : memref<2x80xi32, #tpu.memory_space<vmem>> -> memref<1x80xi32, #tpu.memory_space<vmem>>
        %dma_wait3A_744 = tpu.memref_squeeze %dma_wait3A_743 : memref<1x80xi32, #tpu.memory_space<vmem>> -> memref<80xi32, #tpu.memory_space<vmem>>
        %dma_wait3A_745 = arith.constant 0 : i32
        %dma_wait3A_746 = arith.constant 0 : i32
        %dma_wait3A_747 = tpu.memref_slice %arg14[%dma_wait3A_745, %dma_wait3A_746] : memref<5128x128xf32, #tpu.memory_space<vmem_shared>> -> memref<5128x128xf32, #tpu.memory_space<vmem_shared>>
        tpu.wait_indirect_dma semaphore(%run_scoped3A_735 : memref<!tpu.dma_semaphore, #tpu.memory_space<semaphore_mem>>) src(%arg11 : memref<80x128xf32, #tpu.memory_space<vmem>>) dst(%dma_wait3A_747 : memref<5128x128xf32, #tpu.memory_space<vmem_shared>>)
        tpu.yield
      }) : () -> ()
      %lt3A_730 = arith.constant 61 : i32
      %lt3A_731 = arith.cmpi slt, %scan3A_376, %lt3A_730 : i32
      %convert_element_type3A_732 = arith.extui %lt3A_731 : i1 to i32
      %cond3A_733 = arith.constant 0 : i32
      %cond3A_734 = arith.cmpi ne, %convert_element_type3A_732, %cond3A_733 : i32
      scf.if %cond3A_734 {
        %add3A_735 = arith.constant 1 : i32
        %add3A_736 = arith.addi %mul3A_378, %add3A_735 : i32
        %mul3A_737 = arith.constant 80 : i32
        %mul3A_738 = arith.muli %add3A_736, %mul3A_737 : i32
        %dma_wait3A_739 = arith.constant 0 : i32
        %dma_wait3A_740 = tpu.memref_slice %arg6[%add3A, %mul3A_738, %dma_wait3A_739] : memref<32x10000x128xf32, #tpu.memory_space<hbm>> -> memref<1x80x128xf32, #tpu.memory_space<hbm>>
        %dma_wait3A_741 = tpu.memref_squeeze %dma_wait3A_740 : memref<1x80x128xf32, #tpu.memory_space<hbm>> -> memref<80x128xf32, #tpu.memory_space<hbm>>
        %dma_wait3A_742 = arith.constant 0 : i32
        %dma_wait3A_743 = tpu.memref_slice %arg6[%add3A, %mul3A_738, %dma_wait3A_742] : memref<32x10000x128xf32, #tpu.memory_space<hbm>> -> memref<1x80x128xf32, #tpu.memory_space<hbm>>
        %dma_wait3A_744 = tpu.memref_squeeze %dma_wait3A_743 : memref<1x80x128xf32, #tpu.memory_space<hbm>> -> memref<80x128xf32, #tpu.memory_space<hbm>>
        tpu.wait_dma2 semaphore(%arg20 : memref<!tpu.dma_semaphore, #tpu.memory_space<semaphore_mem>>) src(%arg11 : memref<80x128xf32, #tpu.memory_space<vmem>>) dst(%dma_wait3A_744 : memref<80x128xf32, #tpu.memory_space<hbm>>)
        %add3A_745 = arith.constant 3 : i32
        %add3A_746 = arith.addi %mul3A_378, %add3A_745 : i32
        %mul3A_747 = arith.constant 80 : i32
        %mul3A_748 = arith.muli %add3A_746, %mul3A_747 : i32
        %dma_start3A_749 = tpu.memref_slice %arg7[%mul3A_748] : memref<10000xi32, #tpu.memory_space<vmem>> -> memref<80xi32, #tpu.memory_space<vmem>>
        %dma_start3A_750 = arith.constant 0 : i32
        %dma_start3A_751 = arith.constant 0 : i32
        %dma_start3A_752 = tpu.memref_slice %arg2[%dma_start3A_750, %dma_start3A_751] : memref<10000x128xf32, #tpu.memory_space<hbm>> -> memref<10000x128xf32, #tpu.memory_space<hbm>>
        tpu.enqueue_indirect_dma source(%dma_start3A_752 : memref<10000x128xf32, #tpu.memory_space<hbm>>) target(%arg11 : memref<80x128xf32, #tpu.memory_space<vmem>>) offsets(%dma_start3A_749 : memref<80xi32, #tpu.memory_space<vmem>>) semaphore(%arg16 : memref<!tpu.dma_semaphore, #tpu.memory_space<semaphore_mem>>)
        %mul3A_753 = arith.constant 80 : i32
        %mul3A_754 = arith.muli %add3A_746, %mul3A_753 : i32
        %add3A_755 = arith.addi %mul3A_3, %mul3A_754 : i32
        %dma_start3A_756 = arith.constant 0 : i32
        %dma_start3A_757 = tpu.memref_slice %arg3[%add3A_755, %dma_start3A_756] : memref<320000x128xf32, #tpu.memory_space<hbm>> -> memref<80x128xf32, #tpu.memory_space<hbm>>
        %dma_start3A_758 = arith.constant 0 : i32
        %dma_start3A_759 = tpu.memref_slice %arg3[%add3A_755, %dma_start3A_758] : memref<320000x128xf32, #tpu.memory_space<hbm>> -> memref<80x128xf32, #tpu.memory_space<hbm>>
        tpu.enqueue_dma source(%dma_start3A_759 : memref<80x128xf32, #tpu.memory_space<hbm>>) target(%arg13 : memref<80x128xf32, #tpu.memory_space<vmem>>) target_semaphore(%arg18 : memref<!tpu.dma_semaphore, #tpu.memory_space<semaphore_mem>>)
      } else {
      }
    }
    %scan3A_43 = arith.constant 62 : i32
    %get3A = arith.constant 9920 : index
    %get3A_44 = tpu.vector_load %arg8[%get3A] {strides = array<i32>} : memref<10000xi32, #tpu.memory_space<vmem>>, vector<16xi32>,
    %sub3A = arith.constant 0 : i32
    %sub3A_45 = vector.broadcast %sub3A : i32 to vector<16xi32>
    %sub3A_46 = arith.subi %get3A_44, %sub3A_45 : vector<16xi32>
    %ge3A = arith.constant 0 : i32
    %ge3A_47 = vector.broadcast %ge3A : i32 to vector<16xi32>
    %ge3A_48 = arith.cmpi sge, %sub3A_46, %ge3A_47 : vector<16xi32>
    %lt3A = arith.constant 5120 : i32
    %lt3A_49 = vector.broadcast %lt3A : i32 to vector<16xi32>
    %lt3A_50 = arith.cmpi slt, %sub3A_46, %lt3A_49 : vector<16xi32>
    %and3A = arith.andi %ge3A_48, %lt3A_50 : vector<16xi1>
    %and3A_51 = arith.constant 7 : i32
    %and3A_52 = vector.broadcast %and3A_51 : i32 to vector<16xi32>
    %and3A_53 = arith.andi %sub3A_46, %and3A_52 : vector<16xi32>
    %add3A_54 = arith.constant 5120 : i32
    %add3A_55 = vector.broadcast %add3A_54 : i32 to vector<16xi32>
    %add3A_56 = arith.addi %add3A_55, %and3A_53 : vector<16xi32>
    %select_n3A = arith.select %and3A, %sub3A_46, %add3A_56 : vector<16xi1>, vector<16xi32>
    %swap3A = arith.constant 0 : i32
    %swap3A_57 = arith.index_cast %swap3A : i32 to index
    %swap3A_58 = arith.constant 0 : index
    %swap3A_59 = tpu.vector_load %arg9[%swap3A_57, %swap3A_58] {strides = array<i32>} : memref<2x80xi32, #tpu.memory_space<vmem>>, vector<16xi32>,
    tpu.vector_store %arg9[%swap3A_57, %swap3A_58], %select_n3A {strides = array<i32>} : memref<2x80xi32, #tpu.memory_space<vmem>>, vector<16xi32>,
    %get3A_60 = arith.constant 9936 : index
    %get3A_61 = tpu.vector_load %arg8[%get3A_60] {strides = array<i32>} : memref<10000xi32, #tpu.memory_space<vmem>>, vector<16xi32>,
    %sub3A_62 = arith.constant 0 : i32
    %sub3A_63 = vector.broadcast %sub3A_62 : i32 to vector<16xi32>
    %sub3A_64 = arith.subi %get3A_61, %sub3A_63 : vector<16xi32>
    %ge3A_65 = arith.constant 0 : i32
    %ge3A_66 = vector.broadcast %ge3A_65 : i32 to vector<16xi32>
    %ge3A_67 = arith.cmpi sge, %sub3A_64, %ge3A_66 : vector<16xi32>
    %lt3A_68 = arith.constant 5120 : i32
    %lt3A_69 = vector.broadcast %lt3A_68 : i32 to vector<16xi32>
    %lt3A_70 = arith.cmpi slt, %sub3A_64, %lt3A_69 : vector<16xi32>
    %and3A_71 = arith.andi %ge3A_67, %lt3A_70 : vector<16xi1>
    %and3A_72 = arith.constant 7 : i32
    %and3A_73 = vector.broadcast %and3A_72 : i32 to vector<16xi32>
    %and3A_74 = arith.andi %sub3A_64, %and3A_73 : vector<16xi32>
    %add3A_75 = arith.constant 5120 : i32
    %add3A_76 = vector.broadcast %add3A_75 : i32 to vector<16xi32>
    %add3A_77 = arith.addi %add3A_76, %and3A_74 : vector<16xi32>
    %select_n3A_78 = arith.select %and3A_71, %sub3A_64, %add3A_77 : vector<16xi1>, vector<16xi32>
    %swap3A_79 = arith.constant 0 : i32
    %swap3A_80 = arith.index_cast %swap3A_79 : i32 to index
    %swap3A_81 = arith.constant 16 : index
    %swap3A_82 = tpu.vector_load %arg9[%swap3A_80, %swap3A_81] {strides = array<i32>} : memref<2x80xi32, #tpu.memory_space<vmem>>, vector<16xi32>,
    tpu.vector_store %arg9[%swap3A_80, %swap3A_81], %select_n3A_78 {strides = array<i32>} : memref<2x80xi32, #tpu.memory_space<vmem>>, vector<16xi32>,
    %get3A_83 = arith.constant 9952 : index
    %get3A_84 = tpu.vector_load %arg8[%get3A_83] {strides = array<i32>} : memref<10000xi32, #tpu.memory_space<vmem>>, vector<16xi32>,
    %sub3A_85 = arith.constant 0 : i32
    %sub3A_86 = vector.broadcast %sub3A_85 : i32 to vector<16xi32>
    %sub3A_87 = arith.subi %get3A_84, %sub3A_86 : vector<16xi32>
    %ge3A_88 = arith.constant 0 : i32
    %ge3A_89 = vector.broadcast %ge3A_88 : i32 to vector<16xi32>
    %ge3A_90 = arith.cmpi sge, %sub3A_87, %ge3A_89 : vector<16xi32>
    %lt3A_91 = arith.constant 5120 : i32
    %lt3A_92 = vector.broadcast %lt3A_91 : i32 to vector<16xi32>
    %lt3A_93 = arith.cmpi slt, %sub3A_87, %lt3A_92 : vector<16xi32>
    %and3A_94 = arith.andi %ge3A_90, %lt3A_93 : vector<16xi1>
    %and3A_95 = arith.constant 7 : i32
    %and3A_96 = vector.broadcast %and3A_95 : i32 to vector<16xi32>
    %and3A_97 = arith.andi %sub3A_87, %and3A_96 : vector<16xi32>
    %add3A_98 = arith.constant 5120 : i32
    %add3A_99 = vector.broadcast %add3A_98 : i32 to vector<16xi32>
    %add3A_100 = arith.addi %add3A_99, %and3A_97 : vector<16xi32>
    %select_n3A_101 = arith.select %and3A_94, %sub3A_87, %add3A_100 : vector<16xi1>, vector<16xi32>
    %swap3A_102 = arith.constant 0 : i32
    %swap3A_103 = arith.index_cast %swap3A_102 : i32 to index
    %swap3A_104 = arith.constant 32 : index
    %swap3A_105 = tpu.vector_load %arg9[%swap3A_103, %swap3A_104] {strides = array<i32>} : memref<2x80xi32, #tpu.memory_space<vmem>>, vector<16xi32>,
    tpu.vector_store %arg9[%swap3A_103, %swap3A_104], %select_n3A_101 {strides = array<i32>} : memref<2x80xi32, #tpu.memory_space<vmem>>, vector<16xi32>,
    %get3A_106 = arith.constant 9968 : index
    %get3A_107 = tpu.vector_load %arg8[%get3A_106] {strides = array<i32>} : memref<10000xi32, #tpu.memory_space<vmem>>, vector<16xi32>,
    %sub3A_108 = arith.constant 0 : i32
    %sub3A_109 = vector.broadcast %sub3A_108 : i32 to vector<16xi32>
    %sub3A_110 = arith.subi %get3A_107, %sub3A_109 : vector<16xi32>
    %ge3A_111 = arith.constant 0 : i32
    %ge3A_112 = vector.broadcast %ge3A_111 : i32 to vector<16xi32>
    %ge3A_113 = arith.cmpi sge, %sub3A_110, %ge3A_112 : vector<16xi32>
    %lt3A_114 = arith.constant 5120 : i32
    %lt3A_115 = vector.broadcast %lt3A_114 : i32 to vector<16xi32>
    %lt3A_116 = arith.cmpi slt, %sub3A_110, %lt3A_115 : vector<16xi32>
    %and3A_117 = arith.andi %ge3A_113, %lt3A_116 : vector<16xi1>
    %and3A_118 = arith.constant 7 : i32
    %and3A_119 = vector.broadcast %and3A_118 : i32 to vector<16xi32>
    %and3A_120 = arith.andi %sub3A_110, %and3A_119 : vector<16xi32>
    %add3A_121 = arith.constant 5120 : i32
    %add3A_122 = vector.broadcast %add3A_121 : i32 to vector<16xi32>
    %add3A_123 = arith.addi %add3A_122, %and3A_120 : vector<16xi32>
    %select_n3A_124 = arith.select %and3A_117, %sub3A_110, %add3A_123 : vector<16xi1>, vector<16xi32>
    %swap3A_125 = arith.constant 0 : i32
    %swap3A_126 = arith.index_cast %swap3A_125 : i32 to index
    %swap3A_127 = arith.constant 48 : index
    %swap3A_128 = tpu.vector_load %arg9[%swap3A_126, %swap3A_127] {strides = array<i32>} : memref<2x80xi32, #tpu.memory_space<vmem>>, vector<16xi32>,
    tpu.vector_store %arg9[%swap3A_126, %swap3A_127], %select_n3A_124 {strides = array<i32>} : memref<2x80xi32, #tpu.memory_space<vmem>>, vector<16xi32>,
    %get3A_129 = arith.constant 9984 : index
    %get3A_130 = tpu.vector_load %arg8[%get3A_129] {strides = array<i32>} : memref<10000xi32, #tpu.memory_space<vmem>>, vector<16xi32>,
    %sub3A_131 = arith.constant 0 : i32
    %sub3A_132 = vector.broadcast %sub3A_131 : i32 to vector<16xi32>
    %sub3A_133 = arith.subi %get3A_130, %sub3A_132 : vector<16xi32>
    %ge3A_134 = arith.constant 0 : i32
    %ge3A_135 = vector.broadcast %ge3A_134 : i32 to vector<16xi32>
    %ge3A_136 = arith.cmpi sge, %sub3A_133, %ge3A_135 : vector<16xi32>
    %lt3A_137 = arith.constant 5120 : i32
    %lt3A_138 = vector.broadcast %lt3A_137 : i32 to vector<16xi32>
    %lt3A_139 = arith.cmpi slt, %sub3A_133, %lt3A_138 : vector<16xi32>
    %and3A_140 = arith.andi %ge3A_136, %lt3A_139 : vector<16xi1>
    %and3A_141 = arith.constant 7 : i32
    %and3A_142 = vector.broadcast %and3A_141 : i32 to vector<16xi32>
    %and3A_143 = arith.andi %sub3A_133, %and3A_142 : vector<16xi32>
    %add3A_144 = arith.constant 5120 : i32
    %add3A_145 = vector.broadcast %add3A_144 : i32 to vector<16xi32>
    %add3A_146 = arith.addi %add3A_145, %and3A_143 : vector<16xi32>
    %select_n3A_147 = arith.select %and3A_140, %sub3A_133, %add3A_146 : vector<16xi1>, vector<16xi32>
    %swap3A_148 = arith.constant 0 : i32
    %swap3A_149 = arith.index_cast %swap3A_148 : i32 to index
    %swap3A_150 = arith.constant 64 : index
    %swap3A_151 = tpu.vector_load %arg9[%swap3A_149, %swap3A_150] {strides = array<i32>} : memref<2x80xi32, #tpu.memory_space<vmem>>, vector<16xi32>,
    tpu.vector_store %arg9[%swap3A_149, %swap3A_150], %select_n3A_147 {strides = array<i32>} : memref<2x80xi32, #tpu.memory_space<vmem>>, vector<16xi32>,
    %dma_wait3A = arith.constant 9920 : i32
    %dma_wait3A_152 = tpu.memref_slice %arg7[%dma_wait3A] : memref<10000xi32, #tpu.memory_space<vmem>> -> memref<80xi32, #tpu.memory_space<vmem>>
    %dma_wait3A_153 = arith.constant 0 : i32
    %dma_wait3A_154 = arith.constant 0 : i32
    %dma_wait3A_155 = tpu.memref_slice %arg2[%dma_wait3A_153, %dma_wait3A_154] : memref<10000x128xf32, #tpu.memory_space<hbm>> -> memref<10000x128xf32, #tpu.memory_space<hbm>>
    tpu.wait_indirect_dma semaphore(%arg15 : memref<!tpu.dma_semaphore, #tpu.memory_space<semaphore_mem>>) src(%dma_wait3A_155 : memref<10000x128xf32, #tpu.memory_space<hbm>>) dst(%arg10 : memref<80x128xf32, #tpu.memory_space<vmem>>)
    %add3A_156 = arith.constant 9920 : i32
    %add3A_157 = arith.addi %mul3A_3, %add3A_156 : i32
    %dma_wait3A_158 = arith.constant 0 : i32
    %dma_wait3A_159 = tpu.memref_slice %arg3[%add3A_157, %dma_wait3A_158] : memref<320000x128xf32, #tpu.memory_space<hbm>> -> memref<80x128xf32, #tpu.memory_space<hbm>>
    %dma_wait3A_160 = arith.constant 0 : i32
    %dma_wait3A_161 = tpu.memref_slice %arg3[%add3A_157, %dma_wait3A_160] : memref<320000x128xf32, #tpu.memory_space<hbm>> -> memref<80x128xf32, #tpu.memory_space<hbm>>
    tpu.wait_dma2 semaphore(%arg17 : memref<!tpu.dma_semaphore, #tpu.memory_space<semaphore_mem>>) src(%dma_wait3A_161 : memref<80x128xf32, #tpu.memory_space<hbm>>) dst(%arg12 : memref<80x128xf32, #tpu.memory_space<vmem>>)
    %scan3A_162 = arith.constant 0 : i32
    %scan3A_163 = arith.constant 0 : i32
    %scan3A_164 = arith.constant 80 : i32
    %scan3A_165 = arith.addi %scan3A_163, %scan3A_164 : i32
    %scan3A_166 = arith.constant 1 : i32
    scf.for %scan3A_376 = %scan3A_163 to %scan3A_165 step %scan3A_166  : i32 {
      %get3A_377 = arith.index_cast %scan3A_376 : i32 to index
      %get3A_378 = arith.constant 0 : index
      %get3A_379 = tpu.vector_load %arg10[%get3A_377, %get3A_378] {strides = array<i32>} : memref<80x128xf32, #tpu.memory_space<vmem>>, vector<16xf32>,
      %get3A_380 = arith.index_cast %scan3A_376 : i32 to index
      %get3A_381 = arith.constant 0 : index
      %get3A_382 = tpu.vector_load %arg12[%get3A_380, %get3A_381] {strides = array<i32>} : memref<80x128xf32, #tpu.memory_space<vmem>>, vector<16xf32>,
      %mul3A_383 = arith.mulf %get3A_379, %get3A_382 : vector<16xf32>
      %swap3A_384 = arith.index_cast %scan3A_376 : i32 to index
      %swap3A_385 = arith.constant 0 : index
      %swap3A_386 = tpu.vector_load %arg10[%swap3A_384, %swap3A_385] {strides = array<i32>} : memref<80x128xf32, #tpu.memory_space<vmem>>, vector<16xf32>,
      tpu.vector_store %arg10[%swap3A_384, %swap3A_385], %mul3A_383 {strides = array<i32>} : memref<80x128xf32, #tpu.memory_space<vmem>>, vector<16xf32>,
      %get3A_387 = arith.index_cast %scan3A_376 : i32 to index
      %get3A_388 = arith.constant 16 : index
      %get3A_389 = tpu.vector_load %arg10[%get3A_387, %get3A_388] {strides = array<i32>} : memref<80x128xf32, #tpu.memory_space<vmem>>, vector<16xf32>,
      %get3A_390 = arith.index_cast %scan3A_376 : i32 to index
      %get3A_391 = arith.constant 16 : index
      %get3A_392 = tpu.vector_load %arg12[%get3A_390, %get3A_391] {strides = array<i32>} : memref<80x128xf32, #tpu.memory_space<vmem>>, vector<16xf32>,
      %mul3A_393 = arith.mulf %get3A_389, %get3A_392 : vector<16xf32>
      %swap3A_394 = arith.index_cast %scan3A_376 : i32 to index
      %swap3A_395 = arith.constant 16 : index
      %swap3A_396 = tpu.vector_load %arg10[%swap3A_394, %swap3A_395] {strides = array<i32>} : memref<80x128xf32, #tpu.memory_space<vmem>>, vector<16xf32>,
      tpu.vector_store %arg10[%swap3A_394, %swap3A_395], %mul3A_393 {strides = array<i32>} : memref<80x128xf32, #tpu.memory_space<vmem>>, vector<16xf32>,
      %get3A_397 = arith.index_cast %scan3A_376 : i32 to index
      %get3A_398 = arith.constant 32 : index
      %get3A_399 = tpu.vector_load %arg10[%get3A_397, %get3A_398] {strides = array<i32>} : memref<80x128xf32, #tpu.memory_space<vmem>>, vector<16xf32>,
      %get3A_400 = arith.index_cast %scan3A_376 : i32 to index
      %get3A_401 = arith.constant 32 : index
      %get3A_402 = tpu.vector_load %arg12[%get3A_400, %get3A_401] {strides = array<i32>} : memref<80x128xf32, #tpu.memory_space<vmem>>, vector<16xf32>,
      %mul3A_403 = arith.mulf %get3A_399, %get3A_402 : vector<16xf32>
      %swap3A_404 = arith.index_cast %scan3A_376 : i32 to index
      %swap3A_405 = arith.constant 32 : index
      %swap3A_406 = tpu.vector_load %arg10[%swap3A_404, %swap3A_405] {strides = array<i32>} : memref<80x128xf32, #tpu.memory_space<vmem>>, vector<16xf32>,
      tpu.vector_store %arg10[%swap3A_404, %swap3A_405], %mul3A_403 {strides = array<i32>} : memref<80x128xf32, #tpu.memory_space<vmem>>, vector<16xf32>,
      %get3A_407 = arith.index_cast %scan3A_376 : i32 to index
      %get3A_408 = arith.constant 48 : index
      %get3A_409 = tpu.vector_load %arg10[%get3A_407, %get3A_408] {strides = array<i32>} : memref<80x128xf32, #tpu.memory_space<vmem>>, vector<16xf32>,
      %get3A_410 = arith.index_cast %scan3A_376 : i32 to index
      %get3A_411 = arith.constant 48 : index
      %get3A_412 = tpu.vector_load %arg12[%get3A_410, %get3A_411] {strides = array<i32>} : memref<80x128xf32, #tpu.memory_space<vmem>>, vector<16xf32>,
      %mul3A_413 = arith.mulf %get3A_409, %get3A_412 : vector<16xf32>
      %swap3A_414 = arith.index_cast %scan3A_376 : i32 to index
      %swap3A_415 = arith.constant 48 : index
      %swap3A_416 = tpu.vector_load %arg10[%swap3A_414, %swap3A_415] {strides = array<i32>} : memref<80x128xf32, #tpu.memory_space<vmem>>, vector<16xf32>,
      tpu.vector_store %arg10[%swap3A_414, %swap3A_415], %mul3A_413 {strides = array<i32>} : memref<80x128xf32, #tpu.memory_space<vmem>>, vector<16xf32>,
      %get3A_417 = arith.index_cast %scan3A_376 : i32 to index
      %get3A_418 = arith.constant 64 : index
      %get3A_419 = tpu.vector_load %arg10[%get3A_417, %get3A_418] {strides = array<i32>} : memref<80x128xf32, #tpu.memory_space<vmem>>, vector<16xf32>,
      %get3A_420 = arith.index_cast %scan3A_376 : i32 to index
      %get3A_421 = arith.constant 64 : index
      %get3A_422 = tpu.vector_load %arg12[%get3A_420, %get3A_421] {strides = array<i32>} : memref<80x128xf32, #tpu.memory_space<vmem>>, vector<16xf32>,
      %mul3A_423 = arith.mulf %get3A_419, %get3A_422 : vector<16xf32>
      %swap3A_424 = arith.index_cast %scan3A_376 : i32 to index
      %swap3A_425 = arith.constant 64 : index
      %swap3A_426 = tpu.vector_load %arg10[%swap3A_424, %swap3A_425] {strides = array<i32>} : memref<80x128xf32, #tpu.memory_space<vmem>>, vector<16xf32>,
      tpu.vector_store %arg10[%swap3A_424, %swap3A_425], %mul3A_423 {strides = array<i32>} : memref<80x128xf32, #tpu.memory_space<vmem>>, vector<16xf32>,
      %get3A_427 = arith.index_cast %scan3A_376 : i32 to index
      %get3A_428 = arith.constant 80 : index
      %get3A_429 = tpu.vector_load %arg10[%get3A_427, %get3A_428] {strides = array<i32>} : memref<80x128xf32, #tpu.memory_space<vmem>>, vector<16xf32>,
      %get3A_430 = arith.index_cast %scan3A_376 : i32 to index
      %get3A_431 = arith.constant 80 : index
      %get3A_432 = tpu.vector_load %arg12[%get3A_430, %get3A_431] {strides = array<i32>} : memref<80x128xf32, #tpu.memory_space<vmem>>, vector<16xf32>,
      %mul3A_433 = arith.mulf %get3A_429, %get3A_432 : vector<16xf32>
      %swap3A_434 = arith.index_cast %scan3A_376 : i32 to index
      %swap3A_435 = arith.constant 80 : index
      %swap3A_436 = tpu.vector_load %arg10[%swap3A_434, %swap3A_435] {strides = array<i32>} : memref<80x128xf32, #tpu.memory_space<vmem>>, vector<16xf32>,
      tpu.vector_store %arg10[%swap3A_434, %swap3A_435], %mul3A_433 {strides = array<i32>} : memref<80x128xf32, #tpu.memory_space<vmem>>, vector<16xf32>,
      %get3A_437 = arith.index_cast %scan3A_376 : i32 to index
      %get3A_438 = arith.constant 96 : index
      %get3A_439 = tpu.vector_load %arg10[%get3A_437, %get3A_438] {strides = array<i32>} : memref<80x128xf32, #tpu.memory_space<vmem>>, vector<16xf32>,
      %get3A_440 = arith.index_cast %scan3A_376 : i32 to index
      %get3A_441 = arith.constant 96 : index
      %get3A_442 = tpu.vector_load %arg12[%get3A_440, %get3A_441] {strides = array<i32>} : memref<80x128xf32, #tpu.memory_space<vmem>>, vector<16xf32>,
      %mul3A_443 = arith.mulf %get3A_439, %get3A_442 : vector<16xf32>
      %swap3A_444 = arith.index_cast %scan3A_376 : i32 to index
      %swap3A_445 = arith.constant 96 : index
      %swap3A_446 = tpu.vector_load %arg10[%swap3A_444, %swap3A_445] {strides = array<i32>} : memref<80x128xf32, #tpu.memory_space<vmem>>, vector<16xf32>,
      tpu.vector_store %arg10[%swap3A_444, %swap3A_445], %mul3A_443 {strides = array<i32>} : memref<80x128xf32, #tpu.memory_space<vmem>>, vector<16xf32>,
      %get3A_447 = arith.index_cast %scan3A_376 : i32 to index
      %get3A_448 = arith.constant 112 : index
      %get3A_449 = tpu.vector_load %arg10[%get3A_447, %get3A_448] {strides = array<i32>} : memref<80x128xf32, #tpu.memory_space<vmem>>, vector<16xf32>,
      %get3A_450 = arith.index_cast %scan3A_376 : i32 to index
      %get3A_451 = arith.constant 112 : index
      %get3A_452 = tpu.vector_load %arg12[%get3A_450, %get3A_451] {strides = array<i32>} : memref<80x128xf32, #tpu.memory_space<vmem>>, vector<16xf32>,
      %mul3A_453 = arith.mulf %get3A_449, %get3A_452 : vector<16xf32>
      %swap3A_454 = arith.index_cast %scan3A_376 : i32 to index
      %swap3A_455 = arith.constant 112 : index
      %swap3A_456 = tpu.vector_load %arg10[%swap3A_454, %swap3A_455] {strides = array<i32>} : memref<80x128xf32, #tpu.memory_space<vmem>>, vector<16xf32>,
      tpu.vector_store %arg10[%swap3A_454, %swap3A_455], %mul3A_453 {strides = array<i32>} : memref<80x128xf32, #tpu.memory_space<vmem>>, vector<16xf32>,
    }
    %scan3A_167 = arith.constant 80 : i32
    %dma_start3A_168 = arith.constant 9920 : i32
    %dma_start3A_169 = arith.constant 0 : i32
    %dma_start3A_170 = tpu.memref_slice %arg6[%add3A, %dma_start3A_168, %dma_start3A_169] : memref<32x10000x128xf32, #tpu.memory_space<hbm>> -> memref<1x80x128xf32, #tpu.memory_space<hbm>>
    %dma_start3A_171 = tpu.memref_squeeze %dma_start3A_170 : memref<1x80x128xf32, #tpu.memory_space<hbm>> -> memref<80x128xf32, #tpu.memory_space<hbm>>
    %dma_start3A_172 = arith.constant 9920 : i32
    %dma_start3A_173 = arith.constant 0 : i32
    %dma_start3A_174 = tpu.memref_slice %arg6[%add3A, %dma_start3A_172, %dma_start3A_173] : memref<32x10000x128xf32, #tpu.memory_space<hbm>> -> memref<1x80x128xf32, #tpu.memory_space<hbm>>
    %dma_start3A_175 = tpu.memref_squeeze %dma_start3A_174 : memref<1x80x128xf32, #tpu.memory_space<hbm>> -> memref<80x128xf32, #tpu.memory_space<hbm>>
    tpu.enqueue_dma source(%arg10 : memref<80x128xf32, #tpu.memory_space<vmem>>) target(%dma_start3A_175 : memref<80x128xf32, #tpu.memory_space<hbm>>) target_semaphore(%arg19 : memref<!tpu.dma_semaphore, #tpu.memory_space<semaphore_mem>>)
    %run_scoped3A_176 = arith.constant 0 : i32
    "tpu.region"() ({
      %run_scoped3A_376 = tpu.sem_alloc : memref<!tpu.dma_semaphore, #tpu.memory_space<semaphore_mem>>
      %dma_start3A_377 = arith.constant 0 : i32
      %dma_start3A_378 = tpu.memref_slice %arg9[%run_scoped3A_176, %dma_start3A_377] : memref<2x80xi32, #tpu.memory_space<vmem>> -> memref<1x80xi32, #tpu.memory_space<vmem>>
      %dma_start3A_379 = tpu.memref_squeeze %dma_start3A_378 : memref<1x80xi32, #tpu.memory_space<vmem>> -> memref<80xi32, #tpu.memory_space<vmem>>
      %dma_start3A_380 = arith.constant 0 : i32
      %dma_start3A_381 = arith.constant 0 : i32
      %dma_start3A_382 = tpu.memref_slice %arg14[%dma_start3A_380, %dma_start3A_381] : memref<5128x128xf32, #tpu.memory_space<vmem_shared>> -> memref<5128x128xf32, #tpu.memory_space<vmem_shared>>
      tpu.enqueue_indirect_dma source(%arg10 : memref<80x128xf32, #tpu.memory_space<vmem>>) target(%dma_start3A_382 : memref<5128x128xf32, #tpu.memory_space<vmem_shared>>) offsets(%dma_start3A_379 : memref<80xi32, #tpu.memory_space<vmem>>) semaphore(%run_scoped3A_376 : memref<!tpu.dma_semaphore, #tpu.memory_space<semaphore_mem>>) {add = true}
      %dma_wait3A_383 = arith.constant 0 : i32
      %dma_wait3A_384 = tpu.memref_slice %arg9[%run_scoped3A_176, %dma_wait3A_383] : memref<2x80xi32, #tpu.memory_space<vmem>> -> memref<1x80xi32, #tpu.memory_space<vmem>>
      %dma_wait3A_385 = tpu.memref_squeeze %dma_wait3A_384 : memref<1x80xi32, #tpu.memory_space<vmem>> -> memref<80xi32, #tpu.memory_space<vmem>>
      %dma_wait3A_386 = arith.constant 0 : i32
      %dma_wait3A_387 = arith.constant 0 : i32
      %dma_wait3A_388 = tpu.memref_slice %arg14[%dma_wait3A_386, %dma_wait3A_387] : memref<5128x128xf32, #tpu.memory_space<vmem_shared>> -> memref<5128x128xf32, #tpu.memory_space<vmem_shared>>
      tpu.wait_indirect_dma semaphore(%run_scoped3A_376 : memref<!tpu.dma_semaphore, #tpu.memory_space<semaphore_mem>>) src(%arg10 : memref<80x128xf32, #tpu.memory_space<vmem>>) dst(%dma_wait3A_388 : memref<5128x128xf32, #tpu.memory_space<vmem_shared>>)
      tpu.yield
    }) : () -> ()
    %dma_wait3A_177 = arith.constant 9840 : i32
    %dma_wait3A_178 = arith.constant 0 : i32
    %dma_wait3A_179 = tpu.memref_slice %arg6[%add3A, %dma_wait3A_177, %dma_wait3A_178] : memref<32x10000x128xf32, #tpu.memory_space<hbm>> -> memref<1x80x128xf32, #tpu.memory_space<hbm>>
    %dma_wait3A_180 = tpu.memref_squeeze %dma_wait3A_179 : memref<1x80x128xf32, #tpu.memory_space<hbm>> -> memref<80x128xf32, #tpu.memory_space<hbm>>
    %dma_wait3A_181 = arith.constant 9840 : i32
    %dma_wait3A_182 = arith.constant 0 : i32
    %dma_wait3A_183 = tpu.memref_slice %arg6[%add3A, %dma_wait3A_181, %dma_wait3A_182] : memref<32x10000x128xf32, #tpu.memory_space<hbm>> -> memref<1x80x128xf32, #tpu.memory_space<hbm>>
    %dma_wait3A_184 = tpu.memref_squeeze %dma_wait3A_183 : memref<1x80x128xf32, #tpu.memory_space<hbm>> -> memref<80x128xf32, #tpu.memory_space<hbm>>
    tpu.wait_dma2 semaphore(%arg20 : memref<!tpu.dma_semaphore, #tpu.memory_space<semaphore_mem>>) src(%arg11 : memref<80x128xf32, #tpu.memory_space<vmem>>) dst(%dma_wait3A_184 : memref<80x128xf32, #tpu.memory_space<hbm>>)
    %dma_wait3A_185 = arith.constant 9920 : i32
    %dma_wait3A_186 = arith.constant 0 : i32
    %dma_wait3A_187 = tpu.memref_slice %arg6[%add3A, %dma_wait3A_185, %dma_wait3A_186] : memref<32x10000x128xf32, #tpu.memory_space<hbm>> -> memref<1x80x128xf32, #tpu.memory_space<hbm>>
    %dma_wait3A_188 = tpu.memref_squeeze %dma_wait3A_187 : memref<1x80x128xf32, #tpu.memory_space<hbm>> -> memref<80x128xf32, #tpu.memory_space<hbm>>
    %dma_wait3A_189 = arith.constant 9920 : i32
    %dma_wait3A_190 = arith.constant 0 : i32
    %dma_wait3A_191 = tpu.memref_slice %arg6[%add3A, %dma_wait3A_189, %dma_wait3A_190] : memref<32x10000x128xf32, #tpu.memory_space<hbm>> -> memref<1x80x128xf32, #tpu.memory_space<hbm>>
    %dma_wait3A_192 = tpu.memref_squeeze %dma_wait3A_191 : memref<1x80x128xf32, #tpu.memory_space<hbm>> -> memref<80x128xf32, #tpu.memory_space<hbm>>
    tpu.wait_dma2 semaphore(%arg19 : memref<!tpu.dma_semaphore, #tpu.memory_space<semaphore_mem>>) src(%arg10 : memref<80x128xf32, #tpu.memory_space<vmem>>) dst(%dma_wait3A_192 : memref<80x128xf32, #tpu.memory_space<hbm>>)
    %barrier3A_193 = arith.constant 0 : index
    tpu.barrier barrier_id(%barrier3A_193)
    %lt3A_194 = arith.constant 16 : i32
    %lt3A_195 = arith.cmpi slt, %arg1, %lt3A_194 : i32
    %convert_element_type3A_196 = arith.extui %lt3A_195 : i1 to i32
    %cond3A_197 = arith.constant 0 : i32
    %cond3A_198 = arith.cmpi ne, %convert_element_type3A_196, %cond3A_197 : i32
    scf.if %cond3A_198 {
      %mul3A_376 = arith.constant 320 : i32
      %mul3A_377 = arith.muli %arg1, %mul3A_376 : i32
      %mul3A_378 = arith.constant 320 : i32
      %mul3A_379 = arith.muli %arg1, %mul3A_378 : i32
      %add3A_380 = arith.constant 0 : i32
      %add3A_381 = arith.addi %add3A_380, %mul3A_379 : i32
      "tpu.region"() ({
        %run_scoped3A_382 = tpu.sem_alloc : memref<!tpu.dma_semaphore, #tpu.memory_space<semaphore_mem>>
        %dma_start3A_383 = arith.constant 0 : i32
        %dma_start3A_384 = tpu.memref_slice %arg5[%arg0, %add3A_381, %dma_start3A_383] : memref<2x10000x128xf32, #tpu.memory_space<hbm>> -> memref<1x320x128xf32, #tpu.memory_space<hbm>>
        %dma_start3A_385 = tpu.memref_squeeze %dma_start3A_384 : memref<1x320x128xf32, #tpu.memory_space<hbm>> -> memref<320x128xf32, #tpu.memory_space<hbm>>
        %dma_start3A_386 = arith.constant 0 : i32
        %dma_start3A_387 = tpu.memref_slice %arg14[%mul3A_377, %dma_start3A_386] : memref<5128x128xf32, #tpu.memory_space<vmem_shared>> -> memref<320x128xf32, #tpu.memory_space<vmem_shared>>
        tpu.enqueue_dma source(%dma_start3A_387 : memref<320x128xf32, #tpu.memory_space<vmem_shared>>) target(%dma_start3A_385 : memref<320x128xf32, #tpu.memory_space<hbm>>) target_semaphore(%run_scoped3A_382 : memref<!tpu.dma_semaphore, #tpu.memory_space<semaphore_mem>>)
        %dma_wait3A_388 = arith.constant 0 : i32
        %dma_wait3A_389 = tpu.memref_slice %arg5[%arg0, %add3A_381, %dma_wait3A_388] : memref<2x10000x128xf32, #tpu.memory_space<hbm>> -> memref<1x320x128xf32, #tpu.memory_space<hbm>>
        %dma_wait3A_390 = tpu.memref_squeeze %dma_wait3A_389 : memref<1x320x128xf32, #tpu.memory_space<hbm>> -> memref<320x128xf32, #tpu.memory_space<hbm>>
        %dma_wait3A_391 = arith.constant 0 : i32
        %dma_wait3A_392 = tpu.memref_slice %arg14[%mul3A_377, %dma_wait3A_391] : memref<5128x128xf32, #tpu.memory_space<vmem_shared>> -> memref<320x128xf32, #tpu.memory_space<vmem_shared>>
        tpu.wait_dma2 semaphore(%run_scoped3A_382 : memref<!tpu.dma_semaphore, #tpu.memory_space<semaphore_mem>>) src(%dma_wait3A_392 : memref<320x128xf32, #tpu.memory_space<vmem_shared>>) dst(%dma_wait3A_390 : memref<320x128xf32, #tpu.memory_space<hbm>>)
        tpu.yield
      }) : () -> ()
    } else {
    }
    %barrier3A_199 = arith.constant 0 : index
    tpu.barrier barrier_id(%barrier3A_199)
    %scan3A_200 = arith.constant 0 : i32
    %scan3A_201 = arith.constant 0 : i32
    %scan3A_202 = arith.constant 80 : i32
    %scan3A_203 = arith.addi %scan3A_201, %scan3A_202 : i32
    %scan3A_204 = arith.constant 1 : i32
    scf.for %scan3A_376 = %scan3A_201 to %scan3A_203 step %scan3A_204  : i32 {
      %broadcast_in_dim3A = arith.constant 0.000000e+00 : f32
      %broadcast_in_dim3A_377 = vector.broadcast %broadcast_in_dim3A : f32 to vector<16xf32>
      %swap3A_378 = arith.index_cast %scan3A_376 : i32 to index
      %swap3A_379 = arith.constant 0 : index
      %swap3A_380 = tpu.vector_load %arg10[%swap3A_378, %swap3A_379] {strides = array<i32>} : memref<80x128xf32, #tpu.memory_space<vmem>>, vector<16xf32>,
      tpu.vector_store %arg10[%swap3A_378, %swap3A_379], %broadcast_in_dim3A_377 {strides = array<i32>} : memref<80x128xf32, #tpu.memory_space<vmem>>, vector<16xf32>,
      %broadcast_in_dim3A_381 = arith.constant 0.000000e+00 : f32
      %broadcast_in_dim3A_382 = vector.broadcast %broadcast_in_dim3A_381 : f32 to vector<16xf32>
      %swap3A_383 = arith.index_cast %scan3A_376 : i32 to index
      %swap3A_384 = arith.constant 16 : index
      %swap3A_385 = tpu.vector_load %arg10[%swap3A_383, %swap3A_384] {strides = array<i32>} : memref<80x128xf32, #tpu.memory_space<vmem>>, vector<16xf32>,
      tpu.vector_store %arg10[%swap3A_383, %swap3A_384], %broadcast_in_dim3A_382 {strides = array<i32>} : memref<80x128xf32, #tpu.memory_space<vmem>>, vector<16xf32>,
      %broadcast_in_dim3A_386 = arith.constant 0.000000e+00 : f32
      %broadcast_in_dim3A_387 = vector.broadcast %broadcast_in_dim3A_386 : f32 to vector<16xf32>
      %swap3A_388 = arith.index_cast %scan3A_376 : i32 to index
      %swap3A_389 = arith.constant 32 : index
      %swap3A_390 = tpu.vector_load %arg10[%swap3A_388, %swap3A_389] {strides = array<i32>} : memref<80x128xf32, #tpu.memory_space<vmem>>, vector<16xf32>,
      tpu.vector_store %arg10[%swap3A_388, %swap3A_389], %broadcast_in_dim3A_387 {strides = array<i32>} : memref<80x128xf32, #tpu.memory_space<vmem>>, vector<16xf32>,
      %broadcast_in_dim3A_391 = arith.constant 0.000000e+00 : f32
      %broadcast_in_dim3A_392 = vector.broadcast %broadcast_in_dim3A_391 : f32 to vector<16xf32>
      %swap3A_393 = arith.index_cast %scan3A_376 : i32 to index
      %swap3A_394 = arith.constant 48 : index
      %swap3A_395 = tpu.vector_load %arg10[%swap3A_393, %swap3A_394] {strides = array<i32>} : memref<80x128xf32, #tpu.memory_space<vmem>>, vector<16xf32>,
      tpu.vector_store %arg10[%swap3A_393, %swap3A_394], %broadcast_in_dim3A_392 {strides = array<i32>} : memref<80x128xf32, #tpu.memory_space<vmem>>, vector<16xf32>,
      %broadcast_in_dim3A_396 = arith.constant 0.000000e+00 : f32
      %broadcast_in_dim3A_397 = vector.broadcast %broadcast_in_dim3A_396 : f32 to vector<16xf32>
      %swap3A_398 = arith.index_cast %scan3A_376 : i32 to index
      %swap3A_399 = arith.constant 64 : index
      %swap3A_400 = tpu.vector_load %arg10[%swap3A_398, %swap3A_399] {strides = array<i32>} : memref<80x128xf32, #tpu.memory_space<vmem>>, vector<16xf32>,
      tpu.vector_store %arg10[%swap3A_398, %swap3A_399], %broadcast_in_dim3A_397 {strides = array<i32>} : memref<80x128xf32, #tpu.memory_space<vmem>>, vector<16xf32>,
      %broadcast_in_dim3A_401 = arith.constant 0.000000e+00 : f32
      %broadcast_in_dim3A_402 = vector.broadcast %broadcast_in_dim3A_401 : f32 to vector<16xf32>
      %swap3A_403 = arith.index_cast %scan3A_376 : i32 to index
      %swap3A_404 = arith.constant 80 : index
      %swap3A_405 = tpu.vector_load %arg10[%swap3A_403, %swap3A_404] {strides = array<i32>} : memref<80x128xf32, #tpu.memory_space<vmem>>, vector<16xf32>,
      tpu.vector_store %arg10[%swap3A_403, %swap3A_404], %broadcast_in_dim3A_402 {strides = array<i32>} : memref<80x128xf32, #tpu.memory_space<vmem>>, vector<16xf32>,
      %broadcast_in_dim3A_406 = arith.constant 0.000000e+00 : f32
      %broadcast_in_dim3A_407 = vector.broadcast %broadcast_in_dim3A_406 : f32 to vector<16xf32>
      %swap3A_408 = arith.index_cast %scan3A_376 : i32 to index
      %swap3A_409 = arith.constant 96 : index
      %swap3A_410 = tpu.vector_load %arg10[%swap3A_408, %swap3A_409] {strides = array<i32>} : memref<80x128xf32, #tpu.memory_space<vmem>>, vector<16xf32>,
      tpu.vector_store %arg10[%swap3A_408, %swap3A_409], %broadcast_in_dim3A_407 {strides = array<i32>} : memref<80x128xf32, #tpu.memory_space<vmem>>, vector<16xf32>,
      %broadcast_in_dim3A_411 = arith.constant 0.000000e+00 : f32
      %broadcast_in_dim3A_412 = vector.broadcast %broadcast_in_dim3A_411 : f32 to vector<16xf32>
      %swap3A_413 = arith.index_cast %scan3A_376 : i32 to index
      %swap3A_414 = arith.constant 112 : index
      %swap3A_415 = tpu.vector_load %arg10[%swap3A_413, %swap3A_414] {strides = array<i32>} : memref<80x128xf32, #tpu.memory_space<vmem>>, vector<16xf32>,
      tpu.vector_store %arg10[%swap3A_413, %swap3A_414], %broadcast_in_dim3A_412 {strides = array<i32>} : memref<80x128xf32, #tpu.memory_space<vmem>>, vector<16xf32>,
    }
    %scan3A_205 = arith.constant 80 : i32
    %scan3A_206 = arith.constant 0 : i32
    %scan3A_207 = arith.constant 0 : i32
    %scan3A_208 = arith.constant 8 : i32
    %scan3A_209 = arith.addi %scan3A_207, %scan3A_208 : i32
    %scan3A_210 = arith.constant 1 : i32
    scf.for %scan3A_376 = %scan3A_207 to %scan3A_209 step %scan3A_210  : i32 {
      %mul3A_377 = arith.constant 320 : i32
      %mul3A_378 = arith.muli %arg1, %mul3A_377 : i32
      %mul3A_379 = arith.constant 40 : i32
      %mul3A_380 = arith.muli %scan3A_376, %mul3A_379 : i32
      %add3A_381 = arith.addi %mul3A_378, %mul3A_380 : i32
      "tpu.region"() ({
        %run_scoped3A_382 = tpu.sem_alloc : memref<!tpu.dma_semaphore, #tpu.memory_space<semaphore_mem>>
        %dma_start3A_383 = arith.constant 0 : i32
        %dma_start3A_384 = arith.constant 0 : i32
        %dma_start3A_385 = tpu.memref_slice %arg10[%dma_start3A_383, %dma_start3A_384] : memref<80x128xf32, #tpu.memory_space<vmem>> -> memref<40x128xf32, #tpu.memory_space<vmem>>
        %dma_start3A_386 = arith.constant 0 : i32
        %dma_start3A_387 = tpu.memref_slice %arg14[%add3A_381, %dma_start3A_386] : memref<5128x128xf32, #tpu.memory_space<vmem_shared>> -> memref<40x128xf32, #tpu.memory_space<vmem_shared>>
        %dma_start3A_388 = arith.constant 0 : i32
        %dma_start3A_389 = tpu.memref_slice %arg14[%add3A_381, %dma_start3A_388] : memref<5128x128xf32, #tpu.memory_space<vmem_shared>> -> memref<40x128xf32, #tpu.memory_space<vmem_shared>>
        %dma_start3A_390 = arith.constant 0 : i32
        %dma_start3A_391 = arith.constant 0 : i32
        %dma_start3A_392 = tpu.memref_slice %arg10[%dma_start3A_390, %dma_start3A_391] : memref<80x128xf32, #tpu.memory_space<vmem>> -> memref<40x128xf32, #tpu.memory_space<vmem>>
        tpu.enqueue_dma source(%dma_start3A_392 : memref<40x128xf32, #tpu.memory_space<vmem>>) target(%dma_start3A_389 : memref<40x128xf32, #tpu.memory_space<vmem_shared>>) target_semaphore(%run_scoped3A_382 : memref<!tpu.dma_semaphore, #tpu.memory_space<semaphore_mem>>)
        %dma_wait3A_393 = arith.constant 0 : i32
        %dma_wait3A_394 = arith.constant 0 : i32
        %dma_wait3A_395 = tpu.memref_slice %arg10[%dma_wait3A_393, %dma_wait3A_394] : memref<80x128xf32, #tpu.memory_space<vmem>> -> memref<40x128xf32, #tpu.memory_space<vmem>>
        %dma_wait3A_396 = arith.constant 0 : i32
        %dma_wait3A_397 = tpu.memref_slice %arg14[%add3A_381, %dma_wait3A_396] : memref<5128x128xf32, #tpu.memory_space<vmem_shared>> -> memref<40x128xf32, #tpu.memory_space<vmem_shared>>
        %dma_wait3A_398 = arith.constant 0 : i32
        %dma_wait3A_399 = tpu.memref_slice %arg14[%add3A_381, %dma_wait3A_398] : memref<5128x128xf32, #tpu.memory_space<vmem_shared>> -> memref<40x128xf32, #tpu.memory_space<vmem_shared>>
        %dma_wait3A_400 = arith.constant 0 : i32
        %dma_wait3A_401 = arith.constant 0 : i32
        %dma_wait3A_402 = tpu.memref_slice %arg10[%dma_wait3A_400, %dma_wait3A_401] : memref<80x128xf32, #tpu.memory_space<vmem>> -> memref<40x128xf32, #tpu.memory_space<vmem>>
        tpu.wait_dma2 semaphore(%run_scoped3A_382 : memref<!tpu.dma_semaphore, #tpu.memory_space<semaphore_mem>>) src(%dma_wait3A_402 : memref<40x128xf32, #tpu.memory_space<vmem>>) dst(%dma_wait3A_399 : memref<40x128xf32, #tpu.memory_space<vmem_shared>>)
        tpu.yield
      }) : () -> ()
    }
    %scan3A_211 = arith.constant 8 : i32
    %eq3A_212 = arith.constant 15 : i32
    %eq3A_213 = arith.cmpi eq, %arg1, %eq3A_212 : i32
    %convert_element_type3A_214 = arith.extui %eq3A_213 : i1 to i32
    %cond3A_215 = arith.constant 0 : i32
    %cond3A_216 = arith.cmpi ne, %convert_element_type3A_214, %cond3A_215 : i32
    scf.if %cond3A_216 {
      "tpu.region"() ({
        %run_scoped3A_376 = tpu.sem_alloc : memref<!tpu.dma_semaphore, #tpu.memory_space<semaphore_mem>>
        %dma_start3A_377 = arith.constant 0 : i32
        %dma_start3A_378 = arith.constant 0 : i32
        %dma_start3A_379 = tpu.memref_slice %arg10[%dma_start3A_377, %dma_start3A_378] : memref<80x128xf32, #tpu.memory_space<vmem>> -> memref<8x128xf32, #tpu.memory_space<vmem>>
        %dma_start3A_380 = arith.constant 5120 : i32
        %dma_start3A_381 = arith.constant 0 : i32
        %dma_start3A_382 = tpu.memref_slice %arg14[%dma_start3A_380, %dma_start3A_381] : memref<5128x128xf32, #tpu.memory_space<vmem_shared>> -> memref<8x128xf32, #tpu.memory_space<vmem_shared>>
        %dma_start3A_383 = arith.constant 5120 : i32
        %dma_start3A_384 = arith.constant 0 : i32
        %dma_start3A_385 = tpu.memref_slice %arg14[%dma_start3A_383, %dma_start3A_384] : memref<5128x128xf32, #tpu.memory_space<vmem_shared>> -> memref<8x128xf32, #tpu.memory_space<vmem_shared>>
        %dma_start3A_386 = arith.constant 0 : i32
        %dma_start3A_387 = arith.constant 0 : i32
        %dma_start3A_388 = tpu.memref_slice %arg10[%dma_start3A_386, %dma_start3A_387] : memref<80x128xf32, #tpu.memory_space<vmem>> -> memref<8x128xf32, #tpu.memory_space<vmem>>
        tpu.enqueue_dma source(%dma_start3A_388 : memref<8x128xf32, #tpu.memory_space<vmem>>) target(%dma_start3A_385 : memref<8x128xf32, #tpu.memory_space<vmem_shared>>) target_semaphore(%run_scoped3A_376 : memref<!tpu.dma_semaphore, #tpu.memory_space<semaphore_mem>>)
        %dma_wait3A_389 = arith.constant 0 : i32
        %dma_wait3A_390 = arith.constant 0 : i32
        %dma_wait3A_391 = tpu.memref_slice %arg10[%dma_wait3A_389, %dma_wait3A_390] : memref<80x128xf32, #tpu.memory_space<vmem>> -> memref<8x128xf32, #tpu.memory_space<vmem>>
        %dma_wait3A_392 = arith.constant 5120 : i32
        %dma_wait3A_393 = arith.constant 0 : i32
        %dma_wait3A_394 = tpu.memref_slice %arg14[%dma_wait3A_392, %dma_wait3A_393] : memref<5128x128xf32, #tpu.memory_space<vmem_shared>> -> memref<8x128xf32, #tpu.memory_space<vmem_shared>>
        %dma_wait3A_395 = arith.constant 5120 : i32
        %dma_wait3A_396 = arith.constant 0 : i32
        %dma_wait3A_397 = tpu.memref_slice %arg14[%dma_wait3A_395, %dma_wait3A_396] : memref<5128x128xf32, #tpu.memory_space<vmem_shared>> -> memref<8x128xf32, #tpu.memory_space<vmem_shared>>
        %dma_wait3A_398 = arith.constant 0 : i32
        %dma_wait3A_399 = arith.constant 0 : i32
        %dma_wait3A_400 = tpu.memref_slice %arg10[%dma_wait3A_398, %dma_wait3A_399] : memref<80x128xf32, #tpu.memory_space<vmem>> -> memref<8x128xf32, #tpu.memory_space<vmem>>
        tpu.wait_dma2 semaphore(%run_scoped3A_376 : memref<!tpu.dma_semaphore, #tpu.memory_space<semaphore_mem>>) src(%dma_wait3A_400 : memref<8x128xf32, #tpu.memory_space<vmem>>) dst(%dma_wait3A_397 : memref<8x128xf32, #tpu.memory_space<vmem_shared>>)
        tpu.yield
      }) : () -> ()
    } else {
    }
    %barrier3A_217 = arith.constant 0 : index
    tpu.barrier barrier_id(%barrier3A_217)
    %dma_start3A_218 = arith.constant 0 : i32
    %dma_start3A_219 = arith.constant 0 : i32
    %dma_start3A_220 = tpu.memref_slice %arg6[%add3A, %dma_start3A_218, %dma_start3A_219] : memref<32x10000x128xf32, #tpu.memory_space<hbm>> -> memref<1x80x128xf32, #tpu.memory_space<hbm>>
    %dma_start3A_221 = tpu.memref_squeeze %dma_start3A_220 : memref<1x80x128xf32, #tpu.memory_space<hbm>> -> memref<80x128xf32, #tpu.memory_space<hbm>>
    %dma_start3A_222 = arith.constant 0 : i32
    %dma_start3A_223 = arith.constant 0 : i32
    %dma_start3A_224 = tpu.memref_slice %arg6[%add3A, %dma_start3A_222, %dma_start3A_223] : memref<32x10000x128xf32, #tpu.memory_space<hbm>> -> memref<1x80x128xf32, #tpu.memory_space<hbm>>
    %dma_start3A_225 = tpu.memref_squeeze %dma_start3A_224 : memref<1x80x128xf32, #tpu.memory_space<hbm>> -> memref<80x128xf32, #tpu.memory_space<hbm>>
    tpu.enqueue_dma source(%dma_start3A_225 : memref<80x128xf32, #tpu.memory_space<hbm>>) target(%arg10 : memref<80x128xf32, #tpu.memory_space<vmem>>) target_semaphore(%arg15 : memref<!tpu.dma_semaphore, #tpu.memory_space<semaphore_mem>>)
    %dma_start3A_226 = arith.constant 80 : i32
    %dma_start3A_227 = arith.constant 0 : i32
    %dma_start3A_228 = tpu.memref_slice %arg6[%add3A, %dma_start3A_226, %dma_start3A_227] : memref<32x10000x128xf32, #tpu.memory_space<hbm>> -> memref<1x80x128xf32, #tpu.memory_space<hbm>>
    %dma_start3A_229 = tpu.memref_squeeze %dma_start3A_228 : memref<1x80x128xf32, #tpu.memory_space<hbm>> -> memref<80x128xf32, #tpu.memory_space<hbm>>
    %dma_start3A_230 = arith.constant 80 : i32
    %dma_start3A_231 = arith.constant 0 : i32
    %dma_start3A_232 = tpu.memref_slice %arg6[%add3A, %dma_start3A_230, %dma_start3A_231] : memref<32x10000x128xf32, #tpu.memory_space<hbm>> -> memref<1x80x128xf32, #tpu.memory_space<hbm>>
    %dma_start3A_233 = tpu.memref_squeeze %dma_start3A_232 : memref<1x80x128xf32, #tpu.memory_space<hbm>> -> memref<80x128xf32, #tpu.memory_space<hbm>>
    tpu.enqueue_dma source(%dma_start3A_233 : memref<80x128xf32, #tpu.memory_space<hbm>>) target(%arg11 : memref<80x128xf32, #tpu.memory_space<vmem>>) target_semaphore(%arg16 : memref<!tpu.dma_semaphore, #tpu.memory_space<semaphore_mem>>)
    %scan3A_234 = arith.constant 0 : i32
    %scan3A_235 = arith.constant 0 : i32
    %scan3A_236 = arith.constant 62 : i32
    %scan3A_237 = arith.addi %scan3A_235, %scan3A_236 : i32
    %scan3A_238 = arith.constant 1 : i32
    scf.for %scan3A_376 = %scan3A_235 to %scan3A_237 step %scan3A_238  : i32 {
      %mul3A_377 = arith.constant 2 : i32
      %mul3A_378 = arith.muli %scan3A_376, %mul3A_377 : i32
      %mul3A_379 = arith.constant 80 : i32
      %mul3A_380 = arith.muli %mul3A_378, %mul3A_379 : i32
      %add3A_381 = arith.constant 0 : i32
      %add3A_382 = arith.addi %mul3A_380, %add3A_381 : i32
      %get3A_383 = arith.index_cast %add3A_382 : i32 to index
      %get3A_384 = tpu.vector_load %arg8[%get3A_383] {strides = array<i32>} : memref<10000xi32, #tpu.memory_space<vmem>>, vector<16xi32>,
      %sub3A_385 = arith.constant 5120 : i32
      %sub3A_386 = vector.broadcast %sub3A_385 : i32 to vector<16xi32>
      %sub3A_387 = arith.subi %get3A_384, %sub3A_386 : vector<16xi32>
      %ge3A_388 = arith.constant 0 : i32
      %ge3A_389 = vector.broadcast %ge3A_388 : i32 to vector<16xi32>
      %ge3A_390 = arith.cmpi sge, %sub3A_387, %ge3A_389 : vector<16xi32>
      %lt3A_391 = arith.constant 5120 : i32
      %lt3A_392 = vector.broadcast %lt3A_391 : i32 to vector<16xi32>
      %lt3A_393 = arith.cmpi slt, %sub3A_387, %lt3A_392 : vector<16xi32>
      %and3A_394 = arith.andi %ge3A_390, %lt3A_393 : vector<16xi1>
      %and3A_395 = arith.constant 7 : i32
      %and3A_396 = vector.broadcast %and3A_395 : i32 to vector<16xi32>
      %and3A_397 = arith.andi %sub3A_387, %and3A_396 : vector<16xi32>
      %add3A_398 = arith.constant 5120 : i32
      %add3A_399 = vector.broadcast %add3A_398 : i32 to vector<16xi32>
      %add3A_400 = arith.addi %add3A_399, %and3A_397 : vector<16xi32>
      %select_n3A_401 = arith.select %and3A_394, %sub3A_387, %add3A_400 : vector<16xi1>, vector<16xi32>
      %swap3A_402 = arith.constant 0 : i32
      %swap3A_403 = arith.index_cast %swap3A_402 : i32 to index
      %swap3A_404 = arith.constant 0 : index
      %swap3A_405 = tpu.vector_load %arg9[%swap3A_403, %swap3A_404] {strides = array<i32>} : memref<2x80xi32, #tpu.memory_space<vmem>>, vector<16xi32>,
      tpu.vector_store %arg9[%swap3A_403, %swap3A_404], %select_n3A_401 {strides = array<i32>} : memref<2x80xi32, #tpu.memory_space<vmem>>, vector<16xi32>,
      %mul3A_406 = arith.constant 80 : i32
      %mul3A_407 = arith.muli %mul3A_378, %mul3A_406 : i32
      %add3A_408 = arith.constant 16 : i32
      %add3A_409 = arith.addi %mul3A_407, %add3A_408 : i32
      %get3A_410 = arith.index_cast %add3A_409 : i32 to index
      %get3A_411 = tpu.vector_load %arg8[%get3A_410] {strides = array<i32>} : memref<10000xi32, #tpu.memory_space<vmem>>, vector<16xi32>,
      %sub3A_412 = arith.constant 5120 : i32
      %sub3A_413 = vector.broadcast %sub3A_412 : i32 to vector<16xi32>
      %sub3A_414 = arith.subi %get3A_411, %sub3A_413 : vector<16xi32>
      %ge3A_415 = arith.constant 0 : i32
      %ge3A_416 = vector.broadcast %ge3A_415 : i32 to vector<16xi32>
      %ge3A_417 = arith.cmpi sge, %sub3A_414, %ge3A_416 : vector<16xi32>
      %lt3A_418 = arith.constant 5120 : i32
      %lt3A_419 = vector.broadcast %lt3A_418 : i32 to vector<16xi32>
      %lt3A_420 = arith.cmpi slt, %sub3A_414, %lt3A_419 : vector<16xi32>
      %and3A_421 = arith.andi %ge3A_417, %lt3A_420 : vector<16xi1>
      %and3A_422 = arith.constant 7 : i32
      %and3A_423 = vector.broadcast %and3A_422 : i32 to vector<16xi32>
      %and3A_424 = arith.andi %sub3A_414, %and3A_423 : vector<16xi32>
      %add3A_425 = arith.constant 5120 : i32
      %add3A_426 = vector.broadcast %add3A_425 : i32 to vector<16xi32>
      %add3A_427 = arith.addi %add3A_426, %and3A_424 : vector<16xi32>
      %select_n3A_428 = arith.select %and3A_421, %sub3A_414, %add3A_427 : vector<16xi1>, vector<16xi32>
      %swap3A_429 = arith.constant 0 : i32
      %swap3A_430 = arith.index_cast %swap3A_429 : i32 to index
      %swap3A_431 = arith.constant 16 : index
      %swap3A_432 = tpu.vector_load %arg9[%swap3A_430, %swap3A_431] {strides = array<i32>} : memref<2x80xi32, #tpu.memory_space<vmem>>, vector<16xi32>,
      tpu.vector_store %arg9[%swap3A_430, %swap3A_431], %select_n3A_428 {strides = array<i32>} : memref<2x80xi32, #tpu.memory_space<vmem>>, vector<16xi32>,
      %mul3A_433 = arith.constant 80 : i32
      %mul3A_434 = arith.muli %mul3A_378, %mul3A_433 : i32
      %add3A_435 = arith.constant 32 : i32
      %add3A_436 = arith.addi %mul3A_434, %add3A_435 : i32
      %get3A_437 = arith.index_cast %add3A_436 : i32 to index
      %get3A_438 = tpu.vector_load %arg8[%get3A_437] {strides = array<i32>} : memref<10000xi32, #tpu.memory_space<vmem>>, vector<16xi32>,
      %sub3A_439 = arith.constant 5120 : i32
      %sub3A_440 = vector.broadcast %sub3A_439 : i32 to vector<16xi32>
      %sub3A_441 = arith.subi %get3A_438, %sub3A_440 : vector<16xi32>
      %ge3A_442 = arith.constant 0 : i32
      %ge3A_443 = vector.broadcast %ge3A_442 : i32 to vector<16xi32>
      %ge3A_444 = arith.cmpi sge, %sub3A_441, %ge3A_443 : vector<16xi32>
      %lt3A_445 = arith.constant 5120 : i32
      %lt3A_446 = vector.broadcast %lt3A_445 : i32 to vector<16xi32>
      %lt3A_447 = arith.cmpi slt, %sub3A_441, %lt3A_446 : vector<16xi32>
      %and3A_448 = arith.andi %ge3A_444, %lt3A_447 : vector<16xi1>
      %and3A_449 = arith.constant 7 : i32
      %and3A_450 = vector.broadcast %and3A_449 : i32 to vector<16xi32>
      %and3A_451 = arith.andi %sub3A_441, %and3A_450 : vector<16xi32>
      %add3A_452 = arith.constant 5120 : i32
      %add3A_453 = vector.broadcast %add3A_452 : i32 to vector<16xi32>
      %add3A_454 = arith.addi %add3A_453, %and3A_451 : vector<16xi32>
      %select_n3A_455 = arith.select %and3A_448, %sub3A_441, %add3A_454 : vector<16xi1>, vector<16xi32>
      %swap3A_456 = arith.constant 0 : i32
      %swap3A_457 = arith.index_cast %swap3A_456 : i32 to index
      %swap3A_458 = arith.constant 32 : index
      %swap3A_459 = tpu.vector_load %arg9[%swap3A_457, %swap3A_458] {strides = array<i32>} : memref<2x80xi32, #tpu.memory_space<vmem>>, vector<16xi32>,
      tpu.vector_store %arg9[%swap3A_457, %swap3A_458], %select_n3A_455 {strides = array<i32>} : memref<2x80xi32, #tpu.memory_space<vmem>>, vector<16xi32>,
      %mul3A_460 = arith.constant 80 : i32
      %mul3A_461 = arith.muli %mul3A_378, %mul3A_460 : i32
      %add3A_462 = arith.constant 48 : i32
      %add3A_463 = arith.addi %mul3A_461, %add3A_462 : i32
      %get3A_464 = arith.index_cast %add3A_463 : i32 to index
      %get3A_465 = tpu.vector_load %arg8[%get3A_464] {strides = array<i32>} : memref<10000xi32, #tpu.memory_space<vmem>>, vector<16xi32>,
      %sub3A_466 = arith.constant 5120 : i32
      %sub3A_467 = vector.broadcast %sub3A_466 : i32 to vector<16xi32>
      %sub3A_468 = arith.subi %get3A_465, %sub3A_467 : vector<16xi32>
      %ge3A_469 = arith.constant 0 : i32
      %ge3A_470 = vector.broadcast %ge3A_469 : i32 to vector<16xi32>
      %ge3A_471 = arith.cmpi sge, %sub3A_468, %ge3A_470 : vector<16xi32>
      %lt3A_472 = arith.constant 5120 : i32
      %lt3A_473 = vector.broadcast %lt3A_472 : i32 to vector<16xi32>
      %lt3A_474 = arith.cmpi slt, %sub3A_468, %lt3A_473 : vector<16xi32>
      %and3A_475 = arith.andi %ge3A_471, %lt3A_474 : vector<16xi1>
      %and3A_476 = arith.constant 7 : i32
      %and3A_477 = vector.broadcast %and3A_476 : i32 to vector<16xi32>
      %and3A_478 = arith.andi %sub3A_468, %and3A_477 : vector<16xi32>
      %add3A_479 = arith.constant 5120 : i32
      %add3A_480 = vector.broadcast %add3A_479 : i32 to vector<16xi32>
      %add3A_481 = arith.addi %add3A_480, %and3A_478 : vector<16xi32>
      %select_n3A_482 = arith.select %and3A_475, %sub3A_468, %add3A_481 : vector<16xi1>, vector<16xi32>
      %swap3A_483 = arith.constant 0 : i32
      %swap3A_484 = arith.index_cast %swap3A_483 : i32 to index
      %swap3A_485 = arith.constant 48 : index
      %swap3A_486 = tpu.vector_load %arg9[%swap3A_484, %swap3A_485] {strides = array<i32>} : memref<2x80xi32, #tpu.memory_space<vmem>>, vector<16xi32>,
      tpu.vector_store %arg9[%swap3A_484, %swap3A_485], %select_n3A_482 {strides = array<i32>} : memref<2x80xi32, #tpu.memory_space<vmem>>, vector<16xi32>,
      %mul3A_487 = arith.constant 80 : i32
      %mul3A_488 = arith.muli %mul3A_378, %mul3A_487 : i32
      %add3A_489 = arith.constant 64 : i32
      %add3A_490 = arith.addi %mul3A_488, %add3A_489 : i32
      %get3A_491 = arith.index_cast %add3A_490 : i32 to index
      %get3A_492 = tpu.vector_load %arg8[%get3A_491] {strides = array<i32>} : memref<10000xi32, #tpu.memory_space<vmem>>, vector<16xi32>,
      %sub3A_493 = arith.constant 5120 : i32
      %sub3A_494 = vector.broadcast %sub3A_493 : i32 to vector<16xi32>
      %sub3A_495 = arith.subi %get3A_492, %sub3A_494 : vector<16xi32>
      %ge3A_496 = arith.constant 0 : i32
      %ge3A_497 = vector.broadcast %ge3A_496 : i32 to vector<16xi32>
      %ge3A_498 = arith.cmpi sge, %sub3A_495, %ge3A_497 : vector<16xi32>
      %lt3A_499 = arith.constant 5120 : i32
      %lt3A_500 = vector.broadcast %lt3A_499 : i32 to vector<16xi32>
      %lt3A_501 = arith.cmpi slt, %sub3A_495, %lt3A_500 : vector<16xi32>
      %and3A_502 = arith.andi %ge3A_498, %lt3A_501 : vector<16xi1>
      %and3A_503 = arith.constant 7 : i32
      %and3A_504 = vector.broadcast %and3A_503 : i32 to vector<16xi32>
      %and3A_505 = arith.andi %sub3A_495, %and3A_504 : vector<16xi32>
      %add3A_506 = arith.constant 5120 : i32
      %add3A_507 = vector.broadcast %add3A_506 : i32 to vector<16xi32>
      %add3A_508 = arith.addi %add3A_507, %and3A_505 : vector<16xi32>
      %select_n3A_509 = arith.select %and3A_502, %sub3A_495, %add3A_508 : vector<16xi1>, vector<16xi32>
      %swap3A_510 = arith.constant 0 : i32
      %swap3A_511 = arith.index_cast %swap3A_510 : i32 to index
      %swap3A_512 = arith.constant 64 : index
      %swap3A_513 = tpu.vector_load %arg9[%swap3A_511, %swap3A_512] {strides = array<i32>} : memref<2x80xi32, #tpu.memory_space<vmem>>, vector<16xi32>,
      tpu.vector_store %arg9[%swap3A_511, %swap3A_512], %select_n3A_509 {strides = array<i32>} : memref<2x80xi32, #tpu.memory_space<vmem>>, vector<16xi32>,
      %mul3A_514 = arith.constant 80 : i32
      %mul3A_515 = arith.muli %mul3A_378, %mul3A_514 : i32
      %dma_wait3A_516 = arith.constant 0 : i32
      %dma_wait3A_517 = tpu.memref_slice %arg6[%add3A, %mul3A_515, %dma_wait3A_516] : memref<32x10000x128xf32, #tpu.memory_space<hbm>> -> memref<1x80x128xf32, #tpu.memory_space<hbm>>
      %dma_wait3A_518 = tpu.memref_squeeze %dma_wait3A_517 : memref<1x80x128xf32, #tpu.memory_space<hbm>> -> memref<80x128xf32, #tpu.memory_space<hbm>>
      %dma_wait3A_519 = arith.constant 0 : i32
      %dma_wait3A_520 = tpu.memref_slice %arg6[%add3A, %mul3A_515, %dma_wait3A_519] : memref<32x10000x128xf32, #tpu.memory_space<hbm>> -> memref<1x80x128xf32, #tpu.memory_space<hbm>>
      %dma_wait3A_521 = tpu.memref_squeeze %dma_wait3A_520 : memref<1x80x128xf32, #tpu.memory_space<hbm>> -> memref<80x128xf32, #tpu.memory_space<hbm>>
      tpu.wait_dma2 semaphore(%arg15 : memref<!tpu.dma_semaphore, #tpu.memory_space<semaphore_mem>>) src(%dma_wait3A_521 : memref<80x128xf32, #tpu.memory_space<hbm>>) dst(%arg10 : memref<80x128xf32, #tpu.memory_space<vmem>>)
      %run_scoped3A_522 = arith.constant 0 : i32
      "tpu.region"() ({
        %run_scoped3A_684 = tpu.sem_alloc : memref<!tpu.dma_semaphore, #tpu.memory_space<semaphore_mem>>
        %dma_start3A_685 = arith.constant 0 : i32
        %dma_start3A_686 = tpu.memref_slice %arg9[%run_scoped3A_522, %dma_start3A_685] : memref<2x80xi32, #tpu.memory_space<vmem>> -> memref<1x80xi32, #tpu.memory_space<vmem>>
        %dma_start3A_687 = tpu.memref_squeeze %dma_start3A_686 : memref<1x80xi32, #tpu.memory_space<vmem>> -> memref<80xi32, #tpu.memory_space<vmem>>
        %dma_start3A_688 = arith.constant 0 : i32
        %dma_start3A_689 = arith.constant 0 : i32
        %dma_start3A_690 = tpu.memref_slice %arg14[%dma_start3A_688, %dma_start3A_689] : memref<5128x128xf32, #tpu.memory_space<vmem_shared>> -> memref<5128x128xf32, #tpu.memory_space<vmem_shared>>
        tpu.enqueue_indirect_dma source(%arg10 : memref<80x128xf32, #tpu.memory_space<vmem>>) target(%dma_start3A_690 : memref<5128x128xf32, #tpu.memory_space<vmem_shared>>) offsets(%dma_start3A_687 : memref<80xi32, #tpu.memory_space<vmem>>) semaphore(%run_scoped3A_684 : memref<!tpu.dma_semaphore, #tpu.memory_space<semaphore_mem>>) {add = true}
        %dma_wait3A_691 = arith.constant 0 : i32
        %dma_wait3A_692 = tpu.memref_slice %arg9[%run_scoped3A_522, %dma_wait3A_691] : memref<2x80xi32, #tpu.memory_space<vmem>> -> memref<1x80xi32, #tpu.memory_space<vmem>>
        %dma_wait3A_693 = tpu.memref_squeeze %dma_wait3A_692 : memref<1x80xi32, #tpu.memory_space<vmem>> -> memref<80xi32, #tpu.memory_space<vmem>>
        %dma_wait3A_694 = arith.constant 0 : i32
        %dma_wait3A_695 = arith.constant 0 : i32
        %dma_wait3A_696 = tpu.memref_slice %arg14[%dma_wait3A_694, %dma_wait3A_695] : memref<5128x128xf32, #tpu.memory_space<vmem_shared>> -> memref<5128x128xf32, #tpu.memory_space<vmem_shared>>
        tpu.wait_indirect_dma semaphore(%run_scoped3A_684 : memref<!tpu.dma_semaphore, #tpu.memory_space<semaphore_mem>>) src(%arg10 : memref<80x128xf32, #tpu.memory_space<vmem>>) dst(%dma_wait3A_696 : memref<5128x128xf32, #tpu.memory_space<vmem_shared>>)
        tpu.yield
      }) : () -> ()
      %add3A_523 = arith.constant 2 : i32
      %add3A_524 = arith.addi %mul3A_378, %add3A_523 : i32
      %mul3A_525 = arith.constant 80 : i32
      %mul3A_526 = arith.muli %add3A_524, %mul3A_525 : i32
      %dma_start3A_527 = arith.constant 0 : i32
      %dma_start3A_528 = tpu.memref_slice %arg6[%add3A, %mul3A_526, %dma_start3A_527] : memref<32x10000x128xf32, #tpu.memory_space<hbm>> -> memref<1x80x128xf32, #tpu.memory_space<hbm>>
      %dma_start3A_529 = tpu.memref_squeeze %dma_start3A_528 : memref<1x80x128xf32, #tpu.memory_space<hbm>> -> memref<80x128xf32, #tpu.memory_space<hbm>>
      %dma_start3A_530 = arith.constant 0 : i32
      %dma_start3A_531 = tpu.memref_slice %arg6[%add3A, %mul3A_526, %dma_start3A_530] : memref<32x10000x128xf32, #tpu.memory_space<hbm>> -> memref<1x80x128xf32, #tpu.memory_space<hbm>>
      %dma_start3A_532 = tpu.memref_squeeze %dma_start3A_531 : memref<1x80x128xf32, #tpu.memory_space<hbm>> -> memref<80x128xf32, #tpu.memory_space<hbm>>
      tpu.enqueue_dma source(%dma_start3A_532 : memref<80x128xf32, #tpu.memory_space<hbm>>) target(%arg10 : memref<80x128xf32, #tpu.memory_space<vmem>>) target_semaphore(%arg15 : memref<!tpu.dma_semaphore, #tpu.memory_space<semaphore_mem>>)
      %add3A_533 = arith.constant 1 : i32
      %add3A_534 = arith.addi %mul3A_378, %add3A_533 : i32
      %mul3A_535 = arith.constant 80 : i32
      %mul3A_536 = arith.muli %add3A_534, %mul3A_535 : i32
      %add3A_537 = arith.constant 0 : i32
      %add3A_538 = arith.addi %mul3A_536, %add3A_537 : i32
      %get3A_539 = arith.index_cast %add3A_538 : i32 to index
      %get3A_540 = tpu.vector_load %arg8[%get3A_539] {strides = array<i32>} : memref<10000xi32, #tpu.memory_space<vmem>>, vector<16xi32>,
      %sub3A_541 = arith.constant 5120 : i32
      %sub3A_542 = vector.broadcast %sub3A_541 : i32 to vector<16xi32>
      %sub3A_543 = arith.subi %get3A_540, %sub3A_542 : vector<16xi32>
      %ge3A_544 = arith.constant 0 : i32
      %ge3A_545 = vector.broadcast %ge3A_544 : i32 to vector<16xi32>
      %ge3A_546 = arith.cmpi sge, %sub3A_543, %ge3A_545 : vector<16xi32>
      %lt3A_547 = arith.constant 5120 : i32
      %lt3A_548 = vector.broadcast %lt3A_547 : i32 to vector<16xi32>
      %lt3A_549 = arith.cmpi slt, %sub3A_543, %lt3A_548 : vector<16xi32>
      %and3A_550 = arith.andi %ge3A_546, %lt3A_549 : vector<16xi1>
      %and3A_551 = arith.constant 7 : i32
      %and3A_552 = vector.broadcast %and3A_551 : i32 to vector<16xi32>
      %and3A_553 = arith.andi %sub3A_543, %and3A_552 : vector<16xi32>
      %add3A_554 = arith.constant 5120 : i32
      %add3A_555 = vector.broadcast %add3A_554 : i32 to vector<16xi32>
      %add3A_556 = arith.addi %add3A_555, %and3A_553 : vector<16xi32>
      %select_n3A_557 = arith.select %and3A_550, %sub3A_543, %add3A_556 : vector<16xi1>, vector<16xi32>
      %swap3A_558 = arith.constant 1 : i32
      %swap3A_559 = arith.index_cast %swap3A_558 : i32 to index
      %swap3A_560 = arith.constant 0 : index
      %swap3A_561 = tpu.vector_load %arg9[%swap3A_559, %swap3A_560] {strides = array<i32>} : memref<2x80xi32, #tpu.memory_space<vmem>>, vector<16xi32>,
      tpu.vector_store %arg9[%swap3A_559, %swap3A_560], %select_n3A_557 {strides = array<i32>} : memref<2x80xi32, #tpu.memory_space<vmem>>, vector<16xi32>,
      %mul3A_562 = arith.constant 80 : i32
      %mul3A_563 = arith.muli %add3A_534, %mul3A_562 : i32
      %add3A_564 = arith.constant 16 : i32
      %add3A_565 = arith.addi %mul3A_563, %add3A_564 : i32
      %get3A_566 = arith.index_cast %add3A_565 : i32 to index
      %get3A_567 = tpu.vector_load %arg8[%get3A_566] {strides = array<i32>} : memref<10000xi32, #tpu.memory_space<vmem>>, vector<16xi32>,
      %sub3A_568 = arith.constant 5120 : i32
      %sub3A_569 = vector.broadcast %sub3A_568 : i32 to vector<16xi32>
      %sub3A_570 = arith.subi %get3A_567, %sub3A_569 : vector<16xi32>
      %ge3A_571 = arith.constant 0 : i32
      %ge3A_572 = vector.broadcast %ge3A_571 : i32 to vector<16xi32>
      %ge3A_573 = arith.cmpi sge, %sub3A_570, %ge3A_572 : vector<16xi32>
      %lt3A_574 = arith.constant 5120 : i32
      %lt3A_575 = vector.broadcast %lt3A_574 : i32 to vector<16xi32>
      %lt3A_576 = arith.cmpi slt, %sub3A_570, %lt3A_575 : vector<16xi32>
      %and3A_577 = arith.andi %ge3A_573, %lt3A_576 : vector<16xi1>
      %and3A_578 = arith.constant 7 : i32
      %and3A_579 = vector.broadcast %and3A_578 : i32 to vector<16xi32>
      %and3A_580 = arith.andi %sub3A_570, %and3A_579 : vector<16xi32>
      %add3A_581 = arith.constant 5120 : i32
      %add3A_582 = vector.broadcast %add3A_581 : i32 to vector<16xi32>
      %add3A_583 = arith.addi %add3A_582, %and3A_580 : vector<16xi32>
      %select_n3A_584 = arith.select %and3A_577, %sub3A_570, %add3A_583 : vector<16xi1>, vector<16xi32>
      %swap3A_585 = arith.constant 1 : i32
      %swap3A_586 = arith.index_cast %swap3A_585 : i32 to index
      %swap3A_587 = arith.constant 16 : index
      %swap3A_588 = tpu.vector_load %arg9[%swap3A_586, %swap3A_587] {strides = array<i32>} : memref<2x80xi32, #tpu.memory_space<vmem>>, vector<16xi32>,
      tpu.vector_store %arg9[%swap3A_586, %swap3A_587], %select_n3A_584 {strides = array<i32>} : memref<2x80xi32, #tpu.memory_space<vmem>>, vector<16xi32>,
      %mul3A_589 = arith.constant 80 : i32
      %mul3A_590 = arith.muli %add3A_534, %mul3A_589 : i32
      %add3A_591 = arith.constant 32 : i32
      %add3A_592 = arith.addi %mul3A_590, %add3A_591 : i32
      %get3A_593 = arith.index_cast %add3A_592 : i32 to index
      %get3A_594 = tpu.vector_load %arg8[%get3A_593] {strides = array<i32>} : memref<10000xi32, #tpu.memory_space<vmem>>, vector<16xi32>,
      %sub3A_595 = arith.constant 5120 : i32
      %sub3A_596 = vector.broadcast %sub3A_595 : i32 to vector<16xi32>
      %sub3A_597 = arith.subi %get3A_594, %sub3A_596 : vector<16xi32>
      %ge3A_598 = arith.constant 0 : i32
      %ge3A_599 = vector.broadcast %ge3A_598 : i32 to vector<16xi32>
      %ge3A_600 = arith.cmpi sge, %sub3A_597, %ge3A_599 : vector<16xi32>
      %lt3A_601 = arith.constant 5120 : i32
      %lt3A_602 = vector.broadcast %lt3A_601 : i32 to vector<16xi32>
      %lt3A_603 = arith.cmpi slt, %sub3A_597, %lt3A_602 : vector<16xi32>
      %and3A_604 = arith.andi %ge3A_600, %lt3A_603 : vector<16xi1>
      %and3A_605 = arith.constant 7 : i32
      %and3A_606 = vector.broadcast %and3A_605 : i32 to vector<16xi32>
      %and3A_607 = arith.andi %sub3A_597, %and3A_606 : vector<16xi32>
      %add3A_608 = arith.constant 5120 : i32
      %add3A_609 = vector.broadcast %add3A_608 : i32 to vector<16xi32>
      %add3A_610 = arith.addi %add3A_609, %and3A_607 : vector<16xi32>
      %select_n3A_611 = arith.select %and3A_604, %sub3A_597, %add3A_610 : vector<16xi1>, vector<16xi32>
      %swap3A_612 = arith.constant 1 : i32
      %swap3A_613 = arith.index_cast %swap3A_612 : i32 to index
      %swap3A_614 = arith.constant 32 : index
      %swap3A_615 = tpu.vector_load %arg9[%swap3A_613, %swap3A_614] {strides = array<i32>} : memref<2x80xi32, #tpu.memory_space<vmem>>, vector<16xi32>,
      tpu.vector_store %arg9[%swap3A_613, %swap3A_614], %select_n3A_611 {strides = array<i32>} : memref<2x80xi32, #tpu.memory_space<vmem>>, vector<16xi32>,
      %mul3A_616 = arith.constant 80 : i32
      %mul3A_617 = arith.muli %add3A_534, %mul3A_616 : i32
      %add3A_618 = arith.constant 48 : i32
      %add3A_619 = arith.addi %mul3A_617, %add3A_618 : i32
      %get3A_620 = arith.index_cast %add3A_619 : i32 to index
      %get3A_621 = tpu.vector_load %arg8[%get3A_620] {strides = array<i32>} : memref<10000xi32, #tpu.memory_space<vmem>>, vector<16xi32>,
      %sub3A_622 = arith.constant 5120 : i32
      %sub3A_623 = vector.broadcast %sub3A_622 : i32 to vector<16xi32>
      %sub3A_624 = arith.subi %get3A_621, %sub3A_623 : vector<16xi32>
      %ge3A_625 = arith.constant 0 : i32
      %ge3A_626 = vector.broadcast %ge3A_625 : i32 to vector<16xi32>
      %ge3A_627 = arith.cmpi sge, %sub3A_624, %ge3A_626 : vector<16xi32>
      %lt3A_628 = arith.constant 5120 : i32
      %lt3A_629 = vector.broadcast %lt3A_628 : i32 to vector<16xi32>
      %lt3A_630 = arith.cmpi slt, %sub3A_624, %lt3A_629 : vector<16xi32>
      %and3A_631 = arith.andi %ge3A_627, %lt3A_630 : vector<16xi1>
      %and3A_632 = arith.constant 7 : i32
      %and3A_633 = vector.broadcast %and3A_632 : i32 to vector<16xi32>
      %and3A_634 = arith.andi %sub3A_624, %and3A_633 : vector<16xi32>
      %add3A_635 = arith.constant 5120 : i32
      %add3A_636 = vector.broadcast %add3A_635 : i32 to vector<16xi32>
      %add3A_637 = arith.addi %add3A_636, %and3A_634 : vector<16xi32>
      %select_n3A_638 = arith.select %and3A_631, %sub3A_624, %add3A_637 : vector<16xi1>, vector<16xi32>
      %swap3A_639 = arith.constant 1 : i32
      %swap3A_640 = arith.index_cast %swap3A_639 : i32 to index
      %swap3A_641 = arith.constant 48 : index
      %swap3A_642 = tpu.vector_load %arg9[%swap3A_640, %swap3A_641] {strides = array<i32>} : memref<2x80xi32, #tpu.memory_space<vmem>>, vector<16xi32>,
      tpu.vector_store %arg9[%swap3A_640, %swap3A_641], %select_n3A_638 {strides = array<i32>} : memref<2x80xi32, #tpu.memory_space<vmem>>, vector<16xi32>,
      %mul3A_643 = arith.constant 80 : i32
      %mul3A_644 = arith.muli %add3A_534, %mul3A_643 : i32
      %add3A_645 = arith.constant 64 : i32
      %add3A_646 = arith.addi %mul3A_644, %add3A_645 : i32
      %get3A_647 = arith.index_cast %add3A_646 : i32 to index
      %get3A_648 = tpu.vector_load %arg8[%get3A_647] {strides = array<i32>} : memref<10000xi32, #tpu.memory_space<vmem>>, vector<16xi32>,
      %sub3A_649 = arith.constant 5120 : i32
      %sub3A_650 = vector.broadcast %sub3A_649 : i32 to vector<16xi32>
      %sub3A_651 = arith.subi %get3A_648, %sub3A_650 : vector<16xi32>
      %ge3A_652 = arith.constant 0 : i32
      %ge3A_653 = vector.broadcast %ge3A_652 : i32 to vector<16xi32>
      %ge3A_654 = arith.cmpi sge, %sub3A_651, %ge3A_653 : vector<16xi32>
      %lt3A_655 = arith.constant 5120 : i32
      %lt3A_656 = vector.broadcast %lt3A_655 : i32 to vector<16xi32>
      %lt3A_657 = arith.cmpi slt, %sub3A_651, %lt3A_656 : vector<16xi32>
      %and3A_658 = arith.andi %ge3A_654, %lt3A_657 : vector<16xi1>
      %and3A_659 = arith.constant 7 : i32
      %and3A_660 = vector.broadcast %and3A_659 : i32 to vector<16xi32>
      %and3A_661 = arith.andi %sub3A_651, %and3A_660 : vector<16xi32>
      %add3A_662 = arith.constant 5120 : i32
      %add3A_663 = vector.broadcast %add3A_662 : i32 to vector<16xi32>
      %add3A_664 = arith.addi %add3A_663, %and3A_661 : vector<16xi32>
      %select_n3A_665 = arith.select %and3A_658, %sub3A_651, %add3A_664 : vector<16xi1>, vector<16xi32>
      %swap3A_666 = arith.constant 1 : i32
      %swap3A_667 = arith.index_cast %swap3A_666 : i32 to index
      %swap3A_668 = arith.constant 64 : index
      %swap3A_669 = tpu.vector_load %arg9[%swap3A_667, %swap3A_668] {strides = array<i32>} : memref<2x80xi32, #tpu.memory_space<vmem>>, vector<16xi32>,
      tpu.vector_store %arg9[%swap3A_667, %swap3A_668], %select_n3A_665 {strides = array<i32>} : memref<2x80xi32, #tpu.memory_space<vmem>>, vector<16xi32>,
      %mul3A_670 = arith.constant 80 : i32
      %mul3A_671 = arith.muli %add3A_534, %mul3A_670 : i32
      %dma_wait3A_672 = arith.constant 0 : i32
      %dma_wait3A_673 = tpu.memref_slice %arg6[%add3A, %mul3A_671, %dma_wait3A_672] : memref<32x10000x128xf32, #tpu.memory_space<hbm>> -> memref<1x80x128xf32, #tpu.memory_space<hbm>>
      %dma_wait3A_674 = tpu.memref_squeeze %dma_wait3A_673 : memref<1x80x128xf32, #tpu.memory_space<hbm>> -> memref<80x128xf32, #tpu.memory_space<hbm>>
      %dma_wait3A_675 = arith.constant 0 : i32
      %dma_wait3A_676 = tpu.memref_slice %arg6[%add3A, %mul3A_671, %dma_wait3A_675] : memref<32x10000x128xf32, #tpu.memory_space<hbm>> -> memref<1x80x128xf32, #tpu.memory_space<hbm>>
      %dma_wait3A_677 = tpu.memref_squeeze %dma_wait3A_676 : memref<1x80x128xf32, #tpu.memory_space<hbm>> -> memref<80x128xf32, #tpu.memory_space<hbm>>
      tpu.wait_dma2 semaphore(%arg16 : memref<!tpu.dma_semaphore, #tpu.memory_space<semaphore_mem>>) src(%dma_wait3A_677 : memref<80x128xf32, #tpu.memory_space<hbm>>) dst(%arg11 : memref<80x128xf32, #tpu.memory_space<vmem>>)
      %run_scoped3A_678 = arith.constant 1 : i32
      "tpu.region"() ({
        %run_scoped3A_684 = tpu.sem_alloc : memref<!tpu.dma_semaphore, #tpu.memory_space<semaphore_mem>>
        %dma_start3A_685 = arith.constant 0 : i32
        %dma_start3A_686 = tpu.memref_slice %arg9[%run_scoped3A_678, %dma_start3A_685] : memref<2x80xi32, #tpu.memory_space<vmem>> -> memref<1x80xi32, #tpu.memory_space<vmem>>
        %dma_start3A_687 = tpu.memref_squeeze %dma_start3A_686 : memref<1x80xi32, #tpu.memory_space<vmem>> -> memref<80xi32, #tpu.memory_space<vmem>>
        %dma_start3A_688 = arith.constant 0 : i32
        %dma_start3A_689 = arith.constant 0 : i32
        %dma_start3A_690 = tpu.memref_slice %arg14[%dma_start3A_688, %dma_start3A_689] : memref<5128x128xf32, #tpu.memory_space<vmem_shared>> -> memref<5128x128xf32, #tpu.memory_space<vmem_shared>>
        tpu.enqueue_indirect_dma source(%arg11 : memref<80x128xf32, #tpu.memory_space<vmem>>) target(%dma_start3A_690 : memref<5128x128xf32, #tpu.memory_space<vmem_shared>>) offsets(%dma_start3A_687 : memref<80xi32, #tpu.memory_space<vmem>>) semaphore(%run_scoped3A_684 : memref<!tpu.dma_semaphore, #tpu.memory_space<semaphore_mem>>) {add = true}
        %dma_wait3A_691 = arith.constant 0 : i32
        %dma_wait3A_692 = tpu.memref_slice %arg9[%run_scoped3A_678, %dma_wait3A_691] : memref<2x80xi32, #tpu.memory_space<vmem>> -> memref<1x80xi32, #tpu.memory_space<vmem>>
        %dma_wait3A_693 = tpu.memref_squeeze %dma_wait3A_692 : memref<1x80xi32, #tpu.memory_space<vmem>> -> memref<80xi32, #tpu.memory_space<vmem>>
        %dma_wait3A_694 = arith.constant 0 : i32
        %dma_wait3A_695 = arith.constant 0 : i32
        %dma_wait3A_696 = tpu.memref_slice %arg14[%dma_wait3A_694, %dma_wait3A_695] : memref<5128x128xf32, #tpu.memory_space<vmem_shared>> -> memref<5128x128xf32, #tpu.memory_space<vmem_shared>>
        tpu.wait_indirect_dma semaphore(%run_scoped3A_684 : memref<!tpu.dma_semaphore, #tpu.memory_space<semaphore_mem>>) src(%arg11 : memref<80x128xf32, #tpu.memory_space<vmem>>) dst(%dma_wait3A_696 : memref<5128x128xf32, #tpu.memory_space<vmem_shared>>)
        tpu.yield
      }) : () -> ()
      %lt3A_679 = arith.constant 61 : i32
      %lt3A_680 = arith.cmpi slt, %scan3A_376, %lt3A_679 : i32
      %convert_element_type3A_681 = arith.extui %lt3A_680 : i1 to i32
      %cond3A_682 = arith.constant 0 : i32
      %cond3A_683 = arith.cmpi ne, %convert_element_type3A_681, %cond3A_682 : i32
      scf.if %cond3A_683 {
        %add3A_684 = arith.constant 3 : i32
        %add3A_685 = arith.addi %mul3A_378, %add3A_684 : i32
        %mul3A_686 = arith.constant 80 : i32
        %mul3A_687 = arith.muli %add3A_685, %mul3A_686 : i32
        %dma_start3A_688 = arith.constant 0 : i32
        %dma_start3A_689 = tpu.memref_slice %arg6[%add3A, %mul3A_687, %dma_start3A_688] : memref<32x10000x128xf32, #tpu.memory_space<hbm>> -> memref<1x80x128xf32, #tpu.memory_space<hbm>>
        %dma_start3A_690 = tpu.memref_squeeze %dma_start3A_689 : memref<1x80x128xf32, #tpu.memory_space<hbm>> -> memref<80x128xf32, #tpu.memory_space<hbm>>
        %dma_start3A_691 = arith.constant 0 : i32
        %dma_start3A_692 = tpu.memref_slice %arg6[%add3A, %mul3A_687, %dma_start3A_691] : memref<32x10000x128xf32, #tpu.memory_space<hbm>> -> memref<1x80x128xf32, #tpu.memory_space<hbm>>
        %dma_start3A_693 = tpu.memref_squeeze %dma_start3A_692 : memref<1x80x128xf32, #tpu.memory_space<hbm>> -> memref<80x128xf32, #tpu.memory_space<hbm>>
        tpu.enqueue_dma source(%dma_start3A_693 : memref<80x128xf32, #tpu.memory_space<hbm>>) target(%arg11 : memref<80x128xf32, #tpu.memory_space<vmem>>) target_semaphore(%arg16 : memref<!tpu.dma_semaphore, #tpu.memory_space<semaphore_mem>>)
      } else {
      }
    }
    %scan3A_239 = arith.constant 62 : i32
    %get3A_240 = arith.constant 9920 : index
    %get3A_241 = tpu.vector_load %arg8[%get3A_240] {strides = array<i32>} : memref<10000xi32, #tpu.memory_space<vmem>>, vector<16xi32>,
    %sub3A_242 = arith.constant 5120 : i32
    %sub3A_243 = vector.broadcast %sub3A_242 : i32 to vector<16xi32>
    %sub3A_244 = arith.subi %get3A_241, %sub3A_243 : vector<16xi32>
    %ge3A_245 = arith.constant 0 : i32
    %ge3A_246 = vector.broadcast %ge3A_245 : i32 to vector<16xi32>
    %ge3A_247 = arith.cmpi sge, %sub3A_244, %ge3A_246 : vector<16xi32>
    %lt3A_248 = arith.constant 5120 : i32
    %lt3A_249 = vector.broadcast %lt3A_248 : i32 to vector<16xi32>
    %lt3A_250 = arith.cmpi slt, %sub3A_244, %lt3A_249 : vector<16xi32>
    %and3A_251 = arith.andi %ge3A_247, %lt3A_250 : vector<16xi1>
    %and3A_252 = arith.constant 7 : i32
    %and3A_253 = vector.broadcast %and3A_252 : i32 to vector<16xi32>
    %and3A_254 = arith.andi %sub3A_244, %and3A_253 : vector<16xi32>
    %add3A_255 = arith.constant 5120 : i32
    %add3A_256 = vector.broadcast %add3A_255 : i32 to vector<16xi32>
    %add3A_257 = arith.addi %add3A_256, %and3A_254 : vector<16xi32>
    %select_n3A_258 = arith.select %and3A_251, %sub3A_244, %add3A_257 : vector<16xi1>, vector<16xi32>
    %swap3A_259 = arith.constant 0 : i32
    %swap3A_260 = arith.index_cast %swap3A_259 : i32 to index
    %swap3A_261 = arith.constant 0 : index
    %swap3A_262 = tpu.vector_load %arg9[%swap3A_260, %swap3A_261] {strides = array<i32>} : memref<2x80xi32, #tpu.memory_space<vmem>>, vector<16xi32>,
    tpu.vector_store %arg9[%swap3A_260, %swap3A_261], %select_n3A_258 {strides = array<i32>} : memref<2x80xi32, #tpu.memory_space<vmem>>, vector<16xi32>,
    %get3A_263 = arith.constant 9936 : index
    %get3A_264 = tpu.vector_load %arg8[%get3A_263] {strides = array<i32>} : memref<10000xi32, #tpu.memory_space<vmem>>, vector<16xi32>,
    %sub3A_265 = arith.constant 5120 : i32
    %sub3A_266 = vector.broadcast %sub3A_265 : i32 to vector<16xi32>
    %sub3A_267 = arith.subi %get3A_264, %sub3A_266 : vector<16xi32>
    %ge3A_268 = arith.constant 0 : i32
    %ge3A_269 = vector.broadcast %ge3A_268 : i32 to vector<16xi32>
    %ge3A_270 = arith.cmpi sge, %sub3A_267, %ge3A_269 : vector<16xi32>
    %lt3A_271 = arith.constant 5120 : i32
    %lt3A_272 = vector.broadcast %lt3A_271 : i32 to vector<16xi32>
    %lt3A_273 = arith.cmpi slt, %sub3A_267, %lt3A_272 : vector<16xi32>
    %and3A_274 = arith.andi %ge3A_270, %lt3A_273 : vector<16xi1>
    %and3A_275 = arith.constant 7 : i32
    %and3A_276 = vector.broadcast %and3A_275 : i32 to vector<16xi32>
    %and3A_277 = arith.andi %sub3A_267, %and3A_276 : vector<16xi32>
    %add3A_278 = arith.constant 5120 : i32
    %add3A_279 = vector.broadcast %add3A_278 : i32 to vector<16xi32>
    %add3A_280 = arith.addi %add3A_279, %and3A_277 : vector<16xi32>
    %select_n3A_281 = arith.select %and3A_274, %sub3A_267, %add3A_280 : vector<16xi1>, vector<16xi32>
    %swap3A_282 = arith.constant 0 : i32
    %swap3A_283 = arith.index_cast %swap3A_282 : i32 to index
    %swap3A_284 = arith.constant 16 : index
    %swap3A_285 = tpu.vector_load %arg9[%swap3A_283, %swap3A_284] {strides = array<i32>} : memref<2x80xi32, #tpu.memory_space<vmem>>, vector<16xi32>,
    tpu.vector_store %arg9[%swap3A_283, %swap3A_284], %select_n3A_281 {strides = array<i32>} : memref<2x80xi32, #tpu.memory_space<vmem>>, vector<16xi32>,
    %get3A_286 = arith.constant 9952 : index
    %get3A_287 = tpu.vector_load %arg8[%get3A_286] {strides = array<i32>} : memref<10000xi32, #tpu.memory_space<vmem>>, vector<16xi32>,
    %sub3A_288 = arith.constant 5120 : i32
    %sub3A_289 = vector.broadcast %sub3A_288 : i32 to vector<16xi32>
    %sub3A_290 = arith.subi %get3A_287, %sub3A_289 : vector<16xi32>
    %ge3A_291 = arith.constant 0 : i32
    %ge3A_292 = vector.broadcast %ge3A_291 : i32 to vector<16xi32>
    %ge3A_293 = arith.cmpi sge, %sub3A_290, %ge3A_292 : vector<16xi32>
    %lt3A_294 = arith.constant 5120 : i32
    %lt3A_295 = vector.broadcast %lt3A_294 : i32 to vector<16xi32>
    %lt3A_296 = arith.cmpi slt, %sub3A_290, %lt3A_295 : vector<16xi32>
    %and3A_297 = arith.andi %ge3A_293, %lt3A_296 : vector<16xi1>
    %and3A_298 = arith.constant 7 : i32
    %and3A_299 = vector.broadcast %and3A_298 : i32 to vector<16xi32>
    %and3A_300 = arith.andi %sub3A_290, %and3A_299 : vector<16xi32>
    %add3A_301 = arith.constant 5120 : i32
    %add3A_302 = vector.broadcast %add3A_301 : i32 to vector<16xi32>
    %add3A_303 = arith.addi %add3A_302, %and3A_300 : vector<16xi32>
    %select_n3A_304 = arith.select %and3A_297, %sub3A_290, %add3A_303 : vector<16xi1>, vector<16xi32>
    %swap3A_305 = arith.constant 0 : i32
    %swap3A_306 = arith.index_cast %swap3A_305 : i32 to index
    %swap3A_307 = arith.constant 32 : index
    %swap3A_308 = tpu.vector_load %arg9[%swap3A_306, %swap3A_307] {strides = array<i32>} : memref<2x80xi32, #tpu.memory_space<vmem>>, vector<16xi32>,
    tpu.vector_store %arg9[%swap3A_306, %swap3A_307], %select_n3A_304 {strides = array<i32>} : memref<2x80xi32, #tpu.memory_space<vmem>>, vector<16xi32>,
    %get3A_309 = arith.constant 9968 : index
    %get3A_310 = tpu.vector_load %arg8[%get3A_309] {strides = array<i32>} : memref<10000xi32, #tpu.memory_space<vmem>>, vector<16xi32>,
    %sub3A_311 = arith.constant 5120 : i32
    %sub3A_312 = vector.broadcast %sub3A_311 : i32 to vector<16xi32>
    %sub3A_313 = arith.subi %get3A_310, %sub3A_312 : vector<16xi32>
    %ge3A_314 = arith.constant 0 : i32
    %ge3A_315 = vector.broadcast %ge3A_314 : i32 to vector<16xi32>
    %ge3A_316 = arith.cmpi sge, %sub3A_313, %ge3A_315 : vector<16xi32>
    %lt3A_317 = arith.constant 5120 : i32
    %lt3A_318 = vector.broadcast %lt3A_317 : i32 to vector<16xi32>
    %lt3A_319 = arith.cmpi slt, %sub3A_313, %lt3A_318 : vector<16xi32>
    %and3A_320 = arith.andi %ge3A_316, %lt3A_319 : vector<16xi1>
    %and3A_321 = arith.constant 7 : i32
    %and3A_322 = vector.broadcast %and3A_321 : i32 to vector<16xi32>
    %and3A_323 = arith.andi %sub3A_313, %and3A_322 : vector<16xi32>
    %add3A_324 = arith.constant 5120 : i32
    %add3A_325 = vector.broadcast %add3A_324 : i32 to vector<16xi32>
    %add3A_326 = arith.addi %add3A_325, %and3A_323 : vector<16xi32>
    %select_n3A_327 = arith.select %and3A_320, %sub3A_313, %add3A_326 : vector<16xi1>, vector<16xi32>
    %swap3A_328 = arith.constant 0 : i32
    %swap3A_329 = arith.index_cast %swap3A_328 : i32 to index
    %swap3A_330 = arith.constant 48 : index
    %swap3A_331 = tpu.vector_load %arg9[%swap3A_329, %swap3A_330] {strides = array<i32>} : memref<2x80xi32, #tpu.memory_space<vmem>>, vector<16xi32>,
    tpu.vector_store %arg9[%swap3A_329, %swap3A_330], %select_n3A_327 {strides = array<i32>} : memref<2x80xi32, #tpu.memory_space<vmem>>, vector<16xi32>,
    %get3A_332 = arith.constant 9984 : index
    %get3A_333 = tpu.vector_load %arg8[%get3A_332] {strides = array<i32>} : memref<10000xi32, #tpu.memory_space<vmem>>, vector<16xi32>,
    %sub3A_334 = arith.constant 5120 : i32
    %sub3A_335 = vector.broadcast %sub3A_334 : i32 to vector<16xi32>
    %sub3A_336 = arith.subi %get3A_333, %sub3A_335 : vector<16xi32>
    %ge3A_337 = arith.constant 0 : i32
    %ge3A_338 = vector.broadcast %ge3A_337 : i32 to vector<16xi32>
    %ge3A_339 = arith.cmpi sge, %sub3A_336, %ge3A_338 : vector<16xi32>
    %lt3A_340 = arith.constant 5120 : i32
    %lt3A_341 = vector.broadcast %lt3A_340 : i32 to vector<16xi32>
    %lt3A_342 = arith.cmpi slt, %sub3A_336, %lt3A_341 : vector<16xi32>
    %and3A_343 = arith.andi %ge3A_339, %lt3A_342 : vector<16xi1>
    %and3A_344 = arith.constant 7 : i32
    %and3A_345 = vector.broadcast %and3A_344 : i32 to vector<16xi32>
    %and3A_346 = arith.andi %sub3A_336, %and3A_345 : vector<16xi32>
    %add3A_347 = arith.constant 5120 : i32
    %add3A_348 = vector.broadcast %add3A_347 : i32 to vector<16xi32>
    %add3A_349 = arith.addi %add3A_348, %and3A_346 : vector<16xi32>
    %select_n3A_350 = arith.select %and3A_343, %sub3A_336, %add3A_349 : vector<16xi1>, vector<16xi32>
    %swap3A_351 = arith.constant 0 : i32
    %swap3A_352 = arith.index_cast %swap3A_351 : i32 to index
    %swap3A_353 = arith.constant 64 : index
    %swap3A_354 = tpu.vector_load %arg9[%swap3A_352, %swap3A_353] {strides = array<i32>} : memref<2x80xi32, #tpu.memory_space<vmem>>, vector<16xi32>,
    tpu.vector_store %arg9[%swap3A_352, %swap3A_353], %select_n3A_350 {strides = array<i32>} : memref<2x80xi32, #tpu.memory_space<vmem>>, vector<16xi32>,
    %dma_wait3A_355 = arith.constant 9920 : i32
    %dma_wait3A_356 = arith.constant 0 : i32
    %dma_wait3A_357 = tpu.memref_slice %arg6[%add3A, %dma_wait3A_355, %dma_wait3A_356] : memref<32x10000x128xf32, #tpu.memory_space<hbm>> -> memref<1x80x128xf32, #tpu.memory_space<hbm>>
    %dma_wait3A_358 = tpu.memref_squeeze %dma_wait3A_357 : memref<1x80x128xf32, #tpu.memory_space<hbm>> -> memref<80x128xf32, #tpu.memory_space<hbm>>
    %dma_wait3A_359 = arith.constant 9920 : i32
    %dma_wait3A_360 = arith.constant 0 : i32
    %dma_wait3A_361 = tpu.memref_slice %arg6[%add3A, %dma_wait3A_359, %dma_wait3A_360] : memref<32x10000x128xf32, #tpu.memory_space<hbm>> -> memref<1x80x128xf32, #tpu.memory_space<hbm>>
    %dma_wait3A_362 = tpu.memref_squeeze %dma_wait3A_361 : memref<1x80x128xf32, #tpu.memory_space<hbm>> -> memref<80x128xf32, #tpu.memory_space<hbm>>
    tpu.wait_dma2 semaphore(%arg15 : memref<!tpu.dma_semaphore, #tpu.memory_space<semaphore_mem>>) src(%dma_wait3A_362 : memref<80x128xf32, #tpu.memory_space<hbm>>) dst(%arg10 : memref<80x128xf32, #tpu.memory_space<vmem>>)
    %run_scoped3A_363 = arith.constant 0 : i32
    "tpu.region"() ({
      %run_scoped3A_376 = tpu.sem_alloc : memref<!tpu.dma_semaphore, #tpu.memory_space<semaphore_mem>>
      %dma_start3A_377 = arith.constant 0 : i32
      %dma_start3A_378 = tpu.memref_slice %arg9[%run_scoped3A_363, %dma_start3A_377] : memref<2x80xi32, #tpu.memory_space<vmem>> -> memref<1x80xi32, #tpu.memory_space<vmem>>
      %dma_start3A_379 = tpu.memref_squeeze %dma_start3A_378 : memref<1x80xi32, #tpu.memory_space<vmem>> -> memref<80xi32, #tpu.memory_space<vmem>>
      %dma_start3A_380 = arith.constant 0 : i32
      %dma_start3A_381 = arith.constant 0 : i32
      %dma_start3A_382 = tpu.memref_slice %arg14[%dma_start3A_380, %dma_start3A_381] : memref<5128x128xf32, #tpu.memory_space<vmem_shared>> -> memref<5128x128xf32, #tpu.memory_space<vmem_shared>>
      tpu.enqueue_indirect_dma source(%arg10 : memref<80x128xf32, #tpu.memory_space<vmem>>) target(%dma_start3A_382 : memref<5128x128xf32, #tpu.memory_space<vmem_shared>>) offsets(%dma_start3A_379 : memref<80xi32, #tpu.memory_space<vmem>>) semaphore(%run_scoped3A_376 : memref<!tpu.dma_semaphore, #tpu.memory_space<semaphore_mem>>) {add = true}
      %dma_wait3A_383 = arith.constant 0 : i32
      %dma_wait3A_384 = tpu.memref_slice %arg9[%run_scoped3A_363, %dma_wait3A_383] : memref<2x80xi32, #tpu.memory_space<vmem>> -> memref<1x80xi32, #tpu.memory_space<vmem>>
      %dma_wait3A_385 = tpu.memref_squeeze %dma_wait3A_384 : memref<1x80xi32, #tpu.memory_space<vmem>> -> memref<80xi32, #tpu.memory_space<vmem>>
      %dma_wait3A_386 = arith.constant 0 : i32
      %dma_wait3A_387 = arith.constant 0 : i32
      %dma_wait3A_388 = tpu.memref_slice %arg14[%dma_wait3A_386, %dma_wait3A_387] : memref<5128x128xf32, #tpu.memory_space<vmem_shared>> -> memref<5128x128xf32, #tpu.memory_space<vmem_shared>>
      tpu.wait_indirect_dma semaphore(%run_scoped3A_376 : memref<!tpu.dma_semaphore, #tpu.memory_space<semaphore_mem>>) src(%arg10 : memref<80x128xf32, #tpu.memory_space<vmem>>) dst(%dma_wait3A_388 : memref<5128x128xf32, #tpu.memory_space<vmem_shared>>)
      tpu.yield
    }) : () -> ()
    %barrier3A_364 = arith.constant 0 : index
    tpu.barrier barrier_id(%barrier3A_364)
    %lt3A_365 = arith.constant 15 : i32
    %lt3A_366 = arith.cmpi slt, %arg1, %lt3A_365 : i32
    %convert_element_type3A_367 = arith.extui %lt3A_366 : i1 to i32
    %cond3A_368 = arith.constant 0 : i32
    %cond3A_369 = arith.cmpi ne, %convert_element_type3A_367, %cond3A_368 : i32
    scf.if %cond3A_369 {
      %mul3A_376 = arith.constant 320 : i32
      %mul3A_377 = arith.muli %arg1, %mul3A_376 : i32
      %mul3A_378 = arith.constant 320 : i32
      %mul3A_379 = arith.muli %arg1, %mul3A_378 : i32
      %add3A_380 = arith.constant 5120 : i32
      %add3A_381 = arith.addi %add3A_380, %mul3A_379 : i32
      "tpu.region"() ({
        %run_scoped3A_382 = tpu.sem_alloc : memref<!tpu.dma_semaphore, #tpu.memory_space<semaphore_mem>>
        %dma_start3A_383 = arith.constant 0 : i32
        %dma_start3A_384 = tpu.memref_slice %arg5[%arg0, %add3A_381, %dma_start3A_383] : memref<2x10000x128xf32, #tpu.memory_space<hbm>> -> memref<1x320x128xf32, #tpu.memory_space<hbm>>
        %dma_start3A_385 = tpu.memref_squeeze %dma_start3A_384 : memref<1x320x128xf32, #tpu.memory_space<hbm>> -> memref<320x128xf32, #tpu.memory_space<hbm>>
        %dma_start3A_386 = arith.constant 0 : i32
        %dma_start3A_387 = tpu.memref_slice %arg14[%mul3A_377, %dma_start3A_386] : memref<5128x128xf32, #tpu.memory_space<vmem_shared>> -> memref<320x128xf32, #tpu.memory_space<vmem_shared>>
        tpu.enqueue_dma source(%dma_start3A_387 : memref<320x128xf32, #tpu.memory_space<vmem_shared>>) target(%dma_start3A_385 : memref<320x128xf32, #tpu.memory_space<hbm>>) target_semaphore(%run_scoped3A_382 : memref<!tpu.dma_semaphore, #tpu.memory_space<semaphore_mem>>)
        %dma_wait3A_388 = arith.constant 0 : i32
        %dma_wait3A_389 = tpu.memref_slice %arg5[%arg0, %add3A_381, %dma_wait3A_388] : memref<2x10000x128xf32, #tpu.memory_space<hbm>> -> memref<1x320x128xf32, #tpu.memory_space<hbm>>
        %dma_wait3A_390 = tpu.memref_squeeze %dma_wait3A_389 : memref<1x320x128xf32, #tpu.memory_space<hbm>> -> memref<320x128xf32, #tpu.memory_space<hbm>>
        %dma_wait3A_391 = arith.constant 0 : i32
        %dma_wait3A_392 = tpu.memref_slice %arg14[%mul3A_377, %dma_wait3A_391] : memref<5128x128xf32, #tpu.memory_space<vmem_shared>> -> memref<320x128xf32, #tpu.memory_space<vmem_shared>>
        tpu.wait_dma2 semaphore(%run_scoped3A_382 : memref<!tpu.dma_semaphore, #tpu.memory_space<semaphore_mem>>) src(%dma_wait3A_392 : memref<320x128xf32, #tpu.memory_space<vmem_shared>>) dst(%dma_wait3A_390 : memref<320x128xf32, #tpu.memory_space<hbm>>)
        tpu.yield
      }) : () -> ()
    } else {
    }
    %eq3A_370 = arith.constant 15 : i32
    %eq3A_371 = arith.cmpi eq, %arg1, %eq3A_370 : i32
    %convert_element_type3A_372 = arith.extui %eq3A_371 : i1 to i32
    %cond3A_373 = arith.constant 0 : i32
    %cond3A_374 = arith.cmpi ne, %convert_element_type3A_372, %cond3A_373 : i32
    scf.if %cond3A_374 {
      "tpu.region"() ({
        %run_scoped3A_376 = tpu.sem_alloc : memref<!tpu.dma_semaphore, #tpu.memory_space<semaphore_mem>>
        %dma_start3A_377 = arith.constant 9920 : i32
        %dma_start3A_378 = arith.constant 0 : i32
        %dma_start3A_379 = tpu.memref_slice %arg5[%arg0, %dma_start3A_377, %dma_start3A_378] : memref<2x10000x128xf32, #tpu.memory_space<hbm>> -> memref<1x80x128xf32, #tpu.memory_space<hbm>>
        %dma_start3A_380 = tpu.memref_squeeze %dma_start3A_379 : memref<1x80x128xf32, #tpu.memory_space<hbm>> -> memref<80x128xf32, #tpu.memory_space<hbm>>
        %dma_start3A_381 = arith.constant 4800 : i32
        %dma_start3A_382 = arith.constant 0 : i32
        %dma_start3A_383 = tpu.memref_slice %arg14[%dma_start3A_381, %dma_start3A_382] : memref<5128x128xf32, #tpu.memory_space<vmem_shared>> -> memref<80x128xf32, #tpu.memory_space<vmem_shared>>
        tpu.enqueue_dma source(%dma_start3A_383 : memref<80x128xf32, #tpu.memory_space<vmem_shared>>) target(%dma_start3A_380 : memref<80x128xf32, #tpu.memory_space<hbm>>) target_semaphore(%run_scoped3A_376 : memref<!tpu.dma_semaphore, #tpu.memory_space<semaphore_mem>>)
        %dma_wait3A_384 = arith.constant 9920 : i32
        %dma_wait3A_385 = arith.constant 0 : i32
        %dma_wait3A_386 = tpu.memref_slice %arg5[%arg0, %dma_wait3A_384, %dma_wait3A_385] : memref<2x10000x128xf32, #tpu.memory_space<hbm>> -> memref<1x80x128xf32, #tpu.memory_space<hbm>>
        %dma_wait3A_387 = tpu.memref_squeeze %dma_wait3A_386 : memref<1x80x128xf32, #tpu.memory_space<hbm>> -> memref<80x128xf32, #tpu.memory_space<hbm>>
        %dma_wait3A_388 = arith.constant 4800 : i32
        %dma_wait3A_389 = arith.constant 0 : i32
        %dma_wait3A_390 = tpu.memref_slice %arg14[%dma_wait3A_388, %dma_wait3A_389] : memref<5128x128xf32, #tpu.memory_space<vmem_shared>> -> memref<80x128xf32, #tpu.memory_space<vmem_shared>>
        tpu.wait_dma2 semaphore(%run_scoped3A_376 : memref<!tpu.dma_semaphore, #tpu.memory_space<semaphore_mem>>) src(%dma_wait3A_390 : memref<80x128xf32, #tpu.memory_space<vmem_shared>>) dst(%dma_wait3A_387 : memref<80x128xf32, #tpu.memory_space<hbm>>)
        tpu.yield
      }) : () -> ()
    } else {
    }
    %barrier3A_375 = arith.constant 0 : index
    tpu.barrier barrier_id(%barrier3A_375)
    return
  }
}

module attributes {stable_mosaic.version = 14 : i64} {
  func.func @_mm1_body(%arg0: memref<10000x128xf32, #tpu.memory_space<vmem>>, %arg1: memref<128x128xf32, #tpu.memory_space<vmem>>, %arg2: memref<1x128xf32, #tpu.memory_space<vmem>>, %arg3: memref<10000x128xf32, #tpu.memory_space<vmem>>) attributes {dimension_semantics = [], scalar_prefetch = 0 : i64, scratch_operands = 0 : i64, tpu.core_type = #tpu.core_type<tc>} {
    %get3A = arith.constant 0 : index
    %get3A_0 = arith.constant 0 : index
    %get3A_1 = vector.load %arg0[%get3A, %get3A_0] : memref<10000x128xf32, #tpu.memory_space<vmem>>, vector<10000x128xf32>
    %get3A_2 = arith.constant 0 : index
    %get3A_3 = arith.constant 0 : index
    %get3A_4 = vector.load %arg1[%get3A_2, %get3A_3] : memref<128x128xf32, #tpu.memory_space<vmem>>, vector<128x128xf32>
    %dot_general3A = arith.constant dense<0.000000e+00> : vector<10000x128xf32>
    %dot_general3A_5 = tpu.matmul %get3A_1, %get3A_4, %dot_general3A {dimension_numbers = #tpu.dot_dimension_numbers<[1], [0], [0], [1], [0, 0, 1, 1], [], []>, transpose_lhs_hint = false} : vector<10000x128xf32>, vector<128x128xf32>, vector<10000x128xf32> -> vector<10000x128xf32>
    %get3A_6 = arith.constant 0 : index
    %get3A_7 = arith.constant 0 : index
    %get3A_8 = vector.load %arg2[%get3A_6, %get3A_7] : memref<1x128xf32, #tpu.memory_space<vmem>>, vector<1x128xf32>
    %add3A = vector.broadcast %get3A_8 : vector<1x128xf32> to vector<10000x128xf32>
    %add3A_9 = arith.addf %dot_general3A_5, %add3A : vector<10000x128xf32>
    %swap3A = arith.constant 0 : index
    %swap3A_10 = arith.constant 0 : index
    %swap3A_11 = vector.load %arg3[%swap3A, %swap3A_10] : memref<10000x128xf32, #tpu.memory_space<vmem>>, vector<10000x128xf32>
    tpu.vector_store %arg3[%swap3A, %swap3A_10], %add3A_9 {strides = array<i32>} : memref<10000x128xf32, #tpu.memory_space<vmem>>, vector<10000x128xf32>,
    return
  }
}

module attributes {stable_mosaic.version = 14 : i64} {
  func.func @_filter_body(%arg0: i32, %arg1: memref<1x1x2560xf32, #tpu.memory_space<vmem>>, %arg2: memref<128x104xf32, #tpu.memory_space<vmem>>, %arg3: memref<128x1xf32, #tpu.memory_space<vmem>>, %arg4: memref<128x128xf32, #tpu.memory_space<vmem>>, %arg5: memref<1x128xf32, #tpu.memory_space<vmem>>, %arg6: memref<2560x128xf32, #tpu.memory_space<vmem>>) attributes {dimension_semantics = [#tpu.dimension_semantics<arbitrary>], iteration_bounds = array<i64: 125>, scalar_prefetch = 0 : i64, scratch_operands = 0 : i64, tpu.core_type = #tpu.core_type<tc>, window_params = [{transform_indices = @transform_0, window_bounds = array<i64: 1, 1, 2560>}, {pipeline_mode = #tpu.pipeline_mode<synchronous>, transform_indices = @transform_1, window_bounds = array<i64: 128, 104>}, {pipeline_mode = #tpu.pipeline_mode<synchronous>, transform_indices = @transform_2, window_bounds = array<i64: 128, 1>}, {pipeline_mode = #tpu.pipeline_mode<synchronous>, transform_indices = @transform_3, window_bounds = array<i64: 128, 128>}, {pipeline_mode = #tpu.pipeline_mode<synchronous>, transform_indices = @transform_4, window_bounds = array<i64: 1, 128>}, {transform_indices = @transform_5, window_bounds = array<i64: 2560, 128>}]} {
    %get3A = arith.constant 0 : index
    %get3A_0 = arith.constant 0 : index
    %get3A_1 = arith.constant 0 : index
    %get3A_2 = vector.load %arg1[%get3A, %get3A_0, %get3A_1] : memref<1x1x2560xf32, #tpu.memory_space<vmem>>, vector<1x1x2560xf32>
    %get3A_3 = vector.shape_cast %get3A_2 : vector<1x1x2560xf32> to vector<1x2560xf32>
    %sqrt3A = math.sqrt %get3A_3 : vector<1x2560xf32>
    %iota3A = tpu.iota {dimensions = array<i32: 0>} : vector<104x1xi32>
    %convert_element_type3A = arith.sitofp %iota3A : vector<104x1xi32> to vector<104x1xf32>
    %mul3A = arith.constant 1.000000e-01 : f32
    %mul3A_4 = vector.broadcast %mul3A : f32 to vector<104x1xf32>
    %mul3A_5 = arith.mulf %convert_element_type3A, %mul3A_4 : vector<104x1xf32>
    %sub3A = vector.broadcast %sqrt3A : vector<1x2560xf32> to vector<104x2560xf32>
    %sub3A_6 = vector.broadcast %mul3A_5 : vector<104x1xf32> to vector<104x2560xf32>
    %sub3A_7 = arith.subf %sub3A, %sub3A_6 : vector<104x2560xf32>
    %mul3A_8 = arith.mulf %sub3A_7, %sub3A_7 : vector<104x2560xf32>
    %mul3A_9 = arith.constant -1.000000e+01 : f32
    %mul3A_10 = vector.broadcast %mul3A_9 : f32 to vector<104x2560xf32>
    %mul3A_11 = arith.mulf %mul3A_8, %mul3A_10 : vector<104x2560xf32>
    %exp3A = math.exp %mul3A_11 : vector<104x2560xf32>
    %get3A_12 = arith.constant 0 : index
    %get3A_13 = arith.constant 0 : index
    %get3A_14 = vector.load %arg2[%get3A_12, %get3A_13] : memref<128x104xf32, #tpu.memory_space<vmem>>, vector<128x104xf32>
    %dot_general3A = arith.constant dense<0.000000e+00> : vector<128x2560xf32>
    %dot_general3A_15 = tpu.matmul %get3A_14, %exp3A, %dot_general3A {dimension_numbers = #tpu.dot_dimension_numbers<[1], [0], [0], [1], [0, 0, 1, 1], [], []>, transpose_lhs_hint = false} : vector<128x104xf32>, vector<104x2560xf32>, vector<128x2560xf32> -> vector<128x2560xf32>
    %get3A_16 = arith.constant 0 : index
    %get3A_17 = arith.constant 0 : index
    %get3A_18 = vector.load %arg3[%get3A_16, %get3A_17] : memref<128x1xf32, #tpu.memory_space<vmem>>, vector<128x1xf32>
    %add3A = vector.broadcast %get3A_18 : vector<128x1xf32> to vector<128x2560xf32>
    %add3A_19 = arith.addf %dot_general3A_15, %add3A : vector<128x2560xf32>
    %custom_jvp_call3A = arith.constant 0.000000e+00 : f32
    %max3A = vector.broadcast %custom_jvp_call3A : f32 to vector<128x2560xf32>
    %max3A_20 = arith.maximumf %add3A_19, %max3A : vector<128x2560xf32>
    %sub3A_21 = vector.broadcast %custom_jvp_call3A : f32 to vector<128x2560xf32>
    %sub3A_22 = arith.subf %add3A_19, %sub3A_21 : vector<128x2560xf32>
    %ne3A = arith.cmpf one, %sub3A_22, %sub3A_22 : vector<128x2560xf32>
    %add3A_23 = vector.broadcast %custom_jvp_call3A : f32 to vector<128x2560xf32>
    %add3A_24 = arith.addf %add3A_19, %add3A_23 : vector<128x2560xf32>
    %abs3A = math.absf %sub3A_22 : vector<128x2560xf32>
    %neg3A = arith.constant 0.000000e+00 : f32
    %neg3A_25 = vector.broadcast %neg3A : f32 to vector<128x2560xf32>
    %neg3A_26 = arith.subf %neg3A_25, %abs3A : vector<128x2560xf32>
    %exp3A_27 = math.exp %neg3A_26 : vector<128x2560xf32>
    %log1p3A = math.log1p %exp3A_27 : vector<128x2560xf32>
    %add3A_28 = arith.addf %max3A_20, %log1p3A : vector<128x2560xf32>
    %select_n3A = arith.select %ne3A, %add3A_24, %add3A_28 : vector<128x2560xi1>, vector<128x2560xf32>
    %sub3A_29 = arith.constant 0.693147182 : f32
    %sub3A_30 = vector.broadcast %sub3A_29 : f32 to vector<128x2560xf32>
    %sub3A_31 = arith.subf %select_n3A, %sub3A_30 : vector<128x2560xf32>
    %get3A_32 = arith.constant 0 : index
    %get3A_33 = arith.constant 0 : index
    %get3A_34 = vector.load %arg4[%get3A_32, %get3A_33] : memref<128x128xf32, #tpu.memory_space<vmem>>, vector<128x128xf32>
    %dot_general3A_35 = arith.constant dense<0.000000e+00> : vector<2560x128xf32>
    %dot_general3A_36 = tpu.matmul %sub3A_31, %get3A_34, %dot_general3A_35 {dimension_numbers = #tpu.dot_dimension_numbers<[0], [0], [1], [1], [0, 1, 1, 1], [], []>, transpose_lhs_hint = false} : vector<128x2560xf32>, vector<128x128xf32>, vector<2560x128xf32> -> vector<2560x128xf32>
    %get3A_37 = arith.constant 0 : index
    %get3A_38 = arith.constant 0 : index
    %get3A_39 = vector.load %arg5[%get3A_37, %get3A_38] : memref<1x128xf32, #tpu.memory_space<vmem>>, vector<1x128xf32>
    %add3A_40 = vector.broadcast %get3A_39 : vector<1x128xf32> to vector<2560x128xf32>
    %add3A_41 = arith.addf %dot_general3A_36, %add3A_40 : vector<2560x128xf32>
    %swap3A = arith.constant 0 : index
    %swap3A_42 = arith.constant 0 : index
    %swap3A_43 = vector.load %arg6[%swap3A, %swap3A_42] : memref<2560x128xf32, #tpu.memory_space<vmem>>, vector<2560x128xf32>
    tpu.vector_store %arg6[%swap3A, %swap3A_42], %add3A_41 {strides = array<i32>} : memref<2560x128xf32, #tpu.memory_space<vmem>>, vector<2560x128xf32>,
    return
  }
  func.func @transform_0(%arg0: i32) -> (i32, i32, i32) {
    %c0_i32 = arith.constant 0 : i32
    %c0_i32_0 = arith.constant 0 : i32
    %c0_i32_1 = arith.constant 0 : i32
    return %arg0, %c0_i32, %c0_i32_0 : i32, i32, i32
  }
  func.func @transform_1(%arg0: i32) -> (i32, i32) {
    %c0_i32 = arith.constant 0 : i32
    %c0_i32_0 = arith.constant 0 : i32
    %c0_i32_1 = arith.constant 0 : i32
    return %c0_i32, %c0_i32_0 : i32, i32
  }
  func.func @transform_2(%arg0: i32) -> (i32, i32) {
    %c0_i32 = arith.constant 0 : i32
    %c0_i32_0 = arith.constant 0 : i32
    %c0_i32_1 = arith.constant 0 : i32
    return %c0_i32, %c0_i32_0 : i32, i32
  }
  func.func @transform_3(%arg0: i32) -> (i32, i32) {
    %c0_i32 = arith.constant 0 : i32
    %c0_i32_0 = arith.constant 0 : i32
    %c0_i32_1 = arith.constant 0 : i32
    return %c0_i32, %c0_i32_0 : i32, i32
  }
  func.func @transform_4(%arg0: i32) -> (i32, i32) {
    %c0_i32 = arith.constant 0 : i32
    %c0_i32_0 = arith.constant 0 : i32
    %c0_i32_1 = arith.constant 0 : i32
    return %c0_i32, %c0_i32_0 : i32, i32
  }
  func.func @transform_5(%arg0: i32) -> (i32, i32) {
    %c0_i32 = arith.constant 0 : i32
    %c0_i32_0 = arith.constant 0 : i32
    return %arg0, %c0_i32 : i32, i32
  }
}

module attributes {stable_mosaic.version = 14 : i64} {
  func.func @_out_body(%arg0: memref<10000x128xf32, #tpu.memory_space<vmem>>, %arg1: memref<2x10000x128xf32, #tpu.memory_space<vmem>>, %arg2: memref<128x128xf32, #tpu.memory_space<vmem>>, %arg3: memref<1x128xf32, #tpu.memory_space<vmem>>, %arg4: memref<128x128xf32, #tpu.memory_space<vmem>>, %arg5: memref<1x128xf32, #tpu.memory_space<vmem>>, %arg6: memref<10000x128xf32, #tpu.memory_space<vmem>>) attributes {dimension_semantics = [], scalar_prefetch = 0 : i64, scratch_operands = 0 : i64, tpu.core_type = #tpu.core_type<tc>} {
    %get3A = arith.constant 0 : index
    %get3A_0 = arith.constant 0 : index
    %get3A_1 = arith.constant 0 : index
    %get3A_2 = vector.load %arg1[%get3A, %get3A_0, %get3A_1] : memref<2x10000x128xf32, #tpu.memory_space<vmem>>, vector<1x10000x128xf32>
    %get3A_3 = vector.shape_cast %get3A_2 : vector<1x10000x128xf32> to vector<10000x128xf32>
    %get3A_4 = arith.constant 1 : index
    %get3A_5 = arith.constant 0 : index
    %get3A_6 = arith.constant 0 : index
    %get3A_7 = vector.load %arg1[%get3A_4, %get3A_5, %get3A_6] : memref<2x10000x128xf32, #tpu.memory_space<vmem>>, vector<1x10000x128xf32>
    %get3A_8 = vector.shape_cast %get3A_7 : vector<1x10000x128xf32> to vector<10000x128xf32>
    %add3A = arith.addf %get3A_3, %get3A_8 : vector<10000x128xf32>
    %get3A_9 = arith.constant 0 : index
    %get3A_10 = arith.constant 0 : index
    %get3A_11 = vector.load %arg2[%get3A_9, %get3A_10] : memref<128x128xf32, #tpu.memory_space<vmem>>, vector<128x128xf32>
    %dot_general3A = arith.constant dense<0.000000e+00> : vector<10000x128xf32>
    %dot_general3A_12 = tpu.matmul %add3A, %get3A_11, %dot_general3A {dimension_numbers = #tpu.dot_dimension_numbers<[1], [0], [0], [1], [0, 0, 1, 1], [], []>, transpose_lhs_hint = false} : vector<10000x128xf32>, vector<128x128xf32>, vector<10000x128xf32> -> vector<10000x128xf32>
    %get3A_13 = arith.constant 0 : index
    %get3A_14 = arith.constant 0 : index
    %get3A_15 = vector.load %arg3[%get3A_13, %get3A_14] : memref<1x128xf32, #tpu.memory_space<vmem>>, vector<1x128xf32>
    %add3A_16 = vector.broadcast %get3A_15 : vector<1x128xf32> to vector<10000x128xf32>
    %add3A_17 = arith.addf %dot_general3A_12, %add3A_16 : vector<10000x128xf32>
    %custom_jvp_call3A = arith.constant 0.000000e+00 : f32
    %max3A = vector.broadcast %custom_jvp_call3A : f32 to vector<10000x128xf32>
    %max3A_18 = arith.maximumf %add3A_17, %max3A : vector<10000x128xf32>
    %sub3A = vector.broadcast %custom_jvp_call3A : f32 to vector<10000x128xf32>
    %sub3A_19 = arith.subf %add3A_17, %sub3A : vector<10000x128xf32>
    %ne3A = arith.cmpf one, %sub3A_19, %sub3A_19 : vector<10000x128xf32>
    %add3A_20 = vector.broadcast %custom_jvp_call3A : f32 to vector<10000x128xf32>
    %add3A_21 = arith.addf %add3A_17, %add3A_20 : vector<10000x128xf32>
    %abs3A = math.absf %sub3A_19 : vector<10000x128xf32>
    %neg3A = arith.constant 0.000000e+00 : f32
    %neg3A_22 = vector.broadcast %neg3A : f32 to vector<10000x128xf32>
    %neg3A_23 = arith.subf %neg3A_22, %abs3A : vector<10000x128xf32>
    %exp3A = math.exp %neg3A_23 : vector<10000x128xf32>
    %log1p3A = math.log1p %exp3A : vector<10000x128xf32>
    %add3A_24 = arith.addf %max3A_18, %log1p3A : vector<10000x128xf32>
    %select_n3A = arith.select %ne3A, %add3A_21, %add3A_24 : vector<10000x128xi1>, vector<10000x128xf32>
    %sub3A_25 = arith.constant 0.693147182 : f32
    %sub3A_26 = vector.broadcast %sub3A_25 : f32 to vector<10000x128xf32>
    %sub3A_27 = arith.subf %select_n3A, %sub3A_26 : vector<10000x128xf32>
    %get3A_28 = arith.constant 0 : index
    %get3A_29 = arith.constant 0 : index
    %get3A_30 = vector.load %arg0[%get3A_28, %get3A_29] : memref<10000x128xf32, #tpu.memory_space<vmem>>, vector<10000x128xf32>
    %get3A_31 = arith.constant 0 : index
    %get3A_32 = arith.constant 0 : index
    %get3A_33 = vector.load %arg4[%get3A_31, %get3A_32] : memref<128x128xf32, #tpu.memory_space<vmem>>, vector<128x128xf32>
    %dot_general3A_34 = arith.constant dense<0.000000e+00> : vector<10000x128xf32>
    %dot_general3A_35 = tpu.matmul %sub3A_27, %get3A_33, %dot_general3A_34 {dimension_numbers = #tpu.dot_dimension_numbers<[1], [0], [0], [1], [0, 0, 1, 1], [], []>, transpose_lhs_hint = false} : vector<10000x128xf32>, vector<128x128xf32>, vector<10000x128xf32> -> vector<10000x128xf32>
    %add3A_36 = arith.addf %get3A_30, %dot_general3A_35 : vector<10000x128xf32>
    %get3A_37 = arith.constant 0 : index
    %get3A_38 = arith.constant 0 : index
    %get3A_39 = vector.load %arg5[%get3A_37, %get3A_38] : memref<1x128xf32, #tpu.memory_space<vmem>>, vector<1x128xf32>
    %add3A_40 = vector.broadcast %get3A_39 : vector<1x128xf32> to vector<10000x128xf32>
    %add3A_41 = arith.addf %add3A_36, %add3A_40 : vector<10000x128xf32>
    %swap3A = arith.constant 0 : index
    %swap3A_42 = arith.constant 0 : index
    %swap3A_43 = vector.load %arg6[%swap3A, %swap3A_42] : memref<10000x128xf32, #tpu.memory_space<vmem>>, vector<10000x128xf32>
    tpu.vector_store %arg6[%swap3A, %swap3A_42], %add3A_41 {strides = array<i32>} : memref<10000x128xf32, #tpu.memory_space<vmem>>, vector<10000x128xf32>,
    return
  }
}

</mosaic_0001>

<sc_bundles>
// kernel: kernel.10.cloned.1.call-start
scs
__scs_entry_jumppad:
0x0: {  	(pc) =	sbr.rel $0x88, $3  }
0x1: {  	(tag) =	ssettag $0x0;
	lr =	simm.s32 $0x1  }
0x2: {  	[smem:$0x3F94] =	sst lr;
	_ =	strace $0xD0000000  }
0x3: {  	_ = 	snop  }
0x4: {  	_ = 	snop  }
0x5: {  	_ = 	snop  }
0x6: {  	_ = 	snop  }
0x7: {  	_ = 	snop  }
__scs_overlays_trampoline_lowered:
0x8: {  	[smem:$0x3FA3] =	sst s0  }
0x9: {  	[smem:$0x3FA4] =	sst s1  }
0xa: {  	[smem:$0x3FA5] =	sst s2  }
0xb: {  	[smem:$0x3FA6] =	sst s3  }
0xc: {  	[smem:$0x3FA7] =	sst s4  }
0xd: {  	[smem:$0x3FA8] =	sst s5  }
0xe: {  	[smem:$0x3FA9] =	sst s6  }
0xf: {  	[smem:$0x3FAA] =	sst s7  }
0x10: {  	[smem:$0x3FAB] =	sst s8  }
0x11: {  	[smem:$0x3FAC] =	sst s9;
	s0 =	simm.s32 @!p0 $0x0  }
0x12: {  	s1 =	sld [smem:$0x3F92];
	s0 =	simm.s32 @p0 $0x1  }
0x13: {  	[smem:$0x3FAD] =	sst s0;
	s0 =	simm.s32 @!p1 $0x0  }
0x14: {  	s2 =	sld [smem:$0x3F91];
	s0 =	simm.s32 @p1 $0x1  }
0x15: {  	[smem:$0x3FAE] =	sst s0;
	s0 =	simm.s32 @!p2 $0x0  }
0x16: {  	s3 =	sld [smem:$0x3FDB];
	s0 =	simm.s32 @p2 $0x1  }
0x17: {  	s4 =	simm.s32 $0x1BF5;
	[smem:$0x3FB0] =	sst s0  }
0x18: {  	s0 =	sld [smem:$0x3F93];
	_ =	swait.ge [sflag:s4], $0x0  }
0x19: {  	s7 =	sld [smem:$0x3F94]  }
0x1a: {  	s8 =	sadd.s32 $0xFFFFE003, lr  }
0x1b: {  	s9 =	sadd.s32 $0xFFFFFEF7, lr;
	s5 =	simm.s32 $0xFFFFFFFF;
	p2 =	slt.u32 s8, $0xFFFFF086  }
0x1c: {  	p1 =	slt.u32 s9, $0xF7A;
	s5 =	simm.s32 @!p2 $0x0  }
0x1d: {  	s5 =	simm.s32 @p1 $0x1;
	p0 =	seq.s32 s7, s2  }
0x1e: {  	s7 =	smul.u32 @!p0 $0xF7A, s2;
	p2 =	seq.s32 @!p0 s5, $0x0  }
0x1f: {  	s9 =	smul.u32 $0xF7A, s1;
	s8 =	simm.s32 @!p0 $0x1BF5;
	p2 =	por !p2, p0  }
0x20: {  	[sflag:s8] =	ssyncset.s32 @!p0 $0xFFFFF086;
	s6 =	sadd.s32 @!p0 s3, s7;
	s7 =	simm.s32 @!p0 $0x108  }
0x21: {  	s3 =	sadd.s32 s3, s9;
	s6 =	sadd.s32 @!p0 $0x88, s6;
	s7 =	simm.s32 @p2 $0x1082  }
0x22: {  	[simem:s7], [sflag:s8] =	dma.local @!p0 [hbm:s6], $0xF7A  }
0x23: {  	s9 =	sor.u32 $0xD0000000, s2;
	s6 =	simm.s32 $0x108;
	_ =	swait.ge @!p0 [sflag:s8], $0x0  }
0x24: {  	s3 =	sadd.s32 $0x88, s3;
	s6 =	simm.s32 @!p1 $0x1082;
	[sflag:s4] =	ssyncset.s32 $0xFFFFF086  }
0x25: {  	[simem:s6], [sflag:s4] =	dma.local [hbm:s3], $0xF7A  }
0x26: {  	[smem:$0x3F94] =	sst s1;
	(tag) =	ssettag s2;
	_ =	strace s9  }
0x27: {  	s1 =	sld [smem:$0x3FA4]  }
0x28: {  	s2 =	sld [smem:$0x3FA5]  }
0x29: {  	s4 =	sld [smem:$0x3FA7]  }
0x2a: {  	p0 =	seq.s32 s5, $0x0;
	s5 =	sld [smem:$0x3FA8]  }
0x2b: {  	s6 =	sld [smem:$0x3FA9]  }
0x2c: {  	s7 =	sld [smem:$0x3FAA]  }
0x2d: {  	s3 =	simm.s32 $0x108;
	s8 =	sld [smem:$0x3FAB]  }
0x2e: {  	s3 =	simm.s32 @!p0 $0x1082;
	s9 =	sld [smem:$0x3FAC]  }
0x2f: {  	lr =	sadd.s32 s0, s3;
	s0 =	sld [smem:$0x3FA3]  }
0x30: {  	s3 =	sld [smem:$0x3FA6]  }
0x31: {  	[smem:$0x3FAF] =	sst s10  }
0x32: {  	s10 =	sld [smem:$0x3FAD];
	_ =	sdelay $0x3  }
0x33: {  	p0 =	seq.s32 s10, $0x1;
	s10 =	sld [smem:$0x3FAF];
	_ =	sdelay $0x3  }
0x34: {  	[smem:$0x3FAF] =	sst s10  }
0x35: {  	s10 =	sld [smem:$0x3FAE];
	_ =	sdelay $0x3  }
0x36: {  	p1 =	seq.s32 s10, $0x1;
	s10 =	sld [smem:$0x3FAF];
	_ =	sdelay $0x3  }
0x37: {  	[smem:$0x3FAF] =	sst s10  }
0x38: {  	s10 =	sld [smem:$0x3FB0]  }
0x39: {  	_ = 	snop;
	(pc) =	sbr.ind lr, $3  }
0x3a: {  	_ = 	snop  }
0x3b: {  	_ = 	snop  }
0x3c: {  	p2 =	seq.s32 s10, $0x1;
	s10 =	sld [smem:$0x3FAF]  }
0x3d: {  	_ =	shalt  }
0x3e: {  	_ =	shalt  }
0x3f: {  	_ =	shalt  }
0x40: {  	_ =	shalt  }
0x41: {  	_ =	shalt  }
0x42: {  	_ =	shalt  }
0x43: {  	_ =	shalt  }
0x44: {  	_ =	shalt  }
0x45: {  	_ =	shalt  }
0x46: {  	_ =	shalt  }
0x47: {  	_ =	shalt  }
0x48: {  	_ =	shalt  }
0x49: {  	_ =	shalt  }
0x4a: {  	_ =	shalt  }
0x4b: {  	_ =	shalt  }
0x4c: {  	_ =	shalt  }
0x4d: {  	_ =	shalt  }
0x4e: {  	_ =	shalt  }
0x4f: {  	_ =	shalt  }
0x50: {  	_ =	shalt  }
0x51: {  	_ =	shalt  }
0x52: {  	_ =	shalt  }
0x53: {  	_ =	shalt  }
0x54: {  	_ =	shalt  }
0x55: {  	_ =	shalt  }
0x56: {  	_ =	shalt  }
0x57: {  	_ =	shalt  }
0x58: {  	_ =	shalt  }
0x59: {  	_ =	shalt  }
0x5a: {  	_ =	shalt  }
0x5b: {  	_ =	shalt  }
0x5c: {  	_ =	shalt  }
0x5d: {  	_ =	shalt  }
0x5e: {  	_ =	shalt  }
0x5f: {  	_ =	shalt  }
0x60: {  	_ =	shalt  }
0x61: {  	_ =	shalt  }
0x62: {  	_ =	shalt  }
0x63: {  	_ =	shalt  }
0x64: {  	_ =	shalt  }
0x65: {  	_ =	shalt  }
0x66: {  	_ =	shalt  }
0x67: {  	_ =	shalt  }
0x68: {  	_ =	shalt  }
0x69: {  	_ =	shalt  }
0x6a: {  	_ =	shalt  }
0x6b: {  	_ =	shalt  }
0x6c: {  	_ =	shalt  }
0x6d: {  	_ =	shalt  }
0x6e: {  	_ =	shalt  }
0x6f: {  	_ =	shalt  }
0x70: {  	_ =	shalt  }
0x71: {  	_ =	shalt  }
0x72: {  	_ =	shalt  }
0x73: {  	_ =	shalt  }
0x74: {  	_ =	shalt  }
0x75: {  	_ =	shalt  }
0x76: {  	_ =	shalt  }
0x77: {  	_ =	shalt  }
0x78: {  	_ =	shalt  }
0x79: {  	_ =	shalt  }
0x7a: {  	_ =	shalt  }
0x7b: {  	_ =	shalt  }
0x7c: {  	_ =	shalt  }
0x7d: {  	_ =	shalt  }
0x7e: {  	_ =	shalt  }
0x7f: {  	_ =	shalt  }
0x80: {  	_ =	shalt  }
0x81: {  	_ =	shalt  }
0x82: {  	_ =	shalt  }
0x83: {  	_ =	shalt  }
0x84: {  	_ =	shalt  }
0x85: {  	_ =	shalt  }
0x86: {  	_ =	shalt  }
0x87: {  	_ =	shalt  }
.Lfunc_end0:
.L_simem_size_0:
called_computation.1_lowered:
.L_overlay_start_0:
0x88: {  	s2 =	sld [smem:$0x3FD9]  }
0x89: {  	s3 =	sld [smem:$0x3FFE];
	_ =	sdelay $0x1  }
0x8a: {  	s1 =	srdreg.scid  }
0x8b: {  	s0 =	sand.u32 $0x1, s1  }
0x8c: {  	s17 =	sshll.u32 s0, $0xA;
	s2 =	sadd.s32 s3, s2  }
0x8d: {  	s2 =	sadd.s32 s2, s17  }
0x8e: {  	[smem:$0x3FBB] =	sst s2  }
0x8f: {  	_ = 	snop  }
0x90: {  	s2 =	sld [smem:$0x3FD0];
	(tm) =	ssettm $0x1  }
0x91: {  	s18 =	sld [smem:$0x3FFB];
	_ =	sdelay $0x3  }
0x92: {  	_ =	strace s18  }
0x93: {  	s3 =	sld [smem:$0x3FFC];
	_ =	sdelay $0x3  }
0x94: {  	_ =	strace s3  }
0x95: {  	s3 =	sld [smem:$0x3FFD];
	_ =	sdelay $0x3  }
0x96: {  	_ =	strace s3  }
0x97: {  	_ =	strace $0x8FFFFFFF  }
0x98: {  	s19 =	sld [smem:$0x3FDB];
	_ =	sdelay $0x1  }
0x99: {  	s4 =	simm.s32 $_scs_section_size  }
0x9a: {  	s5 =	simm.s32 $_size__tile_overlayer_lowered;
	s6 =	simm.s32 $_tile_overlayer_lowered  }
0x9b: {  	s22 =	simm.s32 $0x1BFF;
	s21 =	sshll.u32 s6, $0x1;
	s3 =	sadd.s32 s4, s19  }
0x9c: {  	s7 =	simm.s32 $0x0;
	s20 =	sshll.u32 s5, $0x1;
	s5 =	sadd.s32 s21, s3  }
0x9d: {  	[timem:s7], [sflag:s22] =	dma.local [hbm:s5], s20  }
0x9e: {  	_ =	swait.ge [sflag:s22], s20  }
0x9f: {  	s4 =	ssub.s32 $0x0, s20;
	[sflag:s22] =	ssyncset.done $0x0  }
0xa0: {  	[sflag:s22] =	ssyncadd.s32 s4;
	_ =	sdelay $0x1  }
0xa1: {  	s23 =	simm.s32 $0x1B8B  }
0xa2: {  	_ =	swait.ge [sflag:s23], $0x1  }
0xa3: {  	[sflag:s23] =	ssyncset.done $0x0  }
0xa4: {  	s25 =	simm.s32 $0x1B8E;
	s24 =	sld [smem:$0x3FFE];
	[sflag:s23] =	ssyncadd.s32 $0xFFFFFFFF  }
0xa5: {  	s26 =	simm.s32 $execute0_lowered;
	[smem:$0x3FD2] =	sst s25  }
0xa6: {  	s5 =	sshll.u32 s26, $0x1;
	_ =	strace $0x80000049;
	[dreg:$0x1] =	wrdreg $0xFFFFFFFF  }
0xa7: {  	s28 =	simm.s32 $_size_execute0_lowered;
	s3 =	sadd.s32 s3, s5;
	[dreg:$0x0] =	wrdreg $0x0  }
0xa8: {  	s5 =	sshll.u32 s28, $0x1;
	[dreg:$0x2] =	wrdreg s3  }
0xa9: {  	[dreg:$0x3] =	wrdreg s5  }
0xaa: {  	[dreg:$0x4] =	wrdreg $0xC0  }
0xab: {  	_ =	task [dreg:s7], $0x5FFFF  }
0xac: {  	[dreg:$0x1] =	wrdreg $0xFFFFFFFF  }
0xad: {  	[dreg:$0x0] =	wrdreg $0x60  }
0xae: {  	[dreg:$0x2] =	wrdreg s2  }
0xaf: {  	[dreg:$0x3] =	wrdreg s24  }
0xb0: {  	[dreg:$0x4] =	wrdreg $0xF0000  }
0xb1: {  	[dreg:$0x5] =	wrdreg $0x9  }
0xb2: {  	_ =	task.clear_ibuf [dreg:s7], $0x6FFFF;
	_ =	strace $0x90000049  }
0xb3: {  	s29 =	simm.s32 $0x9;
	_ =	strace $0x8000004B  }
0xb4: {  	_ =	swait.ge [sflag:s29], $0x1  }
0xb5: {  	[sflag:s29] =	ssyncadd.s32 $0xFFFFFFFF  }
0xb6: {  	_ =	strace $0x9000004B  }
0xb7: {  	_ =	sfence  }
0xb8: {  	s30 =	sld [smem:$0x0];
	_ =	sdelay $0x2  }
0xb9: {  	s31 =	sshll.u32 s1, $0xD;
	s1 =	sshrl.u32 s1, $0x2  }
0xba: {  	s3 =	sand.u32 $0x4000, s31;
	s1 =	sadd.s32 s1, s30  }
0xbb: {  	s0 =	sor.u32 s3, s0;
	s1 =	sshll.u32 s1, $0x11  }
0xbc: {  	s0 =	sor.u32 s1, s0  }
0xbd: {  	s0 =	sadd.s32 $0x8F2B, s0  }
0xbe: {  	[sflag:s0] =	ssyncadd.remote.s32 $0x1  }
0xbf: {  	_ =	sfence.sel $0xFFFF  }
0xc0: {  	[dreg:$0x0] =	wrdreg $0xFFFFFFFF;
	(pc) =	sbr.abs _section_cstart, $3  }
0xc1: {  	[dreg:$0x1] =	wrdreg $0xFFFFFFFF  }
0xc2: {  	_ =	task.clear_ibuf [dreg:s7], $0x2FFFF;
	_ =	strace $0x9FFFFFFF  }
0xc3: {  	(tm) =	ssettm $0x7FFFFFFF  }
tec
execute0_lowered:
.L_overlay_start_1:
0x0: {  	(tag) =	ssettag $0x1  }
0x1: {  	s1 =	rddreg [dreg:$0x0]  }
0x2: {  	s0 =	rddreg [dreg:$0x1]  }
0x3: {  	s2 =	rddreg [dreg:$0x2]  }
0x4: {  	s3 =	simm.s32 $0x0;
	s4 =	srdreg.scid;
	s14 =	stileid.u32  }
0x5: {  	[smem:$0x7FF] =	sst s3;
	s5 =	sadd.s32 $0x34000, s0;
	s8 =	sadd.s32 $0x20400, s0  }
0x6: {  	s4 =	sand.u32 $0x1, s4;
	s6 =	sshll.u32 s14, $0x1;
	s10 =	sadd.s32 $0x9F8000, s0  }
0x7: {  	s26 =	sshrl.u32 s14, $0x2;
	s29 =	sadd.s32 $0xA0000, s2;
	s18 =	smul.u32 $0x28000, s14  }
0x8: {  	s19 =	smul.u32 $0x271000, s14;
	p0 =	seq.s32 s14, $0xF;
	p1 =	sne.s32 s14, $0xF  }
0x9: {  	_ =	strace $0x8000004A;
	s9 =	sor.u32 s4, s6;
	s11 =	smul.u32 $0x13C00, s26  }
0xa: {  	s7 =	ssub.s32 $0x2, s4;
	s6 =	sadd.s32 $0x516000, s0;
	s4 =	smul.u32 $0x138800, s4  }
0xb: {  	[dreg:$0x6] =	wrdreg s29;
	s28 =	sshrl.u32 s7, $0x1;
	s13 =	smul.u32 $0x27100, s9  }
0xc: {  	s12 =	sshll.u32 s9, $0x7;
	s0 =	ssub.s32 s7, s28;
	s7 =	smul.u32 $0x2710, s9  }
0xd: {  	s12 =	sand.u32 $0x380, s12;
	s9 =	smul.u32 $0x138800, s9;
	s20 =	sshrl.u32 s4, $0x3  }
0xe: {  	s11 =	sor.u32 s11, s12;
	s30 =	sadd.s32 s5, s13;
	s0 =	smax.u32 s0, $0x1  }
0xf: {  	s12 =	sshrl.u32 s11, $0x3;
	s11 =	sadd.s32 $0x4F000, s11;
	[dreg:$0x7] =	wrdreg s30  }
0x10: {  	[dreg:$0xf] =	wrdreg s0;
	s12 =	sadd.s32 s8, s12;
	s11 =	sshrl.u32 s11, $0x3  }
0x11: {  	[dreg:$0x4] =	wrdreg s12;
	s8 =	sadd.s32 s8, s11;
	s11 =	sshrl.u32 s9, $0x3  }
0x12: {  	s12 =	smul.u32 $0xA000, s14;
	s14 =	simm.s32 $0x50;
	[dreg:$0x5] =	wrdreg s8  }
0x13: {  	s16 =	sadd.s32 $0x500, s11;
	s17 =	sadd.s32 s6, s11;
	s8 =	sshrl.u32 s18, $0x2  }
0x14: {  	s18 =	simm.s32 $0x7800;
	s15 =	sadd.s32 s5, s16;
	[dreg:$0x8] =	wrdreg s17  }
0x15: {  	s13 =	sadd.s32 $0x26C00, s17;
	s11 =	sadd.s32 s12, s4;
	s17 =	sadd.s32 s8, s2  }
0x16: {  	s12 =	sadd.s32 s6, s16;
	s8 =	sadd.s32 s10, s20;
	s4 =	sadd.s32 s4, s19  }
0x17: {  	s19 =	simm.s32 $0xC800;
	s20 =	simm.s32 $0x1;
	[dreg:$0x9] =	wrdreg s15  }
0x18: {  	s16 =	simm.s32 $0x0;
	[dreg:$0xa] =	wrdreg s13;
	s11 =	sshrl.u32 s11, $0x3  }
0x19: {  	[dreg:$0xc] =	wrdreg s12;
	s8 =	sadd.s32 $0x26C00, s8;
	s22 =	sadd.s32 $0x7800, s4  }
0x1a: {  	s24 =	sadd.s32 $0x1400, s17;
	s25 =	sadd.s32 $0x5000, s4;
	[dreg:$0xe] =	wrdreg s8  }
0x1b: {  	s26 =	sadd.s32 $0x2800, s17;
	s28 =	sadd.s32 $0x3C00, s17;
	[dreg:$0x10] =	wrdreg s24  }
0x1c: {  	s29 =	sadd.s32 $0x5000, s17;
	s30 =	sadd.s32 $0x6400, s17;
	[dreg:$0x12] =	wrdreg s25  }
0x1d: {  	s31 =	sadd.s32 $0x7800, s17;
	s12 =	simm.s32 $0x5000;
	[dreg:$0x14] =	wrdreg s26  }
0x1e: {  	s15 =	simm.s32 $0xA000;
	s4 =	simm.s32 $0x4F00;
	[dreg:$0x15] =	wrdreg s28  }
0x1f: {  	s13 =	simm.s32 $0x2;
	s11 =	sadd.s32 s10, s11;
	[dreg:$0x16] =	wrdreg s29  }
0x20: {  	s10 =	sadd.s32 $0x96000, s2;
	s23 =	sshrl.u32 s22, $0x3;
	[dreg:$0x17] =	wrdreg s30  }
.Ltmp0:
0x21: {  	s8 =	simm.s32 $0x5;
	s25 =	simm.s32 $0x4;
	(pc) =	sbr.rel .LBB2_1-.Ltmp0, $4  }
0x22: {  	s24 =	simm.s32 $0x6;
	[dreg:$0xb] =	wrdreg s11;
	s21 =	sadd.s32 $0x14000, s11  }
0x23: {  	s0 =	sadd.s32 s23, s6;
	s23 =	simm.s32 $0x4F80;
	[dreg:$0xd] =	wrdreg s21  }
0x24: {  	[dreg:$0x11] =	wrdreg s0;
	s0 =	sshrl.u32 @p0 s10, $0x3;
	s10 =	simm.s32 $0x7  }
0x25: {  	v0 =	vimm.f32 $0.0e+00;
	s21 =	simm.s32 $0x3;
	[dreg:$0x13] =	wrdreg s0;
	s0 =	sadd.s32 $0x8C00, s17  }
.LBB2_17:
0x26: {  	v1 =	vld [tilespmem:$0x4E40]  }
0x27: {  	v2 =	vld [tilespmem:$0x4E50]  }
0x28: {  	v3 =	vld [tilespmem:$0x4E60]  }
0x29: {  	v5 =	vld [tilespmem:$0x4E70]  }
0x2a: {  	v7 =	vld [tilespmem:$0x4E80];
	_ =	sdelay $0x2  }
0x2b: {  	v4 =	vadd.s32 $0xFFFFEC00, v1;
	v1 =	vand.u32 $0x7, v1;
	v6 =	vadd.s32 $0xFFFFEC00, v2  }
0x2c: {  	v2 =	vand.u32 $0x7, v2;
	v61 =	vadd.s32 $0xFFFFEC00, v3;
	v3 =	vand.u32 $0x7, v3  }
0x2d: {  	v62 =	vadd.s32 $0xFFFFEC00, v5;
	v63 =	vand.u32 $0x7, v7;
	vm0 =	vlt.u32 v4, $0x1400  }
0x2e: {  	v1 =	vor.u32 $0x1400, v1;
	vm12 =	vlt.u32 v6, $0x1400;
	v2 =	vor.u32 $0x1400, v2  }
0x2f: {  	vm13 =	vlt.u32 v61, $0x1400;
	v3 =	vor.u32 $0x1400, v3;
	v1 =	vsel vm0, v4, v1  }
0x30: {  	v2 =	vsel vm12, v6, v2;
	[tilespmem:$0x4F00] =	vst v1;
	v1 =	vsel vm13, v61, v3;
	v3 =	vand.u32 $0x7, v5  }
0x31: {  	vm14 =	vlt.u32 v62, $0x1400;
	[tilespmem:$0x4F10] =	vst v2;
	v2 =	vor.u32 $0x1400, v3;
	v3 =	vadd.s32 $0xFFFFEC00, v7  }
0x32: {  	[tilespmem:$0x4F20] =	vst v1;
	v1 =	vsel vm14, v62, v2;
	vm15 =	vlt.u32 v3, $0x1400;
	v2 =	vor.u32 $0x1400, v63  }
0x33: {  	[tilespmem:$0x4F30] =	vst v1;
	v1 =	vsel vm15, v3, v2  }
0x34: {  	[tilespmem:$0x4F40] =	vst v1  }
0x35: {  	_ =	swait.ge [sflag:s20], $0x2800  }
0x36: {  	[sflag:s20] =	ssyncset.done $0x0  }
0x37: {  	[sflag:s20] =	ssyncadd.s32 $0xFFFFD800  }
0x38: {  	[spmem:s2] =	stream.indirect.scatter.add.f32 [tilespmem:s12], [sflag:$0x7], $0x80, s4, s14, $0xb8;
	[tilespmem:$0x19040] =	vst v63  }
0x39: {  	_ =	swait.ge [sflag:s10], $0x2800  }
0x3a: {  	[sflag:s10] =	ssyncset.done $0x0  }
0x3b: {  	[sflag:s10] =	ssyncadd.s32 $0xFFFFD800  }
0x3c: {  	[bflag:$0x0] =	sbarrier.arrive $0xFFFF  }
0x3d: {  	s22 =	rddreg [dreg:$0xe]  }
0x3e: {  	s26 =	rddreg [dreg:$0x13]  }
0x3f: {  	[hbm:s22], [sflag:s11] =	dma.local @p0 [spmem:s26], $0x500  }
0x40: {  	s22 =	simm.s32 @p0 $0x7  }
0x41: {  	_ =	swait.ge @p0 [sflag:s22], $0x500  }
0x42: {  	[sflag:s22] =	ssyncset.done @p0 $0x0  }
0x43: {  	s26 =	rddreg [dreg:$0xd];
	[sflag:s22] =	ssyncadd.s32 @p0 $0xFFFFFB00;
	s22 =	sshrl.u32 @!p0 s17, $0x3  }
0x44: {  	[hbm:s26], [sflag:s11] =	dma.local @!p0 [spmem:s22], $0x1400  }
0x45: {  	s11 =	simm.s32 @!p0 $0x7  }
0x46: {  	_ =	swait.ge @!p0 [sflag:s11], $0x1400  }
0x47: {  	s16 =	sadd.s32 $0x1, s16;
	s30 =	rddreg [dreg:$0xf]  }
0x48: {  	p2 =	sne.s32 s16, s30  }
.Ltmp1:
0x49: {  	_ = 	snop;
	(pc) =	sbr.rel @!p2 .LBB2_18-.Ltmp1, $3  }
0x4a: {  	[sflag:s11] =	ssyncset.done @!p0 $0x0  }
0x4b: {  	[sflag:s11] =	ssyncadd.s32 @!p0 $0xFFFFEC00  }
0x4c: {  	[bflag:$0x0] =	sbarrier.arrive $0xFFFF;
	_ =	sdelay $0x1  }
.LBB2_1:
0x4d: {  	s11 =	rddreg [dreg:$0x4];
	s22 =	simm.s32 $0x80;
	s26 =	simm.s32 $0x400  }
0x4e: {  	[tilespmem:s3], [sflag:$0x7] =	stream.strided.gather [hbm4b:s11+s22], $0x2780, s26, s22, $0x38;
	[tilespmem:$0x19040] =	vst v63  }
0x4f: {  	_ =	swait.ge [sflag:s10], $0x2780  }
0x50: {  	[sflag:s10] =	ssyncset.done $0x0  }
0x51: {  	s28 =	simm.s32 $0x2780;
	s30 =	rddreg [dreg:$0x5];
	[sflag:s10] =	ssyncadd.s32 $0xFFFFD880  }
0x52: {  	[tilespmem:s28], [sflag:$0x7] =	stream.strided.gather [hbm4b:s30+s22], $0x2780, s26, s22, $0x38;
	[tilespmem:$0x19040] =	vst v63  }
0x53: {  	_ =	swait.ge [sflag:s10], $0x2780  }
0x54: {  	[sflag:s10] =	ssyncset.done $0x0  }
0x55: {  	s11 =	simm.s32 $0x0;
	s22 =	simm.s32 $0x200;
	[sflag:s10] =	ssyncadd.s32 $0xFFFFD880  }
.LBB2_2:
0x56: {  	p2 =	sne.s32 s22, $0x9E00;
	[tilespmem:s11+$0x5070] =	vst v0  }
0x57: {  	[tilespmem:s11+$0x5000] =	vst v0  }
0x58: {  	[tilespmem:s11+$0x5010] =	vst v0  }
.Ltmp2:
0x59: {  	[tilespmem:s11+$0x5020] =	vst v0;
	(pc) =	sbr.rel @p2 .LBB2_2-.Ltmp2, $4  }
0x5a: {  	[tilespmem:s11+$0x5030] =	vst v0  }
0x5b: {  	[tilespmem:s11+$0x5040] =	vst v0  }
0x5c: {  	[tilespmem:s11+$0x5050] =	vst v0  }
0x5d: {  	[tilespmem:s11+$0x5060] =	vst v0;
	s11 =	sshra.s32 s22, $0x2;
	s22 =	sadd.s32 $0x200, s22  }
0x5e: {  	[tilespmem:s11+$0x5070] =	vst v0  }
0x5f: {  	[tilespmem:s11+$0x5000] =	vst v0  }
0x60: {  	[tilespmem:s11+$0x5010] =	vst v0  }
0x61: {  	[tilespmem:s11+$0x5020] =	vst v0  }
0x62: {  	[tilespmem:s11+$0x5030] =	vst v0  }
0x63: {  	[tilespmem:s11+$0x5040] =	vst v0  }
0x64: {  	[tilespmem:s11+$0x5050] =	vst v0  }
0x65: {  	[tilespmem:s11+$0x5060] =	vst v0  }
0x66: {  	[spmem:s17] =	stream.linear.scatter [tilespmem:s12], [sflag:$0x7], $0x1400, $0x38;
	[tilespmem:$0x19040] =	vst v63  }
0x67: {  	_ =	swait.ge [sflag:s10], $0x1400  }
0x68: {  	[sflag:s10] =	ssyncset.done $0x0  }
0x69: {  	s29 =	rddreg [dreg:$0x10];
	[sflag:s10] =	ssyncadd.s32 $0xFFFFEC00  }
0x6a: {  	[spmem:s29] =	stream.linear.scatter [tilespmem:s12], [sflag:$0x7], $0x1400, $0x38;
	[tilespmem:$0x19040] =	vst v63  }
0x6b: {  	_ =	swait.ge [sflag:s10], $0x1400  }
0x6c: {  	[sflag:s10] =	ssyncset.done $0x0  }
0x6d: {  	s30 =	rddreg [dreg:$0x14];
	[sflag:s10] =	ssyncadd.s32 $0xFFFFEC00  }
0x6e: {  	[spmem:s30] =	stream.linear.scatter [tilespmem:s12], [sflag:$0x7], $0x1400, $0x38;
	[tilespmem:$0x19040] =	vst v63  }
0x6f: {  	_ =	swait.ge [sflag:s10], $0x1400  }
0x70: {  	[sflag:s10] =	ssyncset.done $0x0  }
0x71: {  	s22 =	rddreg [dreg:$0x15];
	[sflag:s10] =	ssyncadd.s32 $0xFFFFEC00  }
0x72: {  	[spmem:s22] =	stream.linear.scatter [tilespmem:s12], [sflag:$0x7], $0x1400, $0x38;
	[tilespmem:$0x19040] =	vst v63  }
0x73: {  	_ =	swait.ge [sflag:s10], $0x1400  }
0x74: {  	[sflag:s10] =	ssyncset.done $0x0  }
0x75: {  	s26 =	rddreg [dreg:$0x16];
	[sflag:s10] =	ssyncadd.s32 $0xFFFFEC00  }
0x76: {  	[spmem:s26] =	stream.linear.scatter [tilespmem:s12], [sflag:$0x7], $0x1400, $0x38;
	[tilespmem:$0x19040] =	vst v63  }
0x77: {  	_ =	swait.ge [sflag:s10], $0x1400  }
0x78: {  	[sflag:s10] =	ssyncset.done $0x0  }
0x79: {  	s28 =	rddreg [dreg:$0x17];
	[sflag:s10] =	ssyncadd.s32 $0xFFFFEC00  }
0x7a: {  	[spmem:s28] =	stream.linear.scatter [tilespmem:s12], [sflag:$0x7], $0x1400, $0x38;
	[tilespmem:$0x19040] =	vst v63  }
0x7b: {  	_ =	swait.ge [sflag:s10], $0x1400  }
0x7c: {  	[sflag:s10] =	ssyncset.done $0x0  }
0x7d: {  	[sflag:s10] =	ssyncadd.s32 $0xFFFFEC00  }
0x7e: {  	[spmem:s31] =	stream.linear.scatter [tilespmem:s12], [sflag:$0x7], $0x1400, $0x38;
	[tilespmem:$0x19040] =	vst v63  }
0x7f: {  	_ =	swait.ge [sflag:s10], $0x1400  }
0x80: {  	[sflag:s10] =	ssyncset.done $0x0  }
0x81: {  	[sflag:s10] =	ssyncadd.s32 $0xFFFFEC00  }
0x82: {  	[spmem:s0] =	stream.linear.scatter [tilespmem:s12], [sflag:$0x7], $0x1400, $0x38;
	[tilespmem:$0x19040] =	vst v63  }
0x83: {  	_ =	swait.ge [sflag:s10], $0x1400  }
0x84: {  	[sflag:s10] =	ssyncset.done $0x0  }
0x85: {  	s11 =	simm.s32 @!p1 $0x5000;
	s22 =	rddreg [dreg:$0x6];
	[sflag:s10] =	ssyncadd.s32 $0xFFFFEC00  }
0x86: {  	[spmem:s22] =	stream.linear.scatter @!p1 [tilespmem:s11], [sflag:$0x7], $0x400, $0x38;
	[tilespmem:$0x19040] =	vst v63  }
0x87: {  	s11 =	simm.s32 @!p1 $0x7  }
0x88: {  	_ =	swait.ge @!p1 [sflag:s11], $0x400  }
0x89: {  	[sflag:s11] =	ssyncset.done @!p1 $0x0  }
0x8a: {  	[sflag:s11] =	ssyncadd.s32 @!p1 $0xFFFFFC00  }
0x8b: {  	s11 =	simm.s32 $0x0;
	[bflag:$0x0] =	sbarrier.arrive $0xFFFF  }
0x8c: {  	[tilespmem:s12], [sflag:$0x1] =	stream.indirect.gather [hbm4b:s1+s14], $0x80, s11, s14, $0xb8;
	[tilespmem:$0x19040] =	vst v63  }
0x8d: {  	s29 =	rddreg [dreg:$0x7]  }
0x8e: {  	[tilespmem:s15], [sflag:$0x3] =	stream.linear.gather [hbm4b:s29+s11], $0x2800, $0x38;
	[tilespmem:$0x19040] =	vst v63  }
0x8f: {  	_ = 	snop  }
0x90: {  	[tilespmem:s18], [sflag:$0x2] =	stream.indirect.gather [hbm4b:s1+s14], $0x80, s14, s14, $0xb8;
	[tilespmem:$0x19040] =	vst v63  }
0x91: {  	s30 =	rddreg [dreg:$0x9]  }
0x92: {  	[tilespmem:s19], [sflag:$0x4] =	stream.linear.gather [hbm4b:s30+s11], $0x2800, $0x38;
	[tilespmem:$0x19040] =	vst v63  }
.LBB2_4:
0x93: {  	s22 =	smul.u32 $0xA0, s11;
	_ =	sdelay $0x1  }
0x94: {  	v1 =	vld [tilespmem:s22+$0x2780];
	_ =	sdelay $0x4  }
0x95: {  	v2 =	vand.u32 $0x7, v1  }
0x96: {  	vm0 =	vlt.u32 v1, $0x1400;
	v2 =	vor.u32 $0x1400, v2  }
0x97: {  	v1 =	vsel vm0, v1, v2  }
0x98: {  	[tilespmem:$0x4F00] =	vst v1  }
0x99: {  	v1 =	vld [tilespmem:s22+$0x2790];
	_ =	sdelay $0x4  }
0x9a: {  	v2 =	vand.u32 $0x7, v1  }
0x9b: {  	vm12 =	vlt.u32 v1, $0x1400;
	v2 =	vor.u32 $0x1400, v2  }
0x9c: {  	v1 =	vsel vm12, v1, v2  }
0x9d: {  	[tilespmem:$0x4F10] =	vst v1  }
0x9e: {  	v1 =	vld [tilespmem:s22+$0x27A0];
	_ =	sdelay $0x4  }
0x9f: {  	v2 =	vand.u32 $0x7, v1  }
0xa0: {  	vm13 =	vlt.u32 v1, $0x1400;
	v2 =	vor.u32 $0x1400, v2  }
0xa1: {  	v1 =	vsel vm13, v1, v2  }
0xa2: {  	[tilespmem:$0x4F20] =	vst v1  }
0xa3: {  	v1 =	vld [tilespmem:s22+$0x27B0];
	_ =	sdelay $0x4  }
0xa4: {  	v2 =	vand.u32 $0x7, v1  }
0xa5: {  	vm14 =	vlt.u32 v1, $0x1400;
	v2 =	vor.u32 $0x1400, v2  }
0xa6: {  	v1 =	vsel vm14, v1, v2  }
0xa7: {  	[tilespmem:$0x4F30] =	vst v1  }
0xa8: {  	v1 =	vld [tilespmem:s22+$0x27C0];
	_ =	sdelay $0x4  }
0xa9: {  	v2 =	vand.u32 $0x7, v1  }
0xaa: {  	vm15 =	vlt.u32 v1, $0x1400;
	v2 =	vor.u32 $0x1400, v2  }
0xab: {  	v1 =	vsel vm15, v1, v2  }
0xac: {  	[tilespmem:$0x4F40] =	vst v1  }
0xad: {  	_ =	swait.ge [sflag:s20], $0x2800  }
0xae: {  	[sflag:s20] =	ssyncset.done $0x0  }
0xaf: {  	[sflag:s20] =	ssyncadd.s32 $0xFFFFD800  }
0xb0: {  	_ =	swait.ge [sflag:s21], $0x2800  }
0xb1: {  	[sflag:s21] =	ssyncset.done $0x0  }
0xb2: {  	s26 =	simm.s32 $0x0;
	[sflag:s21] =	ssyncadd.s32 $0xFFFFD800  }
0xb3: {  	v7 =	vld [tilespmem:s26+$0xA000]  }
0xb4: {  	v12 =	vld [tilespmem:s26+$0xA010]  }
0xb5: {  	v6 =	vld [tilespmem:s26+$0xA020]  }
0xb6: {  	v5 =	vld [tilespmem:s26+$0xA030]  }
0xb7: {  	v4 =	vld [tilespmem:s26+$0xA040]  }
0xb8: {  	v3 =	vld [tilespmem:s26+$0xA050]  }
0xb9: {  	v2 =	vld [tilespmem:s26+$0xA060]  }
0xba: {  	v1 =	vld [tilespmem:s26+$0xA070]  }
0xbb: {  	v13 =	vld [tilespmem:s26+$0x5000]  }
0xbc: {  	v14 =	vld [tilespmem:s26+$0x5010]  }
0xbd: {  	v11 =	vld [tilespmem:s26+$0x5020]  }
0xbe: {  	v10 =	vld [tilespmem:s26+$0x5030]  }
0xbf: {  	v9 =	vld [tilespmem:s26+$0x5040]  }
0xc0: {  	v8 =	vld [tilespmem:s26+$0x5050];
	v13 =	vmul.f32 v7, v13  }
0xc1: {  	s28 =	simm.s32 $0x200;
	v12 =	vmul.f32 v12, v14;
	v7 =	vld [tilespmem:s26+$0x5060]  }
.LBB2_5:
0xc2: {  	s29 =	sshra.s32 s28, $0x2;
	p2 =	sne.s32 s28, $0x9E00;
	[tilespmem:s26+$0x5000] =	vst v13;
	v6 =	vmul.f32 v6, v11;
	v11 =	vld [tilespmem:s26+$0x5070]  }
0xc3: {  	v13 =	vld [tilespmem:s29+$0xA000];
	[tilespmem:s26+$0x5010] =	vst v12;
	v5 =	vmul.f32 v5, v10  }
0xc4: {  	v12 =	vld [tilespmem:s29+$0xA010];
	[tilespmem:s26+$0x5020] =	vst v6;
	v4 =	vmul.f32 v4, v9  }
0xc5: {  	v6 =	vld [tilespmem:s29+$0xA020];
	[tilespmem:s26+$0x5030] =	vst v5;
	v3 =	vmul.f32 v3, v8  }
0xc6: {  	v5 =	vld [tilespmem:s29+$0xA030];
	[tilespmem:s26+$0x5040] =	vst v4;
	v2 =	vmul.f32 v2, v7  }
0xc7: {  	v4 =	vld [tilespmem:s29+$0xA040];
	[tilespmem:s26+$0x5050] =	vst v3;
	v1 =	vmul.f32 v1, v11  }
0xc8: {  	v3 =	vld [tilespmem:s29+$0xA050];
	[tilespmem:s26+$0x5060] =	vst v2  }
0xc9: {  	v2 =	vld [tilespmem:s29+$0xA060];
	[tilespmem:s26+$0x5070] =	vst v1;
	s26 =	smov.u32 s29  }
0xca: {  	v1 =	vld [tilespmem:s26+$0xA070]  }
0xcb: {  	v7 =	vld [tilespmem:s26+$0x5000]  }
0xcc: {  	v14 =	vld [tilespmem:s26+$0x5010]  }
.Ltmp3:
0xcd: {  	v11 =	vld [tilespmem:s26+$0x5020];
	(pc) =	sbr.rel @p2 .LBB2_5-.Ltmp3, $4  }
0xce: {  	v10 =	vld [tilespmem:s26+$0x5030]  }
0xcf: {  	v9 =	vld [tilespmem:s26+$0x5040]  }
0xd0: {  	v13 =	vmul.f32 v13, v7;
	v8 =	vld [tilespmem:s26+$0x5050]  }
0xd1: {  	s28 =	sadd.s32 $0x200, s28;
	v12 =	vmul.f32 v12, v14;
	v7 =	vld [tilespmem:s26+$0x5060]  }
0xd2: {  	[tilespmem:s26+$0x5000] =	vst v13;
	v6 =	vmul.f32 v6, v11;
	v11 =	vld [tilespmem:s26+$0x5070]  }
0xd3: {  	[tilespmem:s26+$0x5010] =	vst v12;
	v5 =	vmul.f32 v5, v10  }
0xd4: {  	[tilespmem:s26+$0x5020] =	vst v6;
	v4 =	vmul.f32 v4, v9  }
0xd5: {  	s28 =	smul.u32 $0x5000, s11;
	[tilespmem:s26+$0x5030] =	vst v5;
	v3 =	vmul.f32 v3, v8  }
0xd6: {  	[tilespmem:s26+$0x5040] =	vst v4;
	v2 =	vmul.f32 v2, v7  }
0xd7: {  	s28 =	sadd.s32 s9, s28;
	[tilespmem:s26+$0x5050] =	vst v3;
	v1 =	vmul.f32 v1, v11  }
0xd8: {  	s28 =	sshrl.u32 s28, $0x3;
	[tilespmem:s26+$0x5060] =	vst v2  }
0xd9: {  	s30 =	sadd.s32 s6, s28;
	s28 =	simm.s32 $0x0;
	[tilespmem:s26+$0x5070] =	vst v1  }
0xda: {  	[hbm4b:s30+s28] =	stream.linear.scatter [tilespmem:s12], [sflag:$0x5], $0x2800, $0x38;
	[tilespmem:$0x19040] =	vst v63  }
0xdb: {  	_ = 	snop  }
0xdc: {  	[spmem:s2] =	stream.indirect.scatter.add.f32 [tilespmem:s12], [sflag:$0x7], $0x80, s4, s14, $0xb8;
	[tilespmem:$0x19040] =	vst v63  }
0xdd: {  	_ =	swait.ge [sflag:s10], $0x2800  }
0xde: {  	[sflag:s10] =	ssyncset.done $0x0  }
0xdf: {  	[sflag:s10] =	ssyncadd.s32 $0xFFFFD800  }
0xe0: {  	s30 =	sadd.s32 $0xA0, s22;
	_ =	swait.ge [sflag:s8], $0x2800  }
0xe1: {  	s26 =	sadd.s32 s7, s30;
	[sflag:s8] =	ssyncset.done $0x0  }
0xe2: {  	s26 =	sshll.u32 s26, $0x4;
	[sflag:s8] =	ssyncadd.s32 $0xFFFFD800  }
0xe3: {  	[tilespmem:s12], [sflag:$0x1] =	stream.indirect.gather [hbm4b:s1+s14], $0x80, s30, s14, $0xb8;
	[tilespmem:$0x19040] =	vst v63  }
0xe4: {  	s26 =	sadd.s32 s5, s26  }
0xe5: {  	[tilespmem:s15], [sflag:$0x3] =	stream.linear.gather [hbm4b:s26+s28], $0x2800, $0x38;
	[tilespmem:$0x19040] =	vst v63  }
0xe6: {  	v1 =	vld [tilespmem:s22+$0x27D0];
	_ =	sdelay $0x4  }
0xe7: {  	v2 =	vand.u32 $0x7, v1  }
0xe8: {  	vm0 =	vlt.u32 v1, $0x1400;
	v2 =	vor.u32 $0x1400, v2  }
0xe9: {  	v1 =	vsel vm0, v1, v2  }
0xea: {  	[tilespmem:$0x4F80] =	vst v1  }
0xeb: {  	v1 =	vld [tilespmem:s22+$0x27E0];
	_ =	sdelay $0x4  }
0xec: {  	v2 =	vand.u32 $0x7, v1  }
0xed: {  	vm12 =	vlt.u32 v1, $0x1400;
	v2 =	vor.u32 $0x1400, v2  }
0xee: {  	v1 =	vsel vm12, v1, v2  }
0xef: {  	[tilespmem:$0x4F90] =	vst v1  }
0xf0: {  	v1 =	vld [tilespmem:s22+$0x27F0];
	_ =	sdelay $0x4  }
0xf1: {  	v2 =	vand.u32 $0x7, v1  }
0xf2: {  	vm13 =	vlt.u32 v1, $0x1400;
	v2 =	vor.u32 $0x1400, v2  }
0xf3: {  	v1 =	vsel vm13, v1, v2  }
0xf4: {  	s30 =	sand.u32 $0x3FE0, s22;
	[tilespmem:$0x4FA0] =	vst v1  }
0xf5: {  	v1 =	vld [tilespmem:s30+$0x2800];
	_ =	sdelay $0x4  }
0xf6: {  	v2 =	vand.u32 $0x7, v1  }
0xf7: {  	vm14 =	vlt.u32 v1, $0x1400;
	v2 =	vor.u32 $0x1400, v2  }
0xf8: {  	v1 =	vsel vm14, v1, v2  }
0xf9: {  	[tilespmem:$0x4FB0] =	vst v1  }
0xfa: {  	v1 =	vld [tilespmem:s22+$0x2810];
	_ =	sdelay $0x4  }
0xfb: {  	v2 =	vand.u32 $0x7, v1  }
0xfc: {  	vm15 =	vlt.u32 v1, $0x1400;
	v2 =	vor.u32 $0x1400, v2  }
0xfd: {  	v1 =	vsel vm15, v1, v2  }
0xfe: {  	[tilespmem:$0x4FC0] =	vst v1  }
0xff: {  	_ =	swait.ge [sflag:s13], $0x2800  }
0x100: {  	[sflag:s13] =	ssyncset.done $0x0  }
0x101: {  	[sflag:s13] =	ssyncadd.s32 $0xFFFFD800  }
0x102: {  	_ =	swait.ge [sflag:s25], $0x2800  }
0x103: {  	[sflag:s25] =	ssyncset.done $0x0  }
0x104: {  	s26 =	simm.s32 $0x0;
	[sflag:s25] =	ssyncadd.s32 $0xFFFFD800  }
0x105: {  	v8 =	vld [tilespmem:s26+$0xC800]  }
0x106: {  	v12 =	vld [tilespmem:s26+$0xC810]  }
0x107: {  	v6 =	vld [tilespmem:s26+$0xC820]  }
0x108: {  	v5 =	vld [tilespmem:s26+$0xC830]  }
0x109: {  	v4 =	vld [tilespmem:s26+$0xC840]  }
0x10a: {  	v3 =	vld [tilespmem:s26+$0xC850]  }
0x10b: {  	v2 =	vld [tilespmem:s26+$0xC860]  }
0x10c: {  	v1 =	vld [tilespmem:s26+$0xC870]  }
0x10d: {  	v13 =	vld [tilespmem:s26+$0x7800]  }
0x10e: {  	v14 =	vld [tilespmem:s26+$0x7810]  }
0x10f: {  	v11 =	vld [tilespmem:s26+$0x7820]  }
0x110: {  	v10 =	vld [tilespmem:s26+$0x7830]  }
0x111: {  	v9 =	vld [tilespmem:s26+$0x7840]  }
0x112: {  	v7 =	vld [tilespmem:s26+$0x7850];
	v13 =	vmul.f32 v8, v13  }
0x113: {  	s29 =	simm.s32 $0x200;
	s28 =	sadd.s32 $0x50, s22;
	v12 =	vmul.f32 v12, v14;
	v8 =	vld [tilespmem:s26+$0x7860]  }
.LBB2_7:
0x114: {  	s30 =	sshra.s32 s29, $0x2;
	p2 =	sne.s32 s29, $0x9E00;
	[tilespmem:s26+$0x7800] =	vst v13;
	v6 =	vmul.f32 v6, v11;
	v11 =	vld [tilespmem:s26+$0x7870]  }
0x115: {  	v13 =	vld [tilespmem:s30+$0xC800];
	[tilespmem:s26+$0x7810] =	vst v12;
	v5 =	vmul.f32 v5, v10  }
0x116: {  	v12 =	vld [tilespmem:s30+$0xC810];
	[tilespmem:s26+$0x7820] =	vst v6;
	v4 =	vmul.f32 v4, v9  }
0x117: {  	v6 =	vld [tilespmem:s30+$0xC820];
	[tilespmem:s26+$0x7830] =	vst v5;
	v3 =	vmul.f32 v3, v7  }
0x118: {  	v5 =	vld [tilespmem:s30+$0xC830];
	[tilespmem:s26+$0x7840] =	vst v4;
	v2 =	vmul.f32 v2, v8  }
0x119: {  	v4 =	vld [tilespmem:s30+$0xC840];
	[tilespmem:s26+$0x7850] =	vst v3;
	v1 =	vmul.f32 v1, v11  }
0x11a: {  	v3 =	vld [tilespmem:s30+$0xC850];
	[tilespmem:s26+$0x7860] =	vst v2  }
0x11b: {  	v2 =	vld [tilespmem:s30+$0xC860];
	[tilespmem:s26+$0x7870] =	vst v1;
	s26 =	smov.u32 s30  }
0x11c: {  	v1 =	vld [tilespmem:s26+$0xC870]  }
0x11d: {  	v7 =	vld [tilespmem:s26+$0x7800]  }
0x11e: {  	v8 =	vld [tilespmem:s26+$0x7810]  }
.Ltmp4:
0x11f: {  	v11 =	vld [tilespmem:s26+$0x7820];
	(pc) =	sbr.rel @p2 .LBB2_7-.Ltmp4, $4  }
0x120: {  	v10 =	vld [tilespmem:s26+$0x7830]  }
0x121: {  	v9 =	vld [tilespmem:s26+$0x7840]  }
0x122: {  	v13 =	vmul.f32 v13, v7;
	v7 =	vld [tilespmem:s26+$0x7850]  }
0x123: {  	s29 =	sadd.s32 $0x200, s29;
	v12 =	vmul.f32 v12, v8;
	v8 =	vld [tilespmem:s26+$0x7860]  }
0x124: {  	[tilespmem:s26+$0x7800] =	vst v13;
	v6 =	vmul.f32 v6, v11;
	v63 =	vld [tilespmem:s26+$0x7870]  }
0x125: {  	[tilespmem:s26+$0x7810] =	vst v12;
	v5 =	vmul.f32 v5, v10  }
0x126: {  	[tilespmem:s26+$0x7820] =	vst v6;
	v4 =	vmul.f32 v4, v9  }
0x127: {  	[tilespmem:s26+$0x7830] =	vst v5;
	v3 =	vmul.f32 v3, v7  }
0x128: {  	s28 =	sshll.u32 s28, $0x7;
	[tilespmem:s26+$0x7840] =	vst v4;
	v2 =	vmul.f32 v2, v8  }
0x129: {  	s28 =	sadd.s32 s9, s28;
	[tilespmem:s26+$0x7850] =	vst v3;
	v1 =	vmul.f32 v1, v63  }
0x12a: {  	s28 =	sshrl.u32 s28, $0x3;
	[tilespmem:s26+$0x7860] =	vst v2  }
0x12b: {  	p2 =	seq.s32 s11, $0x3D;
	s30 =	sadd.s32 s6, s28;
	[tilespmem:s26+$0x7870] =	vst v1  }
0x12c: {  	[hbm4b:s30+s3] =	stream.linear.scatter [tilespmem:s18], [sflag:$0x6], $0x2800, $0x38;
	[tilespmem:$0x19040] =	vst v63  }
.Ltmp5:
0x12d: {  	_ = 	snop;
	(pc) =	sbr.rel @p2 .LBB2_10-.Ltmp5, $4  }
0x12e: {  	[spmem:s2] =	stream.indirect.scatter.add.f32 [tilespmem:s18], [sflag:$0x7], $0x80, s23, s14, $0xb8;
	[tilespmem:$0x19040] =	vst v63  }
0x12f: {  	_ =	swait.ge [sflag:s10], $0x2800  }
0x130: {  	[sflag:s10] =	ssyncset.done $0x0  }
0x131: {  	[sflag:s10] =	ssyncadd.s32 $0xFFFFD800  }
0x132: {  	_ =	swait.ge [sflag:s24], $0x2800  }
0x133: {  	[sflag:s24] =	ssyncset.done $0x0  }
0x134: {  	s22 =	sadd.s32 $0xF0, s22;
	[sflag:s24] =	ssyncadd.s32 $0xFFFFD800  }
0x135: {  	[tilespmem:s18], [sflag:$0x2] =	stream.indirect.gather [hbm4b:s1+s14], $0x80, s22, s14, $0xb8;
	[tilespmem:$0x19040] =	vst v63  }
.Ltmp6:
0x136: {  	_ = 	snop;
	(pc) =	sbr.rel .LBB2_4-.Ltmp6, $4  }
0x137: {  	s22 =	sadd.s32 s7, s22  }
0x138: {  	s22 =	sshll.u32 s22, $0x4  }
0x139: {  	s11 =	sadd.s32 $0x1, s11;
	s22 =	sadd.s32 s5, s22  }
0x13a: {  	[tilespmem:s19], [sflag:$0x4] =	stream.linear.gather [hbm4b:s22+s3], $0x2800, $0x38;
	[tilespmem:$0x19040] =	vst v63  }
.LBB2_10:
0x13b: {  	v1 =	vld [tilespmem:$0x4E40]  }
0x13c: {  	v2 =	vld [tilespmem:$0x4E50]  }
0x13d: {  	v3 =	vld [tilespmem:$0x4E60];
	_ =	sdelay $0x1  }
0x13e: {  	v5 =	vld [tilespmem:$0x4E70]  }
0x13f: {  	v6 =	vld [tilespmem:$0x4E80];
	v4 =	vand.u32 $0x7, v1  }
0x140: {  	vm0 =	vlt.u32 v1, $0x1400;
	vm13 =	vlt.u32 v2, $0x1400;
	v4 =	vor.u32 $0x1400, v4  }
0x141: {  	v7 =	vand.u32 $0x7, v3;
	v1 =	vsel vm0, v1, v4;
	v4 =	vand.u32 $0x7, v2  }
0x142: {  	vm1 =	vlt.u32 v3, $0x1400;
	v7 =	vor.u32 $0x1400, v7;
	v4 =	vor.u32 $0x1400, v4  }
0x143: {  	[tilespmem:$0x4F00] =	vst v1;
	v1 =	vsel vm1, v3, v7;
	v3 =	vand.u32 $0x7, v5;
	v2 =	vsel vm13, v2, v4  }
0x144: {  	vm14 =	vlt.u32 v5, $0x1400;
	[tilespmem:$0x4F10] =	vst v2;
	v2 =	vor.u32 $0x1400, v3;
	v3 =	vand.u32 $0x7, v6  }
0x145: {  	vm15 =	vlt.u32 v6, $0x1400;
	[tilespmem:$0x4F20] =	vst v1;
	v1 =	vsel vm14, v5, v2;
	v2 =	vor.u32 $0x1400, v3  }
0x146: {  	[tilespmem:$0x4F30] =	vst v1;
	v1 =	vsel vm15, v6, v2  }
0x147: {  	[tilespmem:$0x4F40] =	vst v1  }
0x148: {  	_ =	swait.ge [sflag:s20], $0x2800  }
0x149: {  	[sflag:s20] =	ssyncset.done $0x0  }
0x14a: {  	[sflag:s20] =	ssyncadd.s32 $0xFFFFD800  }
0x14b: {  	_ =	swait.ge [sflag:s21], $0x2800  }
0x14c: {  	[sflag:s21] =	ssyncset.done $0x0  }
0x14d: {  	s11 =	simm.s32 $0x0;
	[sflag:s21] =	ssyncadd.s32 $0xFFFFD800  }
0x14e: {  	v8 =	vld [tilespmem:s11+$0xA000]  }
0x14f: {  	v12 =	vld [tilespmem:s11+$0xA010]  }
0x150: {  	v6 =	vld [tilespmem:s11+$0xA020]  }
0x151: {  	v5 =	vld [tilespmem:s11+$0xA030]  }
0x152: {  	v4 =	vld [tilespmem:s11+$0xA040]  }
0x153: {  	v3 =	vld [tilespmem:s11+$0xA050]  }
0x154: {  	v2 =	vld [tilespmem:s11+$0xA060]  }
0x155: {  	v1 =	vld [tilespmem:s11+$0xA070]  }
0x156: {  	v13 =	vld [tilespmem:s11+$0x5000]  }
0x157: {  	v14 =	vld [tilespmem:s11+$0x5010]  }
0x158: {  	v11 =	vld [tilespmem:s11+$0x5020]  }
0x159: {  	v10 =	vld [tilespmem:s11+$0x5030]  }
0x15a: {  	v9 =	vld [tilespmem:s11+$0x5040]  }
0x15b: {  	v7 =	vld [tilespmem:s11+$0x5050];
	v13 =	vmul.f32 v8, v13  }
0x15c: {  	s22 =	simm.s32 $0x200;
	v12 =	vmul.f32 v12, v14;
	v8 =	vld [tilespmem:s11+$0x5060]  }
.LBB2_11:
0x15d: {  	s26 =	sshra.s32 s22, $0x2;
	p2 =	sne.s32 s22, $0x9E00;
	[tilespmem:s11+$0x5000] =	vst v13;
	v6 =	vmul.f32 v6, v11;
	v11 =	vld [tilespmem:s11+$0x5070]  }
0x15e: {  	v13 =	vld [tilespmem:s26+$0xA000];
	[tilespmem:s11+$0x5010] =	vst v12;
	v5 =	vmul.f32 v5, v10  }
0x15f: {  	v12 =	vld [tilespmem:s26+$0xA010];
	[tilespmem:s11+$0x5020] =	vst v6;
	v4 =	vmul.f32 v4, v9  }
0x160: {  	v6 =	vld [tilespmem:s26+$0xA020];
	[tilespmem:s11+$0x5030] =	vst v5;
	v3 =	vmul.f32 v3, v7  }
0x161: {  	v5 =	vld [tilespmem:s26+$0xA030];
	[tilespmem:s11+$0x5040] =	vst v4;
	v2 =	vmul.f32 v2, v8  }
0x162: {  	v4 =	vld [tilespmem:s26+$0xA040];
	[tilespmem:s11+$0x5050] =	vst v3;
	v1 =	vmul.f32 v1, v11  }
0x163: {  	v3 =	vld [tilespmem:s26+$0xA050];
	[tilespmem:s11+$0x5060] =	vst v2  }
0x164: {  	v2 =	vld [tilespmem:s26+$0xA060];
	[tilespmem:s11+$0x5070] =	vst v1;
	s11 =	smov.u32 s26  }
0x165: {  	v1 =	vld [tilespmem:s11+$0xA070]  }
0x166: {  	v7 =	vld [tilespmem:s11+$0x5000]  }
0x167: {  	v8 =	vld [tilespmem:s11+$0x5010]  }
.Ltmp7:
0x168: {  	v11 =	vld [tilespmem:s11+$0x5020];
	(pc) =	sbr.rel @p2 .LBB2_11-.Ltmp7, $4  }
0x169: {  	v10 =	vld [tilespmem:s11+$0x5030]  }
0x16a: {  	v9 =	vld [tilespmem:s11+$0x5040]  }
0x16b: {  	v13 =	vmul.f32 v13, v7;
	v7 =	vld [tilespmem:s11+$0x5050]  }
0x16c: {  	s22 =	sadd.s32 $0x200, s22;
	v12 =	vmul.f32 v12, v8;
	v8 =	vld [tilespmem:s11+$0x5060]  }
0x16d: {  	[tilespmem:s11+$0x5000] =	vst v13;
	v6 =	vmul.f32 v6, v11;
	v63 =	vld [tilespmem:s11+$0x5070]  }
0x16e: {  	[tilespmem:s11+$0x5010] =	vst v12;
	v5 =	vmul.f32 v5, v10  }
0x16f: {  	[tilespmem:s11+$0x5020] =	vst v6;
	v4 =	vmul.f32 v4, v9  }
0x170: {  	[tilespmem:s11+$0x5030] =	vst v5;
	v3 =	vmul.f32 v3, v7  }
0x171: {  	[tilespmem:s11+$0x5040] =	vst v4;
	v2 =	vmul.f32 v2, v8  }
0x172: {  	[tilespmem:s11+$0x5050] =	vst v3;
	v1 =	vmul.f32 v1, v63  }
0x173: {  	[tilespmem:s11+$0x5060] =	vst v2  }
0x174: {  	s28 =	simm.s32 $0x0;
	s22 =	rddreg [dreg:$0xa];
	[tilespmem:s11+$0x5070] =	vst v1  }
0x175: {  	[hbm4b:s22+s28] =	stream.linear.scatter [tilespmem:s12], [sflag:$0x5], $0x2800, $0x38;
	[tilespmem:$0x19040] =	vst v63  }
0x176: {  	_ = 	snop  }
0x177: {  	[spmem:s2] =	stream.indirect.scatter.add.f32 [tilespmem:s12], [sflag:$0x7], $0x80, s4, s14, $0xb8;
	[tilespmem:$0x19040] =	vst v63  }
0x178: {  	_ =	swait.ge [sflag:s10], $0x2800  }
0x179: {  	[sflag:s10] =	ssyncset.done $0x0  }
0x17a: {  	[sflag:s10] =	ssyncadd.s32 $0xFFFFD800  }
0x17b: {  	_ =	swait.ge [sflag:s24], $0x2800  }
0x17c: {  	[sflag:s24] =	ssyncset.done $0x0  }
0x17d: {  	[sflag:s24] =	ssyncadd.s32 $0xFFFFD800  }
0x17e: {  	_ =	swait.ge [sflag:s8], $0x2800  }
0x17f: {  	[sflag:s8] =	ssyncset.done $0x0  }
0x180: {  	s29 =	stileid.u32;
	[sflag:s8] =	ssyncadd.s32 $0xFFFFD800  }
0x181: {  	s11 =	sshll.u32 s29, $0x6;
	[bflag:$0x0] =	sbarrier.arrive $0xFFFF  }
0x182: {  	s30 =	sshrl.u32 s17, $0x3;
	s11 =	sor.u32 $0x1C07, s11;
	s26 =	rddreg [dreg:$0xb]  }
0x183: {  	[hbm:s26], [sflag:s11] =	dma.local [spmem:s30], $0x1400  }
0x184: {  	_ =	swait.ge [sflag:s10], $0x1400  }
0x185: {  	[sflag:s10] =	ssyncset.done $0x0  }
0x186: {  	[sflag:s10] =	ssyncadd.s32 $0xFFFFEC00  }
0x187: {  	s22 =	simm.s32 $0x0;
	s26 =	simm.s32 $0x200;
	[bflag:$0x0] =	sbarrier.arrive $0xFFFF  }
.LBB2_13:
0x188: {  	p2 =	sne.s32 s26, $0x9E00;
	[tilespmem:s22+$0x5070] =	vst v0  }
0x189: {  	[tilespmem:s22+$0x5000] =	vst v0  }
0x18a: {  	[tilespmem:s22+$0x5010] =	vst v0  }
.Ltmp8:
0x18b: {  	[tilespmem:s22+$0x5020] =	vst v0;
	(pc) =	sbr.rel @p2 .LBB2_13-.Ltmp8, $4  }
0x18c: {  	[tilespmem:s22+$0x5030] =	vst v0  }
0x18d: {  	[tilespmem:s22+$0x5040] =	vst v0  }
0x18e: {  	[tilespmem:s22+$0x5050] =	vst v0  }
0x18f: {  	[tilespmem:s22+$0x5060] =	vst v0;
	s22 =	sshra.s32 s26, $0x2;
	s26 =	sadd.s32 $0x200, s26  }
0x190: {  	[tilespmem:s22+$0x5070] =	vst v0  }
0x191: {  	[tilespmem:s22+$0x5000] =	vst v0  }
0x192: {  	[tilespmem:s22+$0x5010] =	vst v0  }
0x193: {  	[tilespmem:s22+$0x5020] =	vst v0  }
0x194: {  	[tilespmem:s22+$0x5030] =	vst v0  }
0x195: {  	[tilespmem:s22+$0x5040] =	vst v0  }
0x196: {  	[tilespmem:s22+$0x5050] =	vst v0  }
0x197: {  	[tilespmem:s22+$0x5060] =	vst v0  }
0x198: {  	[spmem:s17] =	stream.linear.scatter [tilespmem:s12], [sflag:$0x7], $0x1400, $0x38;
	[tilespmem:$0x19040] =	vst v63  }
0x199: {  	_ =	swait.ge [sflag:s10], $0x1400  }
0x19a: {  	[sflag:s10] =	ssyncset.done $0x0  }
0x19b: {  	s26 =	rddreg [dreg:$0x10];
	[sflag:s10] =	ssyncadd.s32 $0xFFFFEC00  }
0x19c: {  	[spmem:s26] =	stream.linear.scatter [tilespmem:s12], [sflag:$0x7], $0x1400, $0x38;
	[tilespmem:$0x19040] =	vst v63  }
0x19d: {  	_ =	swait.ge [sflag:s10], $0x1400  }
0x19e: {  	[sflag:s10] =	ssyncset.done $0x0  }
0x19f: {  	s30 =	rddreg [dreg:$0x14];
	[sflag:s10] =	ssyncadd.s32 $0xFFFFEC00  }
0x1a0: {  	[spmem:s30] =	stream.linear.scatter [tilespmem:s12], [sflag:$0x7], $0x1400, $0x38;
	[tilespmem:$0x19040] =	vst v63  }
0x1a1: {  	_ =	swait.ge [sflag:s10], $0x1400  }
0x1a2: {  	[sflag:s10] =	ssyncset.done $0x0  }
0x1a3: {  	s26 =	rddreg [dreg:$0x15];
	[sflag:s10] =	ssyncadd.s32 $0xFFFFEC00  }
0x1a4: {  	[spmem:s26] =	stream.linear.scatter [tilespmem:s12], [sflag:$0x7], $0x1400, $0x38;
	[tilespmem:$0x19040] =	vst v63  }
0x1a5: {  	_ =	swait.ge [sflag:s10], $0x1400  }
0x1a6: {  	[sflag:s10] =	ssyncset.done $0x0  }
0x1a7: {  	s30 =	rddreg [dreg:$0x16];
	[sflag:s10] =	ssyncadd.s32 $0xFFFFEC00  }
0x1a8: {  	[spmem:s30] =	stream.linear.scatter [tilespmem:s12], [sflag:$0x7], $0x1400, $0x38;
	[tilespmem:$0x19040] =	vst v63  }
0x1a9: {  	_ =	swait.ge [sflag:s10], $0x1400  }
0x1aa: {  	[sflag:s10] =	ssyncset.done $0x0  }
0x1ab: {  	s26 =	rddreg [dreg:$0x17];
	[sflag:s10] =	ssyncadd.s32 $0xFFFFEC00  }
0x1ac: {  	[spmem:s26] =	stream.linear.scatter [tilespmem:s12], [sflag:$0x7], $0x1400, $0x38;
	[tilespmem:$0x19040] =	vst v63  }
0x1ad: {  	_ =	swait.ge [sflag:s10], $0x1400  }
0x1ae: {  	[sflag:s10] =	ssyncset.done $0x0  }
0x1af: {  	[sflag:s10] =	ssyncadd.s32 $0xFFFFEC00  }
0x1b0: {  	[spmem:s31] =	stream.linear.scatter [tilespmem:s12], [sflag:$0x7], $0x1400, $0x38;
	[tilespmem:$0x19040] =	vst v63  }
0x1b1: {  	_ =	swait.ge [sflag:s10], $0x1400  }
0x1b2: {  	[sflag:s10] =	ssyncset.done $0x0  }
0x1b3: {  	[sflag:s10] =	ssyncadd.s32 $0xFFFFEC00  }
0x1b4: {  	[spmem:s0] =	stream.linear.scatter [tilespmem:s12], [sflag:$0x7], $0x1400, $0x38;
	[tilespmem:$0x19040] =	vst v63  }
0x1b5: {  	_ =	swait.ge [sflag:s10], $0x1400  }
0x1b6: {  	[sflag:s10] =	ssyncset.done $0x0  }
0x1b7: {  	s22 =	simm.s32 @!p1 $0x5000;
	s26 =	rddreg [dreg:$0x6];
	[sflag:s10] =	ssyncadd.s32 $0xFFFFEC00  }
0x1b8: {  	[spmem:s26] =	stream.linear.scatter @!p1 [tilespmem:s22], [sflag:$0x7], $0x400, $0x38;
	[tilespmem:$0x19040] =	vst v63  }
0x1b9: {  	s22 =	simm.s32 @!p1 $0x7  }
0x1ba: {  	_ =	swait.ge @!p1 [sflag:s22], $0x400  }
0x1bb: {  	[sflag:s22] =	ssyncset.done @!p1 $0x0  }
0x1bc: {  	[sflag:s22] =	ssyncadd.s32 @!p1 $0xFFFFFC00  }
0x1bd: {  	[bflag:$0x0] =	sbarrier.arrive $0xFFFF  }
0x1be: {  	s30 =	rddreg [dreg:$0x8]  }
0x1bf: {  	s28 =	rddreg [dreg:$0x12]  }
0x1c0: {  	s22 =	simm.s32 $0x0;
	s29 =	rddreg [dreg:$0x11]  }
0x1c1: {  	[tilespmem:s12], [sflag:$0x1] =	stream.linear.gather [hbm4b:s30+s22], $0x2800, $0x38;
	[tilespmem:$0x19040] =	vst v63  }
0x1c2: {  	s26 =	simm.s32 $0x27D0;
	s30 =	rddreg [dreg:$0xc]  }
0x1c3: {  	[tilespmem:s18], [sflag:$0x2] =	stream.linear.gather [hbm4b:s30+s22], $0x2800, $0x38;
	[tilespmem:$0x19040] =	vst v63  }
.LBB2_15:
0x1c4: {  	v1 =	vld [tilespmem:s26+$0xFFFFFFB0];
	_ =	sdelay $0x4  }
0x1c5: {  	v2 =	vadd.s32 $0xFFFFEC00, v1;
	v1 =	vand.u32 $0x7, v1  }
0x1c6: {  	vm0 =	vlt.u32 v2, $0x1400;
	v1 =	vor.u32 $0x1400, v1  }
0x1c7: {  	v1 =	vsel vm0, v2, v1  }
0x1c8: {  	[tilespmem:$0x4F00] =	vst v1  }
0x1c9: {  	v1 =	vld [tilespmem:s26+$0xFFFFFFC0];
	_ =	sdelay $0x4  }
0x1ca: {  	v2 =	vadd.s32 $0xFFFFEC00, v1;
	v1 =	vand.u32 $0x7, v1  }
0x1cb: {  	vm7 =	vlt.u32 v2, $0x1400;
	v1 =	vor.u32 $0x1400, v1  }
0x1cc: {  	v1 =	vsel vm7, v2, v1  }
0x1cd: {  	[tilespmem:$0x4F10] =	vst v1  }
0x1ce: {  	v1 =	vld [tilespmem:s26+$0xFFFFFFD0];
	_ =	sdelay $0x4  }
0x1cf: {  	v2 =	vadd.s32 $0xFFFFEC00, v1;
	v1 =	vand.u32 $0x7, v1  }
0x1d0: {  	vm8 =	vlt.u32 v2, $0x1400;
	v1 =	vor.u32 $0x1400, v1  }
0x1d1: {  	v1 =	vsel vm8, v2, v1  }
0x1d2: {  	[tilespmem:$0x4F20] =	vst v1  }
0x1d3: {  	v1 =	vld [tilespmem:s26+$0xFFFFFFE0];
	_ =	sdelay $0x4  }
0x1d4: {  	v2 =	vadd.s32 $0xFFFFEC00, v1;
	v1 =	vand.u32 $0x7, v1  }
0x1d5: {  	vm9 =	vlt.u32 v2, $0x1400;
	v1 =	vor.u32 $0x1400, v1  }
0x1d6: {  	v1 =	vsel vm9, v2, v1  }
0x1d7: {  	[tilespmem:$0x4F30] =	vst v1  }
0x1d8: {  	v1 =	vld [tilespmem:s26+$0xFFFFFFF0];
	_ =	sdelay $0x4  }
0x1d9: {  	v2 =	vadd.s32 $0xFFFFEC00, v1;
	v1 =	vand.u32 $0x7, v1  }
0x1da: {  	vm10 =	vlt.u32 v2, $0x1400;
	v1 =	vor.u32 $0x1400, v1  }
0x1db: {  	v1 =	vsel vm10, v2, v1  }
0x1dc: {  	[tilespmem:$0x4F40] =	vst v1  }
0x1dd: {  	_ =	swait.ge [sflag:s20], $0x2800  }
0x1de: {  	[sflag:s20] =	ssyncset.done $0x0  }
0x1df: {  	[sflag:s20] =	ssyncadd.s32 $0xFFFFD800  }
0x1e0: {  	[spmem:s2] =	stream.indirect.scatter.add.f32 [tilespmem:s12], [sflag:$0x7], $0x80, s4, s14, $0xb8;
	[tilespmem:$0x19040] =	vst v63  }
0x1e1: {  	_ =	swait.ge [sflag:s10], $0x2800  }
0x1e2: {  	s30 =	sshrl.u32 s28, $0x3;
	[sflag:s10] =	ssyncset.done $0x0  }
0x1e3: {  	s30 =	sadd.s32 s6, s30;
	[sflag:s10] =	ssyncadd.s32 $0xFFFFD800  }
0x1e4: {  	[tilespmem:s12], [sflag:$0x1] =	stream.linear.gather [hbm4b:s30+s3], $0x2800, $0x38;
	[tilespmem:$0x19040] =	vst v63  }
0x1e5: {  	v1 =	vld [tilespmem:s26+$0x0];
	_ =	sdelay $0x4  }
0x1e6: {  	v2 =	vadd.s32 $0xFFFFEC00, v1;
	v1 =	vand.u32 $0x7, v1  }
0x1e7: {  	vm11 =	vlt.u32 v2, $0x1400;
	v1 =	vor.u32 $0x1400, v1  }
0x1e8: {  	v1 =	vsel vm11, v2, v1  }
0x1e9: {  	[tilespmem:$0x4F80] =	vst v1  }
0x1ea: {  	v1 =	vld [tilespmem:s26+$0x10];
	_ =	sdelay $0x4  }
0x1eb: {  	v2 =	vadd.s32 $0xFFFFEC00, v1;
	v1 =	vand.u32 $0x7, v1  }
0x1ec: {  	vm12 =	vlt.u32 v2, $0x1400;
	v1 =	vor.u32 $0x1400, v1  }
0x1ed: {  	v1 =	vsel vm12, v2, v1  }
0x1ee: {  	[tilespmem:$0x4F90] =	vst v1  }
0x1ef: {  	v1 =	vld [tilespmem:s26+$0x20];
	_ =	sdelay $0x4  }
0x1f0: {  	v2 =	vadd.s32 $0xFFFFEC00, v1;
	v1 =	vand.u32 $0x7, v1  }
0x1f1: {  	vm13 =	vlt.u32 v2, $0x1400;
	v1 =	vor.u32 $0x1400, v1  }
0x1f2: {  	v1 =	vsel vm13, v2, v1  }
0x1f3: {  	s30 =	sand.u32 $0x3FE0, s22;
	[tilespmem:$0x4FA0] =	vst v1  }
0x1f4: {  	v1 =	vld [tilespmem:s30+$0x2800];
	_ =	sdelay $0x4  }
0x1f5: {  	v2 =	vadd.s32 $0xFFFFEC00, v1;
	v1 =	vand.u32 $0x7, v1  }
0x1f6: {  	vm14 =	vlt.u32 v2, $0x1400;
	v1 =	vor.u32 $0x1400, v1  }
0x1f7: {  	v1 =	vsel vm14, v2, v1  }
0x1f8: {  	[tilespmem:$0x4FB0] =	vst v1  }
0x1f9: {  	v1 =	vld [tilespmem:s26+$0x40];
	_ =	sdelay $0x4  }
0x1fa: {  	v2 =	vadd.s32 $0xFFFFEC00, v1;
	v1 =	vand.u32 $0x7, v1  }
0x1fb: {  	vm15 =	vlt.u32 v2, $0x1400;
	v1 =	vor.u32 $0x1400, v1  }
0x1fc: {  	v1 =	vsel vm15, v2, v1  }
0x1fd: {  	[tilespmem:$0x4FC0] =	vst v1  }
0x1fe: {  	_ =	swait.ge [sflag:s13], $0x2800  }
0x1ff: {  	p2 =	seq.s32 s22, $0x2620;
	[sflag:s13] =	ssyncset.done $0x0  }
.Ltmp9:
0x200: {  	[sflag:s13] =	ssyncadd.s32 $0xFFFFD800;
	(pc) =	sbr.rel @p2 .LBB2_17-.Ltmp9, $4  }
0x201: {  	[spmem:s2] =	stream.indirect.scatter.add.f32 [tilespmem:s18], [sflag:$0x7], $0x80, s23, s14, $0xb8;
	[tilespmem:$0x19040] =	vst v63  }
0x202: {  	_ =	swait.ge [sflag:s10], $0x2800  }
0x203: {  	[sflag:s10] =	ssyncset.done $0x0  }
0x204: {  	[sflag:s10] =	ssyncadd.s32 $0xFFFFD800  }
.Ltmp10:
0x205: {  	(pc) =	sbr.rel .LBB2_15-.Ltmp10, $4  }
0x206: {  	_ = 	snop  }
0x207: {  	[tilespmem:s18], [sflag:$0x2] =	stream.linear.gather [hbm4b:s29+s3], $0x2800, $0x38;
	[tilespmem:$0x19040] =	vst v63  }
0x208: {  	s22 =	sadd.s32 $0xA0, s22  }
0x209: {  	s29 =	sadd.s32 $0xA00, s29;
	s28 =	sadd.s32 $0x5000, s28;
	s26 =	sadd.s32 $0xA0, s26  }
.LBB2_18:
0x20a: {  	_ =	sfence.sel $0x180000  }
0x20b: {  	[bflag:$0x0] =	sbarrier.arrive $0xFFFF  }
0x20c: {  	_ =	strace $0x9000004A  }
0x20d: {  	s0 =	stileid.u32;
	[bflag:$0x2] =	sbarrier.arrive $0xFFFF  }
0x20e: {  	p0 =	sne.s32 s0, $0x0;
	s0 =	rddreg [dreg:$0x3]  }
0x20f: {  	s0 =	sadd.s32 @!p0 $0x100000, s0  }
0x210: {  	[sflag:s0] =	ssyncadd.tile.s32 @!p0 $0x1;
	_ =	shalt  }
.Lfunc_end2:
_tile_overlayer_lowered:
.L_overlay_start_2:
0x211: {  	(tag) =	ssettag $0x2  }
0x212: {  	s0 =	rddreg [dreg:$0x0];
	s2 =	stileid.u32  }
0x213: {  	s1 =	rddreg [dreg:$0x1];
	p0 =	sne.s32 s2, $0x0  }
0x214: {  	s3 =	rddreg [dreg:$0x2];
	[bflag:$0x3] =	sbarrier.arrive $0xFFFF;
	s2 =	simm.s32 @!p0 $0x1C07  }
0x215: {  	[timem:s3], [sflag:s2] =	dma.local @!p0 [hbm:s0], s1  }
0x216: {  	s0 =	simm.s32 @!p0 $0x7  }
0x217: {  	_ =	swait.ge @!p0 [sflag:s0], s1  }
0x218: {  	s1 =	ssub.s32 @!p0 $0x0, s1;
	[sflag:s0] =	ssyncset.done @!p0 $0x0  }
0x219: {  	[sflag:s0] =	ssyncadd.s32 @!p0 s1  }
0x21a: {  	[bflag:$0x3] =	sbarrier.arrive $0xFFFF  }
0x21b: {  	_ =	shalt  }

// kernel: kernel.7.cloned.1.call-start
scs
__scs_entry_jumppad:
0x0: {  	(pc) =	sbr.rel $0x88, $3  }
0x1: {  	(tag) =	ssettag $0x0;
	lr =	simm.s32 $0x1  }
0x2: {  	[smem:$0x3F94] =	sst lr;
	_ =	strace $0xD0000000  }
0x3: {  	_ = 	snop  }
0x4: {  	_ = 	snop  }
0x5: {  	_ = 	snop  }
0x6: {  	_ = 	snop  }
0x7: {  	_ = 	snop  }
__scs_overlays_trampoline_lowered:
0x8: {  	[smem:$0x3FA3] =	sst s0  }
0x9: {  	[smem:$0x3FA4] =	sst s1  }
0xa: {  	[smem:$0x3FA5] =	sst s2  }
0xb: {  	[smem:$0x3FA6] =	sst s3  }
0xc: {  	[smem:$0x3FA7] =	sst s4  }
0xd: {  	[smem:$0x3FA8] =	sst s5  }
0xe: {  	[smem:$0x3FA9] =	sst s6  }
0xf: {  	[smem:$0x3FAA] =	sst s7  }
0x10: {  	[smem:$0x3FAB] =	sst s8  }
0x11: {  	[smem:$0x3FAC] =	sst s9;
	s0 =	simm.s32 @!p0 $0x0  }
0x12: {  	s1 =	sld [smem:$0x3F92];
	s0 =	simm.s32 @p0 $0x1  }
0x13: {  	[smem:$0x3FAD] =	sst s0;
	s0 =	simm.s32 @!p1 $0x0  }
0x14: {  	s2 =	sld [smem:$0x3F91];
	s0 =	simm.s32 @p1 $0x1  }
0x15: {  	[smem:$0x3FAE] =	sst s0;
	s0 =	simm.s32 @!p2 $0x0  }
0x16: {  	s3 =	sld [smem:$0x3FDB];
	s0 =	simm.s32 @p2 $0x1  }
0x17: {  	s4 =	simm.s32 $0x1BF5;
	[smem:$0x3FB0] =	sst s0  }
0x18: {  	s0 =	sld [smem:$0x3F93];
	_ =	swait.ge [sflag:s4], $0x0  }
0x19: {  	s7 =	sld [smem:$0x3F94]  }
0x1a: {  	s8 =	sadd.s32 $0xFFFFE003, lr  }
0x1b: {  	s9 =	sadd.s32 $0xFFFFFEF7, lr;
	s5 =	simm.s32 $0xFFFFFFFF;
	p2 =	slt.u32 s8, $0xFFFFF086  }
0x1c: {  	p1 =	slt.u32 s9, $0xF7A;
	s5 =	simm.s32 @!p2 $0x0  }
0x1d: {  	s5 =	simm.s32 @p1 $0x1;
	p0 =	seq.s32 s7, s2  }
0x1e: {  	s7 =	smul.u32 @!p0 $0xF7A, s2;
	p2 =	seq.s32 @!p0 s5, $0x0  }
0x1f: {  	s9 =	smul.u32 $0xF7A, s1;
	s8 =	simm.s32 @!p0 $0x1BF5;
	p2 =	por !p2, p0  }
0x20: {  	[sflag:s8] =	ssyncset.s32 @!p0 $0xFFFFF086;
	s6 =	sadd.s32 @!p0 s3, s7;
	s7 =	simm.s32 @!p0 $0x108  }
0x21: {  	s3 =	sadd.s32 s3, s9;
	s6 =	sadd.s32 @!p0 $0x88, s6;
	s7 =	simm.s32 @p2 $0x1082  }
0x22: {  	[simem:s7], [sflag:s8] =	dma.local @!p0 [hbm:s6], $0xF7A  }
0x23: {  	s9 =	sor.u32 $0xD0000000, s2;
	s6 =	simm.s32 $0x108;
	_ =	swait.ge @!p0 [sflag:s8], $0x0  }
0x24: {  	s3 =	sadd.s32 $0x88, s3;
	s6 =	simm.s32 @!p1 $0x1082;
	[sflag:s4] =	ssyncset.s32 $0xFFFFF086  }
0x25: {  	[simem:s6], [sflag:s4] =	dma.local [hbm:s3], $0xF7A  }
0x26: {  	[smem:$0x3F94] =	sst s1;
	(tag) =	ssettag s2;
	_ =	strace s9  }
0x27: {  	s1 =	sld [smem:$0x3FA4]  }
0x28: {  	s2 =	sld [smem:$0x3FA5]  }
0x29: {  	s4 =	sld [smem:$0x3FA7]  }
0x2a: {  	p0 =	seq.s32 s5, $0x0;
	s5 =	sld [smem:$0x3FA8]  }
0x2b: {  	s6 =	sld [smem:$0x3FA9]  }
0x2c: {  	s7 =	sld [smem:$0x3FAA]  }
0x2d: {  	s3 =	simm.s32 $0x108;
	s8 =	sld [smem:$0x3FAB]  }
0x2e: {  	s3 =	simm.s32 @!p0 $0x1082;
	s9 =	sld [smem:$0x3FAC]  }
0x2f: {  	lr =	sadd.s32 s0, s3;
	s0 =	sld [smem:$0x3FA3]  }
0x30: {  	s3 =	sld [smem:$0x3FA6]  }
0x31: {  	[smem:$0x3FAF] =	sst s10  }
0x32: {  	s10 =	sld [smem:$0x3FAD];
	_ =	sdelay $0x3  }
0x33: {  	p0 =	seq.s32 s10, $0x1;
	s10 =	sld [smem:$0x3FAF];
	_ =	sdelay $0x3  }
0x34: {  	[smem:$0x3FAF] =	sst s10  }
0x35: {  	s10 =	sld [smem:$0x3FAE];
	_ =	sdelay $0x3  }
0x36: {  	p1 =	seq.s32 s10, $0x1;
	s10 =	sld [smem:$0x3FAF];
	_ =	sdelay $0x3  }
0x37: {  	[smem:$0x3FAF] =	sst s10  }
0x38: {  	s10 =	sld [smem:$0x3FB0]  }
0x39: {  	_ = 	snop;
	(pc) =	sbr.ind lr, $3  }
0x3a: {  	_ = 	snop  }
0x3b: {  	_ = 	snop  }
0x3c: {  	p2 =	seq.s32 s10, $0x1;
	s10 =	sld [smem:$0x3FAF]  }
0x3d: {  	_ =	shalt  }
0x3e: {  	_ =	shalt  }
0x3f: {  	_ =	shalt  }
0x40: {  	_ =	shalt  }
0x41: {  	_ =	shalt  }
0x42: {  	_ =	shalt  }
0x43: {  	_ =	shalt  }
0x44: {  	_ =	shalt  }
0x45: {  	_ =	shalt  }
0x46: {  	_ =	shalt  }
0x47: {  	_ =	shalt  }
0x48: {  	_ =	shalt  }
0x49: {  	_ =	shalt  }
0x4a: {  	_ =	shalt  }
0x4b: {  	_ =	shalt  }
0x4c: {  	_ =	shalt  }
0x4d: {  	_ =	shalt  }
0x4e: {  	_ =	shalt  }
0x4f: {  	_ =	shalt  }
0x50: {  	_ =	shalt  }
0x51: {  	_ =	shalt  }
0x52: {  	_ =	shalt  }
0x53: {  	_ =	shalt  }
0x54: {  	_ =	shalt  }
0x55: {  	_ =	shalt  }
0x56: {  	_ =	shalt  }
0x57: {  	_ =	shalt  }
0x58: {  	_ =	shalt  }
0x59: {  	_ =	shalt  }
0x5a: {  	_ =	shalt  }
0x5b: {  	_ =	shalt  }
0x5c: {  	_ =	shalt  }
0x5d: {  	_ =	shalt  }
0x5e: {  	_ =	shalt  }
0x5f: {  	_ =	shalt  }
0x60: {  	_ =	shalt  }
0x61: {  	_ =	shalt  }
0x62: {  	_ =	shalt  }
0x63: {  	_ =	shalt  }
0x64: {  	_ =	shalt  }
0x65: {  	_ =	shalt  }
0x66: {  	_ =	shalt  }
0x67: {  	_ =	shalt  }
0x68: {  	_ =	shalt  }
0x69: {  	_ =	shalt  }
0x6a: {  	_ =	shalt  }
0x6b: {  	_ =	shalt  }
0x6c: {  	_ =	shalt  }
0x6d: {  	_ =	shalt  }
0x6e: {  	_ =	shalt  }
0x6f: {  	_ =	shalt  }
0x70: {  	_ =	shalt  }
0x71: {  	_ =	shalt  }
0x72: {  	_ =	shalt  }
0x73: {  	_ =	shalt  }
0x74: {  	_ =	shalt  }
0x75: {  	_ =	shalt  }
0x76: {  	_ =	shalt  }
0x77: {  	_ =	shalt  }
0x78: {  	_ =	shalt  }
0x79: {  	_ =	shalt  }
0x7a: {  	_ =	shalt  }
0x7b: {  	_ =	shalt  }
0x7c: {  	_ =	shalt  }
0x7d: {  	_ =	shalt  }
0x7e: {  	_ =	shalt  }
0x7f: {  	_ =	shalt  }
0x80: {  	_ =	shalt  }
0x81: {  	_ =	shalt  }
0x82: {  	_ =	shalt  }
0x83: {  	_ =	shalt  }
0x84: {  	_ =	shalt  }
0x85: {  	_ =	shalt  }
0x86: {  	_ =	shalt  }
0x87: {  	_ =	shalt  }
.Lfunc_end0:
.L_simem_size_0:
called_computation_lowered:
.L_overlay_start_0:
0x88: {  	s2 =	sld [smem:$0x3FD9]  }
0x89: {  	s3 =	sld [smem:$0x3FFE];
	_ =	sdelay $0x1  }
0x8a: {  	s1 =	srdreg.scid  }
0x8b: {  	s0 =	sand.u32 $0x1, s1  }
0x8c: {  	s16 =	sshll.u32 s0, $0xA;
	s2 =	sadd.s32 s3, s2  }
0x8d: {  	s2 =	sadd.s32 s2, s16  }
0x8e: {  	[smem:$0x3FBB] =	sst s2  }
0x8f: {  	_ = 	snop  }
0x90: {  	(tm) =	ssettm $0x1  }
0x91: {  	s17 =	sld [smem:$0x3FFB];
	_ =	sdelay $0x3  }
0x92: {  	_ =	strace s17  }
0x93: {  	s2 =	sld [smem:$0x3FFC];
	_ =	sdelay $0x3  }
0x94: {  	_ =	strace s2  }
0x95: {  	s2 =	sld [smem:$0x3FFD];
	_ =	sdelay $0x3  }
0x96: {  	_ =	strace s2  }
0x97: {  	_ =	strace $0x8FFFFFFF  }
0x98: {  	s18 =	sld [smem:$0x3FDB];
	_ =	sdelay $0x1  }
0x99: {  	s19 =	simm.s32 $_scs_section_size  }
0x9a: {  	s4 =	simm.s32 $_size__tile_overlayer_lowered;
	s5 =	simm.s32 $_tile_overlayer_lowered  }
0x9b: {  	s22 =	simm.s32 $0x1BFF;
	s21 =	sshll.u32 s5, $0x1;
	s2 =	sadd.s32 s19, s18  }
0x9c: {  	s6 =	simm.s32 $0x0;
	s20 =	sshll.u32 s4, $0x1;
	s4 =	sadd.s32 s21, s2  }
0x9d: {  	[timem:s6], [sflag:s22] =	dma.local [hbm:s4], s20  }
0x9e: {  	_ =	swait.ge [sflag:s22], s20  }
0x9f: {  	s3 =	ssub.s32 $0x0, s20;
	[sflag:s22] =	ssyncset.done $0x0  }
0xa0: {  	[sflag:s22] =	ssyncadd.s32 s3;
	_ =	sdelay $0x1  }
0xa1: {  	s23 =	simm.s32 $0x1B8B  }
0xa2: {  	_ =	swait.ge [sflag:s23], $0x1  }
0xa3: {  	[sflag:s23] =	ssyncset.done $0x0  }
0xa4: {  	s25 =	simm.s32 $0x1B8E;
	s24 =	sld [smem:$0x3FFE];
	[sflag:s23] =	ssyncadd.s32 $0xFFFFFFFF  }
0xa5: {  	s26 =	simm.s32 $execute0_lowered;
	[smem:$0x3FD2] =	sst s25  }
0xa6: {  	s4 =	sshll.u32 s26, $0x1;
	_ =	strace $0x80000046;
	[dreg:$0x1] =	wrdreg $0xFFFFFFFF  }
0xa7: {  	s28 =	simm.s32 $_size_execute0_lowered;
	s2 =	sadd.s32 s2, s4;
	[dreg:$0x0] =	wrdreg $0x0  }
0xa8: {  	s4 =	sshll.u32 s28, $0x1;
	[dreg:$0x2] =	wrdreg s2  }
0xa9: {  	[dreg:$0x3] =	wrdreg s4  }
0xaa: {  	[dreg:$0x4] =	wrdreg $0xC0  }
0xab: {  	_ =	task [dreg:s6], $0x5FFFF  }
0xac: {  	[dreg:$0x1] =	wrdreg $0xFFFFFFFF  }
0xad: {  	[dreg:$0x0] =	wrdreg $0x60  }
0xae: {  	[dreg:$0x2] =	wrdreg s24  }
0xaf: {  	[dreg:$0x3] =	wrdreg $0x9  }
0xb0: {  	_ =	task.clear_ibuf [dreg:s6], $0x4FFFF;
	_ =	strace $0x90000046  }
0xb1: {  	s29 =	simm.s32 $0x9;
	_ =	strace $0x80000048  }
0xb2: {  	_ =	swait.ge [sflag:s29], $0x1  }
0xb3: {  	[sflag:s29] =	ssyncadd.s32 $0xFFFFFFFF  }
0xb4: {  	_ =	strace $0x90000048  }
0xb5: {  	_ =	sfence  }
0xb6: {  	s30 =	sld [smem:$0x0];
	_ =	sdelay $0x2  }
0xb7: {  	s31 =	sshll.u32 s1, $0xD;
	s1 =	sshrl.u32 s1, $0x2  }
0xb8: {  	s3 =	sand.u32 $0x4000, s31;
	s1 =	sadd.s32 s1, s30  }
0xb9: {  	s0 =	sor.u32 s3, s0;
	s1 =	sshll.u32 s1, $0x11  }
0xba: {  	s0 =	sor.u32 s1, s0  }
0xbb: {  	s0 =	sadd.s32 $0x8F2B, s0  }
0xbc: {  	[sflag:s0] =	ssyncadd.remote.s32 $0x1  }
0xbd: {  	_ =	sfence.sel $0xFFFF  }
0xbe: {  	[dreg:$0x0] =	wrdreg $0xFFFFFFFF;
	(pc) =	sbr.abs _section_cstart, $3  }
0xbf: {  	[dreg:$0x1] =	wrdreg $0xFFFFFFFF  }
0xc0: {  	_ =	task.clear_ibuf [dreg:s6], $0x2FFFF;
	_ =	strace $0x9FFFFFFF  }
0xc1: {  	(tm) =	ssettm $0x7FFFFFFF  }
tec
execute0_lowered:
.L_overlay_start_1:
0x0: {  	(tag) =	ssettag $0x1  }
0x1: {  	s6 =	rddreg [dreg:$0x0]  }
0x2: {  	s0 =	rddreg [dreg:$0x1]  }
0x3: {  	s3 =	srdreg.scid;
	s1 =	stileid.u32;
	s2 =	simm.s32 $0x0  }
0x4: {  	s11 =	simm.s32 $0x2780;
	s12 =	simm.s32 $0x4F00;
	s13 =	simm.s32 $0x7680  }
0x5: {  	s14 =	simm.s32 $0x9E00;
	s5 =	sand.u32 $0x1, s3;
	s30 =	sshll.u32 s1, $0x1  }
0x6: {  	s15 =	simm.s32 $0xC580;
	s16 =	simm.s32 $0x0;
	s3 =	sor.u32 s5, s30  }
0x7: {  	[smem:$0x7FF] =	sst s2;
	s4 =	sadd.s32 $0x1E00, s6;
	s7 =	smul.u32 $0x4E2, s3  }
0x8: {  	_ =	strace $0x80000047;
	s8 =	ssub.s32 $0x2, s5;
	s5 =	sadd.s32 $0x1800, s6  }
0x9: {  	s3 =	sadd.s32 $0x2400, s6;
	s31 =	sshrl.u32 s8, $0x1;
	s9 =	sadd.s32 s7, s6  }
0xa: {  	s10 =	ssub.s32 s8, s31;
	s6 =	sadd.s32 $0xC800, s9;
	s7 =	sadd.s32 $0x2A00, s9  }
0xb: {  	s8 =	sadd.s32 $0x16600, s9;
	s9 =	smax.u32 s10, $0x1;
	s10 =	simm.s32 $0x1  }
.LBB2_1:
0xc: {  	[tilespmem:s2], [sflag:$0x1] =	stream.linear.gather [hbm4b:s3+s2], $0x2780, $0x38;
	[tilespmem:$0xED00] =	vst v63  }
0xd: {  	_ =	swait.ge [sflag:s10], $0x2780  }
0xe: {  	[sflag:s10] =	ssyncset.done $0x0  }
0xf: {  	[sflag:s10] =	ssyncadd.s32 $0xFFFFD880  }
0x10: {  	[tilespmem:s11], [sflag:$0x1] =	stream.linear.gather [hbm4b:s4+s2], $0x2780, $0x38;
	[tilespmem:$0xED00] =	vst v63  }
0x11: {  	_ =	swait.ge [sflag:s10], $0x2780  }
0x12: {  	[sflag:s10] =	ssyncset.done $0x0  }
0x13: {  	[sflag:s10] =	ssyncadd.s32 $0xFFFFD880  }
0x14: {  	[tilespmem:s12], [sflag:$0x1] =	stream.linear.gather [hbm4b:s5+s2], $0x2780, $0x38;
	[tilespmem:$0xED00] =	vst v63  }
0x15: {  	_ =	swait.ge [sflag:s10], $0x2780  }
0x16: {  	[sflag:s10] =	ssyncset.done $0x0  }
0x17: {  	[sflag:s10] =	ssyncadd.s32 $0xFFFFD880  }
0x18: {  	[tilespmem:s13], [sflag:$0x1] =	stream.linear.gather [hbm4b:s6+s2], $0x2710, $0x38;
	[tilespmem:$0xED00] =	vst v63  }
0x19: {  	_ =	swait.ge [sflag:s10], $0x2710  }
0x1a: {  	[sflag:s10] =	ssyncset.done $0x0  }
0x1b: {  	[sflag:s10] =	ssyncadd.s32 $0xFFFFD8F0  }
0x1c: {  	[tilespmem:s14], [sflag:$0x1] =	stream.linear.gather [hbm4b:s7+s2], $0x2710, $0x38;
	[tilespmem:$0xED00] =	vst v63  }
0x1d: {  	_ =	swait.ge [sflag:s10], $0x2710  }
0x1e: {  	[sflag:s10] =	ssyncset.done $0x0  }
0x1f: {  	s17 =	simm.s32 $0x0;
	[sflag:s10] =	ssyncadd.s32 $0xFFFFD8F0  }
0x20: {  	v0 =	vld [tilespmem:s17+$0x9E00]  }
0x21: {  	v1 =	vld [tilespmem:s17+$0x7680];
	_ =	sdelay $0x6  }
0x22: {  	v2 =	vld.idx.msk [tilespmem:v0+s2+$0x0], $0xffff  }
0x23: {  	v3 =	vld.idx.msk [tilespmem:v1+s2+$0x0], $0xffff  }
0x24: {  	v4 =	vld.idx.msk [tilespmem:v1+s11+$0x0], $0xffff  }
0x25: {  	v5 =	vld.idx.msk [tilespmem:v0+s11+$0x0], $0xffff  }
0x26: {  	v1 =	vld.idx.msk [tilespmem:v1+s12+$0x0], $0xffff  }
0x27: {  	v0 =	vld.idx.msk [tilespmem:v0+s12+$0x0], $0xffff;
	_ =	sdelay $0x2  }
0x28: {  	v2 =	vsub.f32 v3, v2;
	v3 =	vsub.f32 v4, v5;
	_ =	sdelay $0x1  }
0x29: {  	s18 =	simm.s32 $0x10;
	v4 =	vsub.f32 v1, v0;
	v2 =	vmul.f32 v2, v2;
	v3 =	vmul.f32 v3, v3  }
0x2a: {  	v0 =	vld [tilespmem:s18+$0x9E00]  }
0x2b: {  	v1 =	vld [tilespmem:s18+$0x7680];
	v2 =	vadd.f32 v3, v2;
	v3 =	vmul.f32 v4, v4  }
0x2c: {  	s19 =	simm.s32 $0x80  }
.LBB2_2:
0x2d: {  	p0 =	sne.s32 s19, $0x9C00;
	v2 =	vadd.f32 v3, v2;
	_ =	sdelay $0x1  }
0x2e: {  	v2 =	vadd.f32 $9.999999960e-13, v2;
	_ =	sdelay $0x1  }
0x2f: {  	[tilespmem:s17+$0xC580] =	vst v2;
	s17 =	smov.u32 s18  }
0x30: {  	v2 =	vld.idx.msk [tilespmem:v0+s2+$0x0], $0xffff  }
0x31: {  	v3 =	vld.idx.msk [tilespmem:v1+s2+$0x0], $0xffff  }
0x32: {  	v4 =	vld.idx.msk [tilespmem:v1+s11+$0x0], $0xffff  }
0x33: {  	v5 =	vld.idx.msk [tilespmem:v0+s11+$0x0], $0xffff  }
0x34: {  	v1 =	vld.idx.msk [tilespmem:v1+s12+$0x0], $0xffff  }
0x35: {  	v0 =	vld.idx.msk [tilespmem:v0+s12+$0x0], $0xffff;
	_ =	sdelay $0x3  }
0x36: {  	v2 =	vsub.f32 v3, v2;
	v3 =	vsub.f32 v4, v5  }
.Ltmp0:
0x37: {  	(pc) =	sbr.rel @p0 .LBB2_2-.Ltmp0, $4  }
0x38: {  	s18 =	sshra.s32 s19, $0x2;
	v2 =	vmul.f32 v2, v2;
	v4 =	vsub.f32 v1, v0;
	v3 =	vmul.f32 v3, v3  }
0x39: {  	v0 =	vld [tilespmem:s18+$0x9E00]  }
0x3a: {  	v2 =	vadd.f32 v3, v2;
	v3 =	vmul.f32 v4, v4;
	v1 =	vld [tilespmem:s18+$0x7680]  }
0x3b: {  	s19 =	sadd.s32 $0x40, s19  }
0x3c: {  	_ = 	snop  }
0x3d: {  	v2 =	vadd.f32 v3, v2;
	_ =	sdelay $0x1  }
0x3e: {  	v2 =	vadd.f32 $9.999999960e-13, v2;
	_ =	sdelay $0x1  }
0x3f: {  	[tilespmem:s17+$0xC580] =	vst v2  }
0x40: {  	v2 =	vld.idx.msk [tilespmem:v0+s2+$0x0], $0xffff  }
0x41: {  	v58 =	vld.idx.msk [tilespmem:v1+s2+$0x0], $0xffff  }
0x42: {  	v4 =	vld.idx.msk [tilespmem:v1+s11+$0x0], $0xffff  }
0x43: {  	v5 =	vld.idx.msk [tilespmem:v0+s11+$0x0], $0xffff  }
0x44: {  	v59 =	vld.idx.msk [tilespmem:v1+s12+$0x0], $0xffff  }
0x45: {  	v60 =	vld.idx.msk [tilespmem:v0+s12+$0x0], $0xffff;
	_ =	sdelay $0x2  }
0x46: {  	v2 =	vsub.f32 v58, v2;
	v61 =	vsub.f32 v4, v5;
	_ =	sdelay $0x1  }
0x47: {  	v0 =	vsub.f32 v59, v60;
	v62 =	vmul.f32 v2, v2;
	v63 =	vmul.f32 v61, v61;
	_ =	sdelay $0x1  }
0x48: {  	v0 =	vmul.f32 v0, v0;
	v1 =	vadd.f32 v63, v62;
	_ =	sdelay $0x1  }
0x49: {  	v0 =	vadd.f32 v0, v1;
	_ =	sdelay $0x1  }
0x4a: {  	s16 =	sadd.s32 $0x1, s16;
	v0 =	vadd.f32 $9.999999960e-13, v0  }
0x4b: {  	p0 =	sne.s32 s16, s9  }
.Ltmp1:
0x4c: {  	[tilespmem:s18+$0xC580] =	vst v0;
	(pc) =	sbr.rel @p0 .LBB2_1-.Ltmp1, $4  }
0x4d: {  	[hbm4b:s8+s2] =	stream.linear.scatter [tilespmem:s15], [sflag:$0x1], $0x2710, $0x38;
	[tilespmem:$0xED00] =	vst v63  }
0x4e: {  	_ =	swait.ge [sflag:s10], $0x2710  }
0x4f: {  	[sflag:s10] =	ssyncset.done $0x0  }
0x50: {  	[sflag:s10] =	ssyncadd.s32 $0xFFFFD8F0  }
0x51: {  	_ =	sfence.sel $0x180000  }
0x52: {  	[bflag:$0x0] =	sbarrier.arrive $0xFFFF  }
0x53: {  	p0 =	sne.s32 s1, $0x0;
	_ =	strace $0x90000047  }
0x54: {  	s0 =	sadd.s32 @!p0 $0x100000, s0;
	[bflag:$0x2] =	sbarrier.arrive $0xFFFF  }
0x55: {  	[sflag:s0] =	ssyncadd.tile.s32 @!p0 $0x1;
	_ =	shalt  }
.Lfunc_end2:
_tile_overlayer_lowered:
.L_overlay_start_2:
0x56: {  	(tag) =	ssettag $0x2  }
0x57: {  	s0 =	rddreg [dreg:$0x0];
	s2 =	stileid.u32  }
0x58: {  	s1 =	rddreg [dreg:$0x1];
	p0 =	sne.s32 s2, $0x0  }
0x59: {  	s3 =	rddreg [dreg:$0x2];
	[bflag:$0x3] =	sbarrier.arrive $0xFFFF;
	s2 =	simm.s32 @!p0 $0x1C01  }
0x5a: {  	[timem:s3], [sflag:s2] =	dma.local @!p0 [hbm:s0], s1  }
0x5b: {  	s0 =	simm.s32 @!p0 $0x1  }
0x5c: {  	_ =	swait.ge @!p0 [sflag:s0], s1  }
0x5d: {  	s1 =	ssub.s32 @!p0 $0x0, s1;
	[sflag:s0] =	ssyncset.done @!p0 $0x0  }
0x5e: {  	[sflag:s0] =	ssyncadd.s32 @!p0 s1  }
0x5f: {  	[bflag:$0x3] =	sbarrier.arrive $0xFFFF  }
0x60: {  	_ =	shalt  }

</sc_bundles>
